<compile_context>
chip_gen: v7x
topology: tpu7x:2x2x1
jax: 0.10.2.dev20260603
libtpu: 0.0.44.dev20260713+nightly
codegen_flags: <defaults>
</compile_context>

<pallas_src>
import functools

import numpy as np
import jax
import jax.numpy as jnp
from jax import lax
from jax.experimental import pallas as pl
from jax.experimental.pallas import tpu as pltpu
from jax.experimental.pallas import tpu_sc as plsc

TOPK = 5
MAX_CANDIDATES = 32
MAX_LAG_CAP = 168

PADB = 256
T = 1024
T1 = 1024


def _mean_kernel(x_ref, out_ref):
    out_ref[0, 0, :] = jnp.sum(x_ref[0], axis=-1) * (1.0 / x_ref.shape[2])


def _score_topk_kernel(lags_arr, m_ref, w_ref):
    B, L = m_ref.shape
    num = lags_arr.shape[0]
    m = m_ref[...]
    cols = []
    for j in range(num):
        lag = int(lags_arr[j])
        prod = m[:, : L - lag] * m[:, lag:]
        cols.append(jnp.sum(prod, axis=1, keepdims=True) * (1.0 / (L - lag)))
    scores = jnp.concatenate(cols, axis=1)

    iota = lax.broadcasted_iota(jnp.int32, (B, num), 1)
    neg_big = jnp.float32(-3.0e38)
    vals = []
    sel_idx = []
    s = scores
    for _ in range(TOPK):
        mx = jnp.max(s, axis=1, keepdims=True)
        idx = jnp.min(jnp.where(s == mx, iota, num), axis=1, keepdims=True)
        sel = iota == idx
        vals.append(mx)
        sel_idx.append(idx)
        s = jnp.where(sel, neg_big, s)
    vals = jnp.concatenate(vals, axis=1)
    idxs = jnp.concatenate(sel_idx, axis=1)
    denom = jnp.sum(vals, axis=1, keepdims=True) + 1e-6
    w = vals / denom
    w_full = jnp.zeros((B, num), jnp.float32)
    for k in range(TOPK):
        w_full = w_full + jnp.where(iota == idxs[:, k : k + 1],
                                    w[:, k : k + 1], 0.0)
    w_ref[...] = w_full


def _sc_scores_body(lags, L, B, m_hbm, part_hbm, mpad, svec):
    num = len(lags)
    npad = mpad.shape[0]
    c = lax.axis_index("c")
    s = lax.axis_index("s")
    b = 2 * c + s // 8
    q = s % 8

    pltpu.sync_copy(m_hbm.at[b], mpad.at[pl.ds(0, L)])
    zeros16 = jnp.zeros((16,), jnp.float32)
    for k in range((npad - L) // 16):
        mpad[pl.ds(L + 16 * k, 16)] = zeros16

    jidx = [q * 4 + k for k in range(4)]
    lag_k = []
    inv_k = []
    for k in range(4):
        lag = jnp.int32(0)
        inv = jnp.float32(0.0)
        for j in range(num):
            lag = jnp.where(jidx[k] == j, jnp.int32(int(lags[j])), lag)
            inv = jnp.where(jidx[k] == j, jnp.float32(1.0 / (L - int(lags[j]))), inv)
        lag_k.append(lag)
        inv_k.append(inv)

    def body(i, accs):
        base = i * 16
        v = mpad[pl.ds(base, 16)]
        return tuple(
            accs[k] + v * mpad[pl.ds(base + lag_k[k], 16)] for k in range(4)
        )

    accs = lax.fori_loop(0, L // 16, body, (zeros16,) * 4)

    iota = lax.iota(jnp.int32, 16)
    h0 = jnp.zeros((16,), jnp.float32)
    h1 = jnp.zeros((16,), jnp.float32)
    for k in range(4):
        sc = jnp.sum(accs[k]) * inv_k[k]
        h0 = jnp.where(iota == jidx[k], sc, h0)
        h1 = jnp.where(iota == jidx[k] - 16, sc, h1)
    svec[pl.ds(0, 16)] = h0
    svec[pl.ds(16, 16)] = h1
    pltpu.sync_copy(svec, part_hbm.at[b, q])


def _sc_topk_body(B, part_hbm, w_hbm, gbuf, svec):
    c = lax.axis_index("c")
    s = lax.axis_index("s")
    b = s * 2 + c

    @pl.when(b < B)
    def _():
        pltpu.sync_copy(part_hbm.at[b], gbuf)
        iota = lax.iota(jnp.int32, 16)
        s0 = jnp.zeros((16,), jnp.float32)
        s1 = jnp.zeros((16,), jnp.float32)
        for qq in range(8):
            s0 = s0 + gbuf[qq, pl.ds(0, 16)]
            s1 = s1 + gbuf[qq, pl.ds(16, 16)]

        neg_big = jnp.float32(-3.0e38)
        vals = []
        idxs = []
        for _ in range(TOPK):
            mx = jnp.maximum(jnp.max(s0), jnp.max(s1))
            i0 = jnp.min(jnp.where(s0 == mx, iota, jnp.int32(99)))
            i1 = jnp.min(jnp.where(s1 == mx, iota + 16, jnp.int32(99)))
            idx = jnp.minimum(i0, i1)
            vals.append(mx)
            idxs.append(idx)
            s0 = jnp.where(iota == idx, neg_big, s0)
            s1 = jnp.where(iota + 16 == idx, neg_big, s1)
        denom = vals[0] + vals[1] + vals[2] + vals[3] + vals[4] + jnp.float32(1e-6)
        v0 = jnp.zeros((16,), jnp.float32)
        v1 = jnp.zeros((16,), jnp.float32)
        for k in range(TOPK):
            v0 = jnp.where(iota == idxs[k], vals[k], v0)
            v1 = jnp.where(iota + 16 == idxs[k], vals[k], v1)
        dv = jnp.full((16,), denom, jnp.float32)
        svec[pl.ds(0, 16)] = v0 / dv
        svec[pl.ds(16, 16)] = v1 / dv
        pltpu.sync_copy(svec, w_hbm.at[b])


def _agg_kernel(lags_arr, w_ref, prev_ref, cur_ref, out_ref):
    b = pl.program_id(0)
    out_ref[0] = jnp.zeros_like(out_ref)[0]
    for j in range(lags_arr.shape[0]):
        lag = int(lags_arr[j])
        wj = w_ref[b, j]

        @pl.when(wj != 0.0)
        def _(lag=lag, wj=wj):
            head = prev_ref[0, PADB - lag : PADB, :]
            tail = cur_ref[0, 0 : T - lag, :]
            out_ref[0] += wj * jnp.concatenate([head, tail], axis=0)


@jax.jit
def kernel(x):
    B, L, D = x.shape
    assert L % T == 0 and L % PADB == 0 and T % PADB == 0

    max_lag = min(L - 1, MAX_LAG_CAP)
    num = min(max_lag, MAX_CANDIDATES)
    lags_np = np.linspace(1.0, float(max_lag), num=num).astype(np.int64)

    x_mean = pl.pallas_call(
        _mean_kernel,
        grid=(B, L // T1),
        in_specs=[pl.BlockSpec((1, T1, D), lambda b, t: (b, t, 0))],
        out_specs=pl.BlockSpec((1, 1, T1), lambda b, t: (b, 0, t)),
        out_shape=jax.ShapeDtypeStruct((B, 1, L), jnp.float32),
    )(x)
    x_mean = x_mean.reshape(B, L)

    npad = L + ((MAX_LAG_CAP + 31) // 16) * 16
    sc_mesh = plsc.VectorSubcoreMesh(core_axis_name="c", subcore_axis_name="s")
    sc_params = pltpu.CompilerParams(needs_layout_passes=False)
    parts = pl.kernel(
        functools.partial(_sc_scores_body, [int(v) for v in lags_np], L, B),
        out_type=jax.ShapeDtypeStruct((B, 8, num), jnp.float32),
        mesh=sc_mesh,
        compiler_params=sc_params,
        scratch_types=[
            pltpu.VMEM((npad,), jnp.float32),
            pltpu.VMEM((num,), jnp.float32),
        ],
    )(x_mean)
    w32 = pl.kernel(
        functools.partial(_sc_topk_body, B),
        out_type=jax.ShapeDtypeStruct((B, num), jnp.float32),
        mesh=sc_mesh,
        compiler_params=sc_params,
        scratch_types=[
            pltpu.VMEM((8, num), jnp.float32),
            pltpu.VMEM((num,), jnp.float32),
        ],
    )(parts)

    NPB = L // PADB
    R = T // PADB
    out = pl.pallas_call(
        functools.partial(_agg_kernel, lags_np),
        grid=(B, L // T),
        in_specs=[
            pl.BlockSpec(memory_space=pltpu.SMEM),
            pl.BlockSpec((1, PADB, D), lambda b, t: (b, (t * R - 1) % NPB, 0)),
            pl.BlockSpec((1, T, D), lambda b, t: (b, t, 0)),
        ],
        out_specs=pl.BlockSpec((1, T, D), lambda b, t: (b, t, 0)),
        out_shape=jax.ShapeDtypeStruct((B, L, D), jnp.float32),
    )(w32, x, x)
    return out

# --- scband reference (transcript-rebuilt; emitter-appended) ---
"""Pipeline reference for scband-auto-correlation-lite-29781303231199 (READ-ONLY COPY).

The authoritative reference and input builder live on the scoring server;
editing this copy changes nothing except your own understanding.
"""

import jax, jax.numpy as jnp
import numpy as np

TOPK = 5
MAX_CANDIDATES = 32
MAX_LAG_CAP = 168


def setup_inputs(seed: int = 0) -> dict:
    key = jax.random.key(seed)
    x = jax.random.normal(key, (4, 4096, 1024), dtype=jnp.float32)
    return {"x": x}


def reference(x):
    B, L, D = x.shape
    if L < 3:
        return x
    x_mean = x.mean(axis=-1)  # [B, L]
    max_lag = min(L - 1, MAX_LAG_CAP)
    num = min(max_lag, MAX_CANDIDATES)
    if num <= 0:
        return x
    # torch.linspace(..., dtype=torch.long) truncates the float linspace toward zero
    lags_np = np.linspace(1.0, float(max_lag), num=num).astype(np.int64)
    scores = []
    for lag in lags_np:
        lag = int(lag)
        a = x_mean[:, :-lag]
        b = x_mean[:, lag:]
        scores.append((a * b).mean(axis=1))
    scores = jnp.stack(scores, axis=1)  # [B, num]
    k = min(TOPK, scores.shape[1])
    vals, idx = jax.lax.top_k(scores, k)  # [B, k]
    lags_j = jnp.asarray(lags_np)
    sel_lags = jnp.take(lags_j, idx)  # [B, k]
    denom = vals.sum(axis=1, keepdims=True) + 1e-06
    w = vals / denom  # [B, k]

    def per_batch(xb, shifts, ws):
        out_b = jnp.zeros_like(xb)
        for j in range(k):
            out_b = out_b + ws[j] * jnp.roll(xb, shifts[j], axis=0)
        return out_b

    out = jax.vmap(per_batch)(x, sel_lags, w)
    return out

if __name__ == "__main__":
    import jax
    _d = setup_inputs()
    print(jax.jit(kernel)(*tuple(_d.values())))

</pallas_src>

<mosaic_0001>
#map = affine_map<(d0, d1) -> (0, 0)>
#map1 = affine_map<(d0, d1) -> (0, 0, 0)>
module attributes {stable_mosaic.version = 14 : i64} {
  func.func @_sc_scores_body(%arg0: i32, %arg1: i32, %arg2: memref<4x4096xf32, #tpu.memory_space<hbm>>, %arg3: memref<4x8x32xf32, #tpu.memory_space<hbm>>, %arg4: memref<4288xf32, #tpu.memory_space<vmem>>, %arg5: memref<32xf32, #tpu.memory_space<vmem>>) attributes {dimension_semantics = [#tpu.dimension_semantics<core_parallel>, #tpu.dimension_semantics<subcore_parallel>], iteration_bounds = array<i64: 2, 16>, scalar_prefetch = 0 : i64, scratch_operands = 2 : i64, tpu.core_type = #tpu.core_type<sc_vector_subcore>, window_params = [{transform_indices = #map}, {transform_indices = #map1}]} {
    %mul3A = arith.constant 2 : i32
    %mul3A_0 = arith.muli %mul3A, %arg0 : i32
    %jit3A = arith.constant 8 : i32
    %div3A = arith.divsi %arg1, %jit3A : i32
    %sign3A = arith.constant 0 : i32
    %sign3A_1 = arith.cmpi sgt, %arg1, %sign3A : i32
    %sign3A_2 = arith.extui %sign3A_1 : i1 to i32
    %sign3A_3 = arith.constant 0 : i32
    %sign3A_4 = arith.cmpi slt, %arg1, %sign3A_3 : i32
    %sign3A_5 = arith.extui %sign3A_4 : i1 to i32
    %sign3A_6 = arith.subi %sign3A_2, %sign3A_5 : i32
    %sign3A_7 = arith.constant 0 : i32
    %sign3A_8 = arith.cmpi sgt, %jit3A, %sign3A_7 : i32
    %sign3A_9 = arith.extui %sign3A_8 : i1 to i32
    %sign3A_10 = arith.constant 0 : i32
    %sign3A_11 = arith.cmpi slt, %jit3A, %sign3A_10 : i32
    %sign3A_12 = arith.extui %sign3A_11 : i1 to i32
    %sign3A_13 = arith.subi %sign3A_9, %sign3A_12 : i32
    %ne3A = arith.cmpi ne, %sign3A_6, %sign3A_13 : i32
    %rem3A = arith.remsi %arg1, %jit3A : i32
    %ne3A_14 = arith.constant 0 : i32
    %ne3A_15 = arith.cmpi ne, %rem3A, %ne3A_14 : i32
    %and3A = arith.andi %ne3A, %ne3A_15 : i1
    %sub3A = arith.constant 1 : i32
    %sub3A_16 = arith.subi %div3A, %sub3A : i32
    %select_n3A = arith.select %and3A, %sub3A_16, %div3A : i32
    %add3A = arith.addi %mul3A_0, %select_n3A : i32
    %jit3A_17 = arith.constant 8 : i32
    %eq3A = arith.constant 0 : i32
    %eq3A_18 = arith.cmpi eq, %jit3A_17, %eq3A : i32
    %jit3A_19 = arith.constant 1 : i32
    %select_n3A_20 = arith.select %eq3A_18, %jit3A_19, %jit3A_17 : i32
    %rem3A_21 = arith.remsi %arg1, %select_n3A_20 : i32
    %ne3A_22 = arith.constant 0 : i32
    %ne3A_23 = arith.cmpi ne, %rem3A_21, %ne3A_22 : i32
    %lt3A = arith.constant 0 : i32
    %lt3A_24 = arith.cmpi slt, %rem3A_21, %lt3A : i32
    %lt3A_25 = arith.constant 0 : i32
    %lt3A_26 = arith.cmpi slt, %select_n3A_20, %lt3A_25 : i32
    %ne3A_27 = arith.xori %lt3A_24, %lt3A_26 : i1
    %and3A_28 = arith.andi %ne3A_27, %ne3A_23 : i1
    %add3A_29 = arith.addi %rem3A_21, %select_n3A_20 : i32
    %select_n3A_30 = arith.select %and3A_28, %add3A_29, %rem3A_21 : i32
    "tpu.region"() ({
      %run_scoped3A = tpu.sem_alloc : memref<!tpu.dma_semaphore, #tpu.memory_space<semaphore_mem>>
      %dma_start3A = arith.constant 0 : i32
      %dma_start3A_1175 = tpu.memref_slice %arg4[%dma_start3A] : memref<4288xf32, #tpu.memory_space<vmem>> -> memref<4096xf32, #tpu.memory_space<vmem>>
      %dma_start3A_1176 = arith.constant 0 : i32
      %dma_start3A_1177 = tpu.memref_slice %arg2[%add3A, %dma_start3A_1176] : memref<4x4096xf32, #tpu.memory_space<hbm>> -> memref<1x4096xf32, #tpu.memory_space<hbm>>
      %dma_start3A_1178 = tpu.memref_squeeze %dma_start3A_1177 : memref<1x4096xf32, #tpu.memory_space<hbm>> -> memref<4096xf32, #tpu.memory_space<hbm>>
      %dma_start3A_1179 = arith.constant 0 : i32
      %dma_start3A_1180 = tpu.memref_slice %arg4[%dma_start3A_1179] : memref<4288xf32, #tpu.memory_space<vmem>> -> memref<4096xf32, #tpu.memory_space<vmem>>
      %dma_start3A_1181 = arith.constant 0 : i32
      %dma_start3A_1182 = tpu.memref_slice %arg2[%add3A, %dma_start3A_1181] : memref<4x4096xf32, #tpu.memory_space<hbm>> -> memref<1x4096xf32, #tpu.memory_space<hbm>>
      %dma_start3A_1183 = tpu.memref_squeeze %dma_start3A_1182 : memref<1x4096xf32, #tpu.memory_space<hbm>> -> memref<4096xf32, #tpu.memory_space<hbm>>
      tpu.enqueue_dma source(%dma_start3A_1183 : memref<4096xf32, #tpu.memory_space<hbm>>) target(%dma_start3A_1180 : memref<4096xf32, #tpu.memory_space<vmem>>) target_semaphore(%run_scoped3A : memref<!tpu.dma_semaphore, #tpu.memory_space<semaphore_mem>>)
      %dma_wait3A = arith.constant 0 : i32
      %dma_wait3A_1184 = tpu.memref_slice %arg4[%dma_wait3A] : memref<4288xf32, #tpu.memory_space<vmem>> -> memref<4096xf32, #tpu.memory_space<vmem>>
      %dma_wait3A_1185 = arith.constant 0 : i32
      %dma_wait3A_1186 = tpu.memref_slice %arg2[%add3A, %dma_wait3A_1185] : memref<4x4096xf32, #tpu.memory_space<hbm>> -> memref<1x4096xf32, #tpu.memory_space<hbm>>
      %dma_wait3A_1187 = tpu.memref_squeeze %dma_wait3A_1186 : memref<1x4096xf32, #tpu.memory_space<hbm>> -> memref<4096xf32, #tpu.memory_space<hbm>>
      %dma_wait3A_1188 = arith.constant 0 : i32
      %dma_wait3A_1189 = tpu.memref_slice %arg4[%dma_wait3A_1188] : memref<4288xf32, #tpu.memory_space<vmem>> -> memref<4096xf32, #tpu.memory_space<vmem>>
      %dma_wait3A_1190 = arith.constant 0 : i32
      %dma_wait3A_1191 = tpu.memref_slice %arg2[%add3A, %dma_wait3A_1190] : memref<4x4096xf32, #tpu.memory_space<hbm>> -> memref<1x4096xf32, #tpu.memory_space<hbm>>
      %dma_wait3A_1192 = tpu.memref_squeeze %dma_wait3A_1191 : memref<1x4096xf32, #tpu.memory_space<hbm>> -> memref<4096xf32, #tpu.memory_space<hbm>>
      tpu.wait_dma2 semaphore(%run_scoped3A : memref<!tpu.dma_semaphore, #tpu.memory_space<semaphore_mem>>) src(%dma_wait3A_1192 : memref<4096xf32, #tpu.memory_space<hbm>>) dst(%dma_wait3A_1189 : memref<4096xf32, #tpu.memory_space<vmem>>)
      tpu.yield
    }) : () -> ()
    %broadcast_in_dim3A = arith.constant 0.000000e+00 : f32
    %broadcast_in_dim3A_31 = vector.broadcast %broadcast_in_dim3A : f32 to vector<16xf32>
    %swap3A = arith.constant 4096 : index
    %swap3A_32 = tpu.vector_load %arg4[%swap3A] {strides = array<i32>} : memref<4288xf32, #tpu.memory_space<vmem>>, vector<16xf32>,
    tpu.vector_store %arg4[%swap3A], %broadcast_in_dim3A_31 {strides = array<i32>} : memref<4288xf32, #tpu.memory_space<vmem>>, vector<16xf32>,
    %swap3A_33 = arith.constant 4112 : index
    %swap3A_34 = tpu.vector_load %arg4[%swap3A_33] {strides = array<i32>} : memref<4288xf32, #tpu.memory_space<vmem>>, vector<16xf32>,
    tpu.vector_store %arg4[%swap3A_33], %broadcast_in_dim3A_31 {strides = array<i32>} : memref<4288xf32, #tpu.memory_space<vmem>>, vector<16xf32>,
    %swap3A_35 = arith.constant 4128 : index
    %swap3A_36 = tpu.vector_load %arg4[%swap3A_35] {strides = array<i32>} : memref<4288xf32, #tpu.memory_space<vmem>>, vector<16xf32>,
    tpu.vector_store %arg4[%swap3A_35], %broadcast_in_dim3A_31 {strides = array<i32>} : memref<4288xf32, #tpu.memory_space<vmem>>, vector<16xf32>,
    %swap3A_37 = arith.constant 4144 : index
    %swap3A_38 = tpu.vector_load %arg4[%swap3A_37] {strides = array<i32>} : memref<4288xf32, #tpu.memory_space<vmem>>, vector<16xf32>,
    tpu.vector_store %arg4[%swap3A_37], %broadcast_in_dim3A_31 {strides = array<i32>} : memref<4288xf32, #tpu.memory_space<vmem>>, vector<16xf32>,
    %swap3A_39 = arith.constant 4160 : index
    %swap3A_40 = tpu.vector_load %arg4[%swap3A_39] {strides = array<i32>} : memref<4288xf32, #tpu.memory_space<vmem>>, vector<16xf32>,
    tpu.vector_store %arg4[%swap3A_39], %broadcast_in_dim3A_31 {strides = array<i32>} : memref<4288xf32, #tpu.memory_space<vmem>>, vector<16xf32>,
    %swap3A_41 = arith.constant 4176 : index
    %swap3A_42 = tpu.vector_load %arg4[%swap3A_41] {strides = array<i32>} : memref<4288xf32, #tpu.memory_space<vmem>>, vector<16xf32>,
    tpu.vector_store %arg4[%swap3A_41], %broadcast_in_dim3A_31 {strides = array<i32>} : memref<4288xf32, #tpu.memory_space<vmem>>, vector<16xf32>,
    %swap3A_43 = arith.constant 4192 : index
    %swap3A_44 = tpu.vector_load %arg4[%swap3A_43] {strides = array<i32>} : memref<4288xf32, #tpu.memory_space<vmem>>, vector<16xf32>,
    tpu.vector_store %arg4[%swap3A_43], %broadcast_in_dim3A_31 {strides = array<i32>} : memref<4288xf32, #tpu.memory_space<vmem>>, vector<16xf32>,
    %swap3A_45 = arith.constant 4208 : index
    %swap3A_46 = tpu.vector_load %arg4[%swap3A_45] {strides = array<i32>} : memref<4288xf32, #tpu.memory_space<vmem>>, vector<16xf32>,
    tpu.vector_store %arg4[%swap3A_45], %broadcast_in_dim3A_31 {strides = array<i32>} : memref<4288xf32, #tpu.memory_space<vmem>>, vector<16xf32>,
    %swap3A_47 = arith.constant 4224 : index
    %swap3A_48 = tpu.vector_load %arg4[%swap3A_47] {strides = array<i32>} : memref<4288xf32, #tpu.memory_space<vmem>>, vector<16xf32>,
    tpu.vector_store %arg4[%swap3A_47], %broadcast_in_dim3A_31 {strides = array<i32>} : memref<4288xf32, #tpu.memory_space<vmem>>, vector<16xf32>,
    %swap3A_49 = arith.constant 4240 : index
    %swap3A_50 = tpu.vector_load %arg4[%swap3A_49] {strides = array<i32>} : memref<4288xf32, #tpu.memory_space<vmem>>, vector<16xf32>,
    tpu.vector_store %arg4[%swap3A_49], %broadcast_in_dim3A_31 {strides = array<i32>} : memref<4288xf32, #tpu.memory_space<vmem>>, vector<16xf32>,
    %swap3A_51 = arith.constant 4256 : index
    %swap3A_52 = tpu.vector_load %arg4[%swap3A_51] {strides = array<i32>} : memref<4288xf32, #tpu.memory_space<vmem>>, vector<16xf32>,
    tpu.vector_store %arg4[%swap3A_51], %broadcast_in_dim3A_31 {strides = array<i32>} : memref<4288xf32, #tpu.memory_space<vmem>>, vector<16xf32>,
    %swap3A_53 = arith.constant 4272 : index
    %swap3A_54 = tpu.vector_load %arg4[%swap3A_53] {strides = array<i32>} : memref<4288xf32, #tpu.memory_space<vmem>>, vector<16xf32>,
    tpu.vector_store %arg4[%swap3A_53], %broadcast_in_dim3A_31 {strides = array<i32>} : memref<4288xf32, #tpu.memory_space<vmem>>, vector<16xf32>,
    %mul3A_55 = arith.constant 4 : i32
    %mul3A_56 = arith.muli %select_n3A_30, %mul3A_55 : i32
    %add3A_57 = arith.constant 0 : i32
    %add3A_58 = arith.addi %mul3A_56, %add3A_57 : i32
    %mul3A_59 = arith.constant 4 : i32
    %mul3A_60 = arith.muli %select_n3A_30, %mul3A_59 : i32
    %add3A_61 = arith.constant 1 : i32
    %add3A_62 = arith.addi %mul3A_60, %add3A_61 : i32
    %mul3A_63 = arith.constant 4 : i32
    %mul3A_64 = arith.muli %select_n3A_30, %mul3A_63 : i32
    %add3A_65 = arith.constant 2 : i32
    %add3A_66 = arith.addi %mul3A_64, %add3A_65 : i32
    %mul3A_67 = arith.constant 4 : i32
    %mul3A_68 = arith.muli %select_n3A_30, %mul3A_67 : i32
    %add3A_69 = arith.constant 3 : i32
    %add3A_70 = arith.addi %mul3A_68, %add3A_69 : i32
    %eq3A_71 = arith.constant 0 : i32
    %eq3A_72 = arith.cmpi eq, %add3A_58, %eq3A_71 : i32
    %jit3A_73 = arith.constant 1 : i32
    %jit3A_74 = arith.constant 0 : i32
    %select_n3A_75 = arith.select %eq3A_72, %jit3A_73, %jit3A_74 : i32
    %eq3A_76 = arith.constant 0 : i32
    %eq3A_77 = arith.cmpi eq, %add3A_58, %eq3A_76 : i32
    %jit3A_78 = arith.constant 2.44200259E-4 : f32
    %jit3A_79 = arith.constant 0.000000e+00 : f32
    %select_n3A_80 = arith.select %eq3A_77, %jit3A_78, %jit3A_79 : f32
    %eq3A_81 = arith.constant 1 : i32
    %eq3A_82 = arith.cmpi eq, %add3A_58, %eq3A_81 : i32
    %jit3A_83 = arith.constant 6 : i32
    %select_n3A_84 = arith.select %eq3A_82, %jit3A_83, %select_n3A_75 : i32
    %eq3A_85 = arith.constant 1 : i32
    %eq3A_86 = arith.cmpi eq, %add3A_58, %eq3A_85 : i32
    %jit3A_87 = arith.constant 2.44498777E-4 : f32
    %select_n3A_88 = arith.select %eq3A_86, %jit3A_87, %select_n3A_80 : f32
    %eq3A_89 = arith.constant 2 : i32
    %eq3A_90 = arith.cmpi eq, %add3A_58, %eq3A_89 : i32
    %jit3A_91 = arith.constant 11 : i32
    %select_n3A_92 = arith.select %eq3A_90, %jit3A_91, %select_n3A_84 : i32
    %eq3A_93 = arith.constant 2 : i32
    %eq3A_94 = arith.cmpi eq, %add3A_58, %eq3A_93 : i32
    %jit3A_95 = arith.constant 2.44798051E-4 : f32
    %select_n3A_96 = arith.select %eq3A_94, %jit3A_95, %select_n3A_88 : f32
    %eq3A_97 = arith.constant 3 : i32
    %eq3A_98 = arith.cmpi eq, %add3A_58, %eq3A_97 : i32
    %jit3A_99 = arith.constant 17 : i32
    %select_n3A_100 = arith.select %eq3A_98, %jit3A_99, %select_n3A_92 : i32
    %eq3A_101 = arith.constant 3 : i32
    %eq3A_102 = arith.cmpi eq, %add3A_58, %eq3A_101 : i32
    %jit3A_103 = arith.constant 2.45158124E-4 : f32
    %select_n3A_104 = arith.select %eq3A_102, %jit3A_103, %select_n3A_96 : f32
    %eq3A_105 = arith.constant 4 : i32
    %eq3A_106 = arith.cmpi eq, %add3A_58, %eq3A_105 : i32
    %jit3A_107 = arith.constant 22 : i32
    %select_n3A_108 = arith.select %eq3A_106, %jit3A_107, %select_n3A_100 : i32
    %eq3A_109 = arith.constant 4 : i32
    %eq3A_110 = arith.cmpi eq, %add3A_58, %eq3A_109 : i32
    %jit3A_111 = arith.constant 2.454590e-04 : f32
    %select_n3A_112 = arith.select %eq3A_110, %jit3A_111, %select_n3A_104 : f32
    %eq3A_113 = arith.constant 5 : i32
    %eq3A_114 = arith.cmpi eq, %add3A_58, %eq3A_113 : i32
    %jit3A_115 = arith.constant 27 : i32
    %select_n3A_116 = arith.select %eq3A_114, %jit3A_115, %select_n3A_108 : i32
    %eq3A_117 = arith.constant 5 : i32
    %eq3A_118 = arith.cmpi eq, %add3A_58, %eq3A_117 : i32
    %jit3A_119 = arith.constant 2.45760632E-4 : f32
    %select_n3A_120 = arith.select %eq3A_118, %jit3A_119, %select_n3A_112 : f32
    %eq3A_121 = arith.constant 6 : i32
    %eq3A_122 = arith.cmpi eq, %add3A_58, %eq3A_121 : i32
    %jit3A_123 = arith.constant 33 : i32
    %select_n3A_124 = arith.select %eq3A_122, %jit3A_123, %select_n3A_116 : i32
    %eq3A_125 = arith.constant 6 : i32
    %eq3A_126 = arith.cmpi eq, %add3A_58, %eq3A_125 : i32
    %jit3A_127 = arith.constant 2.46123556E-4 : f32
    %select_n3A_128 = arith.select %eq3A_126, %jit3A_127, %select_n3A_120 : f32
    %eq3A_129 = arith.constant 7 : i32
    %eq3A_130 = arith.cmpi eq, %add3A_58, %eq3A_129 : i32
    %jit3A_131 = arith.constant 38 : i32
    %select_n3A_132 = arith.select %eq3A_130, %jit3A_131, %select_n3A_124 : i32
    %eq3A_133 = arith.constant 7 : i32
    %eq3A_134 = arith.cmpi eq, %add3A_58, %eq3A_133 : i32
    %jit3A_135 = arith.constant 2.46426818E-4 : f32
    %select_n3A_136 = arith.select %eq3A_134, %jit3A_135, %select_n3A_128 : f32
    %eq3A_137 = arith.constant 8 : i32
    %eq3A_138 = arith.cmpi eq, %add3A_58, %eq3A_137 : i32
    %jit3A_139 = arith.constant 44 : i32
    %select_n3A_140 = arith.select %eq3A_138, %jit3A_139, %select_n3A_132 : i32
    %eq3A_141 = arith.constant 8 : i32
    %eq3A_142 = arith.cmpi eq, %add3A_58, %eq3A_141 : i32
    %jit3A_143 = arith.constant 2.46791722E-4 : f32
    %select_n3A_144 = arith.select %eq3A_142, %jit3A_143, %select_n3A_136 : f32
    %eq3A_145 = arith.constant 9 : i32
    %eq3A_146 = arith.cmpi eq, %add3A_58, %eq3A_145 : i32
    %jit3A_147 = arith.constant 49 : i32
    %select_n3A_148 = arith.select %eq3A_146, %jit3A_147, %select_n3A_140 : i32
    %eq3A_149 = arith.constant 9 : i32
    %eq3A_150 = arith.cmpi eq, %add3A_58, %eq3A_149 : i32
    %jit3A_151 = arith.constant 2.47096614E-4 : f32
    %select_n3A_152 = arith.select %eq3A_150, %jit3A_151, %select_n3A_144 : f32
    %eq3A_153 = arith.constant 10 : i32
    %eq3A_154 = arith.cmpi eq, %add3A_58, %eq3A_153 : i32
    %jit3A_155 = arith.constant 54 : i32
    %select_n3A_156 = arith.select %eq3A_154, %jit3A_155, %select_n3A_148 : i32
    %eq3A_157 = arith.constant 10 : i32
    %eq3A_158 = arith.cmpi eq, %add3A_58, %eq3A_157 : i32
    %jit3A_159 = arith.constant 2.47402262E-4 : f32
    %select_n3A_160 = arith.select %eq3A_158, %jit3A_159, %select_n3A_152 : f32
    %eq3A_161 = arith.constant 11 : i32
    %eq3A_162 = arith.cmpi eq, %add3A_58, %eq3A_161 : i32
    %jit3A_163 = arith.constant 60 : i32
    %select_n3A_164 = arith.select %eq3A_162, %jit3A_163, %select_n3A_156 : i32
    %eq3A_165 = arith.constant 11 : i32
    %eq3A_166 = arith.cmpi eq, %add3A_58, %eq3A_165 : i32
    %jit3A_167 = arith.constant 2.47770076E-4 : f32
    %select_n3A_168 = arith.select %eq3A_166, %jit3A_167, %select_n3A_160 : f32
    %eq3A_169 = arith.constant 12 : i32
    %eq3A_170 = arith.cmpi eq, %add3A_58, %eq3A_169 : i32
    %jit3A_171 = arith.constant 65 : i32
    %select_n3A_172 = arith.select %eq3A_170, %jit3A_171, %select_n3A_164 : i32
    %eq3A_173 = arith.constant 12 : i32
    %eq3A_174 = arith.cmpi eq, %add3A_58, %eq3A_173 : i32
    %jit3A_175 = arith.constant 2.48077413E-4 : f32
    %select_n3A_176 = arith.select %eq3A_174, %jit3A_175, %select_n3A_168 : f32
    %eq3A_177 = arith.constant 13 : i32
    %eq3A_178 = arith.cmpi eq, %add3A_58, %eq3A_177 : i32
    %jit3A_179 = arith.constant 71 : i32
    %select_n3A_180 = arith.select %eq3A_178, %jit3A_179, %select_n3A_172 : i32
    %eq3A_181 = arith.constant 13 : i32
    %eq3A_182 = arith.cmpi eq, %add3A_58, %eq3A_181 : i32
    %jit3A_183 = arith.constant 2.48447206E-4 : f32
    %select_n3A_184 = arith.select %eq3A_182, %jit3A_183, %select_n3A_176 : f32
    %eq3A_185 = arith.constant 14 : i32
    %eq3A_186 = arith.cmpi eq, %add3A_58, %eq3A_185 : i32
    %jit3A_187 = arith.constant 76 : i32
    %select_n3A_188 = arith.select %eq3A_186, %jit3A_187, %select_n3A_180 : i32
    %eq3A_189 = arith.constant 14 : i32
    %eq3A_190 = arith.cmpi eq, %add3A_58, %eq3A_189 : i32
    %jit3A_191 = arith.constant 2.48756231E-4 : f32
    %select_n3A_192 = arith.select %eq3A_190, %jit3A_191, %select_n3A_184 : f32
    %eq3A_193 = arith.constant 15 : i32
    %eq3A_194 = arith.cmpi eq, %add3A_58, %eq3A_193 : i32
    %jit3A_195 = arith.constant 81 : i32
    %select_n3A_196 = arith.select %eq3A_194, %jit3A_195, %select_n3A_188 : i32
    %eq3A_197 = arith.constant 15 : i32
    %eq3A_198 = arith.cmpi eq, %add3A_58, %eq3A_197 : i32
    %jit3A_199 = arith.constant 2.490660e-04 : f32
    %select_n3A_200 = arith.select %eq3A_198, %jit3A_199, %select_n3A_192 : f32
    %eq3A_201 = arith.constant 16 : i32
    %eq3A_202 = arith.cmpi eq, %add3A_58, %eq3A_201 : i32
    %jit3A_203 = arith.constant 87 : i32
    %select_n3A_204 = arith.select %eq3A_202, %jit3A_203, %select_n3A_196 : i32
    %eq3A_205 = arith.constant 16 : i32
    %eq3A_206 = arith.cmpi eq, %add3A_58, %eq3A_205 : i32
    %jit3A_207 = arith.constant 2.49438774E-4 : f32
    %select_n3A_208 = arith.select %eq3A_206, %jit3A_207, %select_n3A_200 : f32
    %eq3A_209 = arith.constant 17 : i32
    %eq3A_210 = arith.cmpi eq, %add3A_58, %eq3A_209 : i32
    %jit3A_211 = arith.constant 92 : i32
    %select_n3A_212 = arith.select %eq3A_210, %jit3A_211, %select_n3A_204 : i32
    %eq3A_213 = arith.constant 17 : i32
    %eq3A_214 = arith.cmpi eq, %add3A_58, %eq3A_213 : i32
    %jit3A_215 = arith.constant 2.49750243E-4 : f32
    %select_n3A_216 = arith.select %eq3A_214, %jit3A_215, %select_n3A_208 : f32
    %eq3A_217 = arith.constant 18 : i32
    %eq3A_218 = arith.cmpi eq, %add3A_58, %eq3A_217 : i32
    %jit3A_219 = arith.constant 97 : i32
    %select_n3A_220 = arith.select %eq3A_218, %jit3A_219, %select_n3A_212 : i32
    %eq3A_221 = arith.constant 18 : i32
    %eq3A_222 = arith.cmpi eq, %add3A_58, %eq3A_221 : i32
    %jit3A_223 = arith.constant 2.50062527E-4 : f32
    %select_n3A_224 = arith.select %eq3A_222, %jit3A_223, %select_n3A_216 : f32
    %eq3A_225 = arith.constant 19 : i32
    %eq3A_226 = arith.cmpi eq, %add3A_58, %eq3A_225 : i32
    %jit3A_227 = arith.constant 103 : i32
    %select_n3A_228 = arith.select %eq3A_226, %jit3A_227, %select_n3A_220 : i32
    %eq3A_229 = arith.constant 19 : i32
    %eq3A_230 = arith.cmpi eq, %add3A_58, %eq3A_229 : i32
    %jit3A_231 = arith.constant 2.50438257E-4 : f32
    %select_n3A_232 = arith.select %eq3A_230, %jit3A_231, %select_n3A_224 : f32
    %eq3A_233 = arith.constant 20 : i32
    %eq3A_234 = arith.cmpi eq, %add3A_58, %eq3A_233 : i32
    %jit3A_235 = arith.constant 108 : i32
    %select_n3A_236 = arith.select %eq3A_234, %jit3A_235, %select_n3A_228 : i32
    %eq3A_237 = arith.constant 20 : i32
    %eq3A_238 = arith.cmpi eq, %add3A_58, %eq3A_237 : i32
    %jit3A_239 = arith.constant 2.50752259E-4 : f32
    %select_n3A_240 = arith.select %eq3A_238, %jit3A_239, %select_n3A_232 : f32
    %eq3A_241 = arith.constant 21 : i32
    %eq3A_242 = arith.cmpi eq, %add3A_58, %eq3A_241 : i32
    %jit3A_243 = arith.constant 114 : i32
    %select_n3A_244 = arith.select %eq3A_242, %jit3A_243, %select_n3A_236 : i32
    %eq3A_245 = arith.constant 21 : i32
    %eq3A_246 = arith.cmpi eq, %add3A_58, %eq3A_245 : i32
    %jit3A_247 = arith.constant 2.51130085E-4 : f32
    %select_n3A_248 = arith.select %eq3A_246, %jit3A_247, %select_n3A_240 : f32
    %eq3A_249 = arith.constant 22 : i32
    %eq3A_250 = arith.cmpi eq, %add3A_58, %eq3A_249 : i32
    %jit3A_251 = arith.constant 119 : i32
    %select_n3A_252 = arith.select %eq3A_250, %jit3A_251, %select_n3A_244 : i32
    %eq3A_253 = arith.constant 22 : i32
    %eq3A_254 = arith.cmpi eq, %add3A_58, %eq3A_253 : i32
    %jit3A_255 = arith.constant 2.51445803E-4 : f32
    %select_n3A_256 = arith.select %eq3A_254, %jit3A_255, %select_n3A_248 : f32
    %eq3A_257 = arith.constant 23 : i32
    %eq3A_258 = arith.cmpi eq, %add3A_58, %eq3A_257 : i32
    %jit3A_259 = arith.constant 124 : i32
    %select_n3A_260 = arith.select %eq3A_258, %jit3A_259, %select_n3A_252 : i32
    %eq3A_261 = arith.constant 23 : i32
    %eq3A_262 = arith.cmpi eq, %add3A_58, %eq3A_261 : i32
    %jit3A_263 = arith.constant 2.51762336E-4 : f32
    %select_n3A_264 = arith.select %eq3A_262, %jit3A_263, %select_n3A_256 : f32
    %eq3A_265 = arith.constant 24 : i32
    %eq3A_266 = arith.cmpi eq, %add3A_58, %eq3A_265 : i32
    %jit3A_267 = arith.constant 130 : i32
    %select_n3A_268 = arith.select %eq3A_266, %jit3A_267, %select_n3A_260 : i32
    %eq3A_269 = arith.constant 24 : i32
    %eq3A_270 = arith.cmpi eq, %add3A_58, %eq3A_269 : i32
    %jit3A_271 = arith.constant 2.52143218E-4 : f32
    %select_n3A_272 = arith.select %eq3A_270, %jit3A_271, %select_n3A_264 : f32
    %eq3A_273 = arith.constant 25 : i32
    %eq3A_274 = arith.cmpi eq, %add3A_58, %eq3A_273 : i32
    %jit3A_275 = arith.constant 135 : i32
    %select_n3A_276 = arith.select %eq3A_274, %jit3A_275, %select_n3A_268 : i32
    %eq3A_277 = arith.constant 25 : i32
    %eq3A_278 = arith.cmpi eq, %add3A_58, %eq3A_277 : i32
    %jit3A_279 = arith.constant 2.52461497E-4 : f32
    %select_n3A_280 = arith.select %eq3A_278, %jit3A_279, %select_n3A_272 : f32
    %eq3A_281 = arith.constant 26 : i32
    %eq3A_282 = arith.cmpi eq, %add3A_58, %eq3A_281 : i32
    %jit3A_283 = arith.constant 141 : i32
    %select_n3A_284 = arith.select %eq3A_282, %jit3A_283, %select_n3A_276 : i32
    %eq3A_285 = arith.constant 26 : i32
    %eq3A_286 = arith.cmpi eq, %add3A_58, %eq3A_285 : i32
    %jit3A_287 = arith.constant 2.52844504E-4 : f32
    %select_n3A_288 = arith.select %eq3A_286, %jit3A_287, %select_n3A_280 : f32
    %eq3A_289 = arith.constant 27 : i32
    %eq3A_290 = arith.cmpi eq, %add3A_58, %eq3A_289 : i32
    %jit3A_291 = arith.constant 146 : i32
    %select_n3A_292 = arith.select %eq3A_290, %jit3A_291, %select_n3A_284 : i32
    %eq3A_293 = arith.constant 27 : i32
    %eq3A_294 = arith.cmpi eq, %add3A_58, %eq3A_293 : i32
    %jit3A_295 = arith.constant 2.53164559E-4 : f32
    %select_n3A_296 = arith.select %eq3A_294, %jit3A_295, %select_n3A_288 : f32
    %eq3A_297 = arith.constant 28 : i32
    %eq3A_298 = arith.cmpi eq, %add3A_58, %eq3A_297 : i32
    %jit3A_299 = arith.constant 151 : i32
    %select_n3A_300 = arith.select %eq3A_298, %jit3A_299, %select_n3A_292 : i32
    %eq3A_301 = arith.constant 28 : i32
    %eq3A_302 = arith.cmpi eq, %add3A_58, %eq3A_301 : i32
    %jit3A_303 = arith.constant 2.53485428E-4 : f32
    %select_n3A_304 = arith.select %eq3A_302, %jit3A_303, %select_n3A_296 : f32
    %eq3A_305 = arith.constant 29 : i32
    %eq3A_306 = arith.cmpi eq, %add3A_58, %eq3A_305 : i32
    %jit3A_307 = arith.constant 157 : i32
    %select_n3A_308 = arith.select %eq3A_306, %jit3A_307, %select_n3A_300 : i32
    %eq3A_309 = arith.constant 29 : i32
    %eq3A_310 = arith.cmpi eq, %add3A_58, %eq3A_309 : i32
    %jit3A_311 = arith.constant 2.53871549E-4 : f32
    %select_n3A_312 = arith.select %eq3A_310, %jit3A_311, %select_n3A_304 : f32
    %eq3A_313 = arith.constant 30 : i32
    %eq3A_314 = arith.cmpi eq, %add3A_58, %eq3A_313 : i32
    %jit3A_315 = arith.constant 162 : i32
    %select_n3A_316 = arith.select %eq3A_314, %jit3A_315, %select_n3A_308 : i32
    %eq3A_317 = arith.constant 30 : i32
    %eq3A_318 = arith.cmpi eq, %add3A_58, %eq3A_317 : i32
    %jit3A_319 = arith.constant 2.54194194E-4 : f32
    %select_n3A_320 = arith.select %eq3A_318, %jit3A_319, %select_n3A_312 : f32
    %eq3A_321 = arith.constant 31 : i32
    %eq3A_322 = arith.cmpi eq, %add3A_58, %eq3A_321 : i32
    %jit3A_323 = arith.constant 168 : i32
    %select_n3A_324 = arith.select %eq3A_322, %jit3A_323, %select_n3A_316 : i32
    %eq3A_325 = arith.constant 31 : i32
    %eq3A_326 = arith.cmpi eq, %add3A_58, %eq3A_325 : i32
    %jit3A_327 = arith.constant 2.54582497E-4 : f32
    %select_n3A_328 = arith.select %eq3A_326, %jit3A_327, %select_n3A_320 : f32
    %eq3A_329 = arith.constant 0 : i32
    %eq3A_330 = arith.cmpi eq, %add3A_62, %eq3A_329 : i32
    %jit3A_331 = arith.constant 1 : i32
    %jit3A_332 = arith.constant 0 : i32
    %select_n3A_333 = arith.select %eq3A_330, %jit3A_331, %jit3A_332 : i32
    %eq3A_334 = arith.constant 0 : i32
    %eq3A_335 = arith.cmpi eq, %add3A_62, %eq3A_334 : i32
    %jit3A_336 = arith.constant 2.44200259E-4 : f32
    %jit3A_337 = arith.constant 0.000000e+00 : f32
    %select_n3A_338 = arith.select %eq3A_335, %jit3A_336, %jit3A_337 : f32
    %eq3A_339 = arith.constant 1 : i32
    %eq3A_340 = arith.cmpi eq, %add3A_62, %eq3A_339 : i32
    %jit3A_341 = arith.constant 6 : i32
    %select_n3A_342 = arith.select %eq3A_340, %jit3A_341, %select_n3A_333 : i32
    %eq3A_343 = arith.constant 1 : i32
    %eq3A_344 = arith.cmpi eq, %add3A_62, %eq3A_343 : i32
    %jit3A_345 = arith.constant 2.44498777E-4 : f32
    %select_n3A_346 = arith.select %eq3A_344, %jit3A_345, %select_n3A_338 : f32
    %eq3A_347 = arith.constant 2 : i32
    %eq3A_348 = arith.cmpi eq, %add3A_62, %eq3A_347 : i32
    %jit3A_349 = arith.constant 11 : i32
    %select_n3A_350 = arith.select %eq3A_348, %jit3A_349, %select_n3A_342 : i32
    %eq3A_351 = arith.constant 2 : i32
    %eq3A_352 = arith.cmpi eq, %add3A_62, %eq3A_351 : i32
    %jit3A_353 = arith.constant 2.44798051E-4 : f32
    %select_n3A_354 = arith.select %eq3A_352, %jit3A_353, %select_n3A_346 : f32
    %eq3A_355 = arith.constant 3 : i32
    %eq3A_356 = arith.cmpi eq, %add3A_62, %eq3A_355 : i32
    %jit3A_357 = arith.constant 17 : i32
    %select_n3A_358 = arith.select %eq3A_356, %jit3A_357, %select_n3A_350 : i32
    %eq3A_359 = arith.constant 3 : i32
    %eq3A_360 = arith.cmpi eq, %add3A_62, %eq3A_359 : i32
    %jit3A_361 = arith.constant 2.45158124E-4 : f32
    %select_n3A_362 = arith.select %eq3A_360, %jit3A_361, %select_n3A_354 : f32
    %eq3A_363 = arith.constant 4 : i32
    %eq3A_364 = arith.cmpi eq, %add3A_62, %eq3A_363 : i32
    %jit3A_365 = arith.constant 22 : i32
    %select_n3A_366 = arith.select %eq3A_364, %jit3A_365, %select_n3A_358 : i32
    %eq3A_367 = arith.constant 4 : i32
    %eq3A_368 = arith.cmpi eq, %add3A_62, %eq3A_367 : i32
    %jit3A_369 = arith.constant 2.454590e-04 : f32
    %select_n3A_370 = arith.select %eq3A_368, %jit3A_369, %select_n3A_362 : f32
    %eq3A_371 = arith.constant 5 : i32
    %eq3A_372 = arith.cmpi eq, %add3A_62, %eq3A_371 : i32
    %jit3A_373 = arith.constant 27 : i32
    %select_n3A_374 = arith.select %eq3A_372, %jit3A_373, %select_n3A_366 : i32
    %eq3A_375 = arith.constant 5 : i32
    %eq3A_376 = arith.cmpi eq, %add3A_62, %eq3A_375 : i32
    %jit3A_377 = arith.constant 2.45760632E-4 : f32
    %select_n3A_378 = arith.select %eq3A_376, %jit3A_377, %select_n3A_370 : f32
    %eq3A_379 = arith.constant 6 : i32
    %eq3A_380 = arith.cmpi eq, %add3A_62, %eq3A_379 : i32
    %jit3A_381 = arith.constant 33 : i32
    %select_n3A_382 = arith.select %eq3A_380, %jit3A_381, %select_n3A_374 : i32
    %eq3A_383 = arith.constant 6 : i32
    %eq3A_384 = arith.cmpi eq, %add3A_62, %eq3A_383 : i32
    %jit3A_385 = arith.constant 2.46123556E-4 : f32
    %select_n3A_386 = arith.select %eq3A_384, %jit3A_385, %select_n3A_378 : f32
    %eq3A_387 = arith.constant 7 : i32
    %eq3A_388 = arith.cmpi eq, %add3A_62, %eq3A_387 : i32
    %jit3A_389 = arith.constant 38 : i32
    %select_n3A_390 = arith.select %eq3A_388, %jit3A_389, %select_n3A_382 : i32
    %eq3A_391 = arith.constant 7 : i32
    %eq3A_392 = arith.cmpi eq, %add3A_62, %eq3A_391 : i32
    %jit3A_393 = arith.constant 2.46426818E-4 : f32
    %select_n3A_394 = arith.select %eq3A_392, %jit3A_393, %select_n3A_386 : f32
    %eq3A_395 = arith.constant 8 : i32
    %eq3A_396 = arith.cmpi eq, %add3A_62, %eq3A_395 : i32
    %jit3A_397 = arith.constant 44 : i32
    %select_n3A_398 = arith.select %eq3A_396, %jit3A_397, %select_n3A_390 : i32
    %eq3A_399 = arith.constant 8 : i32
    %eq3A_400 = arith.cmpi eq, %add3A_62, %eq3A_399 : i32
    %jit3A_401 = arith.constant 2.46791722E-4 : f32
    %select_n3A_402 = arith.select %eq3A_400, %jit3A_401, %select_n3A_394 : f32
    %eq3A_403 = arith.constant 9 : i32
    %eq3A_404 = arith.cmpi eq, %add3A_62, %eq3A_403 : i32
    %jit3A_405 = arith.constant 49 : i32
    %select_n3A_406 = arith.select %eq3A_404, %jit3A_405, %select_n3A_398 : i32
    %eq3A_407 = arith.constant 9 : i32
    %eq3A_408 = arith.cmpi eq, %add3A_62, %eq3A_407 : i32
    %jit3A_409 = arith.constant 2.47096614E-4 : f32
    %select_n3A_410 = arith.select %eq3A_408, %jit3A_409, %select_n3A_402 : f32
    %eq3A_411 = arith.constant 10 : i32
    %eq3A_412 = arith.cmpi eq, %add3A_62, %eq3A_411 : i32
    %jit3A_413 = arith.constant 54 : i32
    %select_n3A_414 = arith.select %eq3A_412, %jit3A_413, %select_n3A_406 : i32
    %eq3A_415 = arith.constant 10 : i32
    %eq3A_416 = arith.cmpi eq, %add3A_62, %eq3A_415 : i32
    %jit3A_417 = arith.constant 2.47402262E-4 : f32
    %select_n3A_418 = arith.select %eq3A_416, %jit3A_417, %select_n3A_410 : f32
    %eq3A_419 = arith.constant 11 : i32
    %eq3A_420 = arith.cmpi eq, %add3A_62, %eq3A_419 : i32
    %jit3A_421 = arith.constant 60 : i32
    %select_n3A_422 = arith.select %eq3A_420, %jit3A_421, %select_n3A_414 : i32
    %eq3A_423 = arith.constant 11 : i32
    %eq3A_424 = arith.cmpi eq, %add3A_62, %eq3A_423 : i32
    %jit3A_425 = arith.constant 2.47770076E-4 : f32
    %select_n3A_426 = arith.select %eq3A_424, %jit3A_425, %select_n3A_418 : f32
    %eq3A_427 = arith.constant 12 : i32
    %eq3A_428 = arith.cmpi eq, %add3A_62, %eq3A_427 : i32
    %jit3A_429 = arith.constant 65 : i32
    %select_n3A_430 = arith.select %eq3A_428, %jit3A_429, %select_n3A_422 : i32
    %eq3A_431 = arith.constant 12 : i32
    %eq3A_432 = arith.cmpi eq, %add3A_62, %eq3A_431 : i32
    %jit3A_433 = arith.constant 2.48077413E-4 : f32
    %select_n3A_434 = arith.select %eq3A_432, %jit3A_433, %select_n3A_426 : f32
    %eq3A_435 = arith.constant 13 : i32
    %eq3A_436 = arith.cmpi eq, %add3A_62, %eq3A_435 : i32
    %jit3A_437 = arith.constant 71 : i32
    %select_n3A_438 = arith.select %eq3A_436, %jit3A_437, %select_n3A_430 : i32
    %eq3A_439 = arith.constant 13 : i32
    %eq3A_440 = arith.cmpi eq, %add3A_62, %eq3A_439 : i32
    %jit3A_441 = arith.constant 2.48447206E-4 : f32
    %select_n3A_442 = arith.select %eq3A_440, %jit3A_441, %select_n3A_434 : f32
    %eq3A_443 = arith.constant 14 : i32
    %eq3A_444 = arith.cmpi eq, %add3A_62, %eq3A_443 : i32
    %jit3A_445 = arith.constant 76 : i32
    %select_n3A_446 = arith.select %eq3A_444, %jit3A_445, %select_n3A_438 : i32
    %eq3A_447 = arith.constant 14 : i32
    %eq3A_448 = arith.cmpi eq, %add3A_62, %eq3A_447 : i32
    %jit3A_449 = arith.constant 2.48756231E-4 : f32
    %select_n3A_450 = arith.select %eq3A_448, %jit3A_449, %select_n3A_442 : f32
    %eq3A_451 = arith.constant 15 : i32
    %eq3A_452 = arith.cmpi eq, %add3A_62, %eq3A_451 : i32
    %jit3A_453 = arith.constant 81 : i32
    %select_n3A_454 = arith.select %eq3A_452, %jit3A_453, %select_n3A_446 : i32
    %eq3A_455 = arith.constant 15 : i32
    %eq3A_456 = arith.cmpi eq, %add3A_62, %eq3A_455 : i32
    %jit3A_457 = arith.constant 2.490660e-04 : f32
    %select_n3A_458 = arith.select %eq3A_456, %jit3A_457, %select_n3A_450 : f32
    %eq3A_459 = arith.constant 16 : i32
    %eq3A_460 = arith.cmpi eq, %add3A_62, %eq3A_459 : i32
    %jit3A_461 = arith.constant 87 : i32
    %select_n3A_462 = arith.select %eq3A_460, %jit3A_461, %select_n3A_454 : i32
    %eq3A_463 = arith.constant 16 : i32
    %eq3A_464 = arith.cmpi eq, %add3A_62, %eq3A_463 : i32
    %jit3A_465 = arith.constant 2.49438774E-4 : f32
    %select_n3A_466 = arith.select %eq3A_464, %jit3A_465, %select_n3A_458 : f32
    %eq3A_467 = arith.constant 17 : i32
    %eq3A_468 = arith.cmpi eq, %add3A_62, %eq3A_467 : i32
    %jit3A_469 = arith.constant 92 : i32
    %select_n3A_470 = arith.select %eq3A_468, %jit3A_469, %select_n3A_462 : i32
    %eq3A_471 = arith.constant 17 : i32
    %eq3A_472 = arith.cmpi eq, %add3A_62, %eq3A_471 : i32
    %jit3A_473 = arith.constant 2.49750243E-4 : f32
    %select_n3A_474 = arith.select %eq3A_472, %jit3A_473, %select_n3A_466 : f32
    %eq3A_475 = arith.constant 18 : i32
    %eq3A_476 = arith.cmpi eq, %add3A_62, %eq3A_475 : i32
    %jit3A_477 = arith.constant 97 : i32
    %select_n3A_478 = arith.select %eq3A_476, %jit3A_477, %select_n3A_470 : i32
    %eq3A_479 = arith.constant 18 : i32
    %eq3A_480 = arith.cmpi eq, %add3A_62, %eq3A_479 : i32
    %jit3A_481 = arith.constant 2.50062527E-4 : f32
    %select_n3A_482 = arith.select %eq3A_480, %jit3A_481, %select_n3A_474 : f32
    %eq3A_483 = arith.constant 19 : i32
    %eq3A_484 = arith.cmpi eq, %add3A_62, %eq3A_483 : i32
    %jit3A_485 = arith.constant 103 : i32
    %select_n3A_486 = arith.select %eq3A_484, %jit3A_485, %select_n3A_478 : i32
    %eq3A_487 = arith.constant 19 : i32
    %eq3A_488 = arith.cmpi eq, %add3A_62, %eq3A_487 : i32
    %jit3A_489 = arith.constant 2.50438257E-4 : f32
    %select_n3A_490 = arith.select %eq3A_488, %jit3A_489, %select_n3A_482 : f32
    %eq3A_491 = arith.constant 20 : i32
    %eq3A_492 = arith.cmpi eq, %add3A_62, %eq3A_491 : i32
    %jit3A_493 = arith.constant 108 : i32
    %select_n3A_494 = arith.select %eq3A_492, %jit3A_493, %select_n3A_486 : i32
    %eq3A_495 = arith.constant 20 : i32
    %eq3A_496 = arith.cmpi eq, %add3A_62, %eq3A_495 : i32
    %jit3A_497 = arith.constant 2.50752259E-4 : f32
    %select_n3A_498 = arith.select %eq3A_496, %jit3A_497, %select_n3A_490 : f32
    %eq3A_499 = arith.constant 21 : i32
    %eq3A_500 = arith.cmpi eq, %add3A_62, %eq3A_499 : i32
    %jit3A_501 = arith.constant 114 : i32
    %select_n3A_502 = arith.select %eq3A_500, %jit3A_501, %select_n3A_494 : i32
    %eq3A_503 = arith.constant 21 : i32
    %eq3A_504 = arith.cmpi eq, %add3A_62, %eq3A_503 : i32
    %jit3A_505 = arith.constant 2.51130085E-4 : f32
    %select_n3A_506 = arith.select %eq3A_504, %jit3A_505, %select_n3A_498 : f32
    %eq3A_507 = arith.constant 22 : i32
    %eq3A_508 = arith.cmpi eq, %add3A_62, %eq3A_507 : i32
    %jit3A_509 = arith.constant 119 : i32
    %select_n3A_510 = arith.select %eq3A_508, %jit3A_509, %select_n3A_502 : i32
    %eq3A_511 = arith.constant 22 : i32
    %eq3A_512 = arith.cmpi eq, %add3A_62, %eq3A_511 : i32
    %jit3A_513 = arith.constant 2.51445803E-4 : f32
    %select_n3A_514 = arith.select %eq3A_512, %jit3A_513, %select_n3A_506 : f32
    %eq3A_515 = arith.constant 23 : i32
    %eq3A_516 = arith.cmpi eq, %add3A_62, %eq3A_515 : i32
    %jit3A_517 = arith.constant 124 : i32
    %select_n3A_518 = arith.select %eq3A_516, %jit3A_517, %select_n3A_510 : i32
    %eq3A_519 = arith.constant 23 : i32
    %eq3A_520 = arith.cmpi eq, %add3A_62, %eq3A_519 : i32
    %jit3A_521 = arith.constant 2.51762336E-4 : f32
    %select_n3A_522 = arith.select %eq3A_520, %jit3A_521, %select_n3A_514 : f32
    %eq3A_523 = arith.constant 24 : i32
    %eq3A_524 = arith.cmpi eq, %add3A_62, %eq3A_523 : i32
    %jit3A_525 = arith.constant 130 : i32
    %select_n3A_526 = arith.select %eq3A_524, %jit3A_525, %select_n3A_518 : i32
    %eq3A_527 = arith.constant 24 : i32
    %eq3A_528 = arith.cmpi eq, %add3A_62, %eq3A_527 : i32
    %jit3A_529 = arith.constant 2.52143218E-4 : f32
    %select_n3A_530 = arith.select %eq3A_528, %jit3A_529, %select_n3A_522 : f32
    %eq3A_531 = arith.constant 25 : i32
    %eq3A_532 = arith.cmpi eq, %add3A_62, %eq3A_531 : i32
    %jit3A_533 = arith.constant 135 : i32
    %select_n3A_534 = arith.select %eq3A_532, %jit3A_533, %select_n3A_526 : i32
    %eq3A_535 = arith.constant 25 : i32
    %eq3A_536 = arith.cmpi eq, %add3A_62, %eq3A_535 : i32
    %jit3A_537 = arith.constant 2.52461497E-4 : f32
    %select_n3A_538 = arith.select %eq3A_536, %jit3A_537, %select_n3A_530 : f32
    %eq3A_539 = arith.constant 26 : i32
    %eq3A_540 = arith.cmpi eq, %add3A_62, %eq3A_539 : i32
    %jit3A_541 = arith.constant 141 : i32
    %select_n3A_542 = arith.select %eq3A_540, %jit3A_541, %select_n3A_534 : i32
    %eq3A_543 = arith.constant 26 : i32
    %eq3A_544 = arith.cmpi eq, %add3A_62, %eq3A_543 : i32
    %jit3A_545 = arith.constant 2.52844504E-4 : f32
    %select_n3A_546 = arith.select %eq3A_544, %jit3A_545, %select_n3A_538 : f32
    %eq3A_547 = arith.constant 27 : i32
    %eq3A_548 = arith.cmpi eq, %add3A_62, %eq3A_547 : i32
    %jit3A_549 = arith.constant 146 : i32
    %select_n3A_550 = arith.select %eq3A_548, %jit3A_549, %select_n3A_542 : i32
    %eq3A_551 = arith.constant 27 : i32
    %eq3A_552 = arith.cmpi eq, %add3A_62, %eq3A_551 : i32
    %jit3A_553 = arith.constant 2.53164559E-4 : f32
    %select_n3A_554 = arith.select %eq3A_552, %jit3A_553, %select_n3A_546 : f32
    %eq3A_555 = arith.constant 28 : i32
    %eq3A_556 = arith.cmpi eq, %add3A_62, %eq3A_555 : i32
    %jit3A_557 = arith.constant 151 : i32
    %select_n3A_558 = arith.select %eq3A_556, %jit3A_557, %select_n3A_550 : i32
    %eq3A_559 = arith.constant 28 : i32
    %eq3A_560 = arith.cmpi eq, %add3A_62, %eq3A_559 : i32
    %jit3A_561 = arith.constant 2.53485428E-4 : f32
    %select_n3A_562 = arith.select %eq3A_560, %jit3A_561, %select_n3A_554 : f32
    %eq3A_563 = arith.constant 29 : i32
    %eq3A_564 = arith.cmpi eq, %add3A_62, %eq3A_563 : i32
    %jit3A_565 = arith.constant 157 : i32
    %select_n3A_566 = arith.select %eq3A_564, %jit3A_565, %select_n3A_558 : i32
    %eq3A_567 = arith.constant 29 : i32
    %eq3A_568 = arith.cmpi eq, %add3A_62, %eq3A_567 : i32
    %jit3A_569 = arith.constant 2.53871549E-4 : f32
    %select_n3A_570 = arith.select %eq3A_568, %jit3A_569, %select_n3A_562 : f32
    %eq3A_571 = arith.constant 30 : i32
    %eq3A_572 = arith.cmpi eq, %add3A_62, %eq3A_571 : i32
    %jit3A_573 = arith.constant 162 : i32
    %select_n3A_574 = arith.select %eq3A_572, %jit3A_573, %select_n3A_566 : i32
    %eq3A_575 = arith.constant 30 : i32
    %eq3A_576 = arith.cmpi eq, %add3A_62, %eq3A_575 : i32
    %jit3A_577 = arith.constant 2.54194194E-4 : f32
    %select_n3A_578 = arith.select %eq3A_576, %jit3A_577, %select_n3A_570 : f32
    %eq3A_579 = arith.constant 31 : i32
    %eq3A_580 = arith.cmpi eq, %add3A_62, %eq3A_579 : i32
    %jit3A_581 = arith.constant 168 : i32
    %select_n3A_582 = arith.select %eq3A_580, %jit3A_581, %select_n3A_574 : i32
    %eq3A_583 = arith.constant 31 : i32
    %eq3A_584 = arith.cmpi eq, %add3A_62, %eq3A_583 : i32
    %jit3A_585 = arith.constant 2.54582497E-4 : f32
    %select_n3A_586 = arith.select %eq3A_584, %jit3A_585, %select_n3A_578 : f32
    %eq3A_587 = arith.constant 0 : i32
    %eq3A_588 = arith.cmpi eq, %add3A_66, %eq3A_587 : i32
    %jit3A_589 = arith.constant 1 : i32
    %jit3A_590 = arith.constant 0 : i32
    %select_n3A_591 = arith.select %eq3A_588, %jit3A_589, %jit3A_590 : i32
    %eq3A_592 = arith.constant 0 : i32
    %eq3A_593 = arith.cmpi eq, %add3A_66, %eq3A_592 : i32
    %jit3A_594 = arith.constant 2.44200259E-4 : f32
    %jit3A_595 = arith.constant 0.000000e+00 : f32
    %select_n3A_596 = arith.select %eq3A_593, %jit3A_594, %jit3A_595 : f32
    %eq3A_597 = arith.constant 1 : i32
    %eq3A_598 = arith.cmpi eq, %add3A_66, %eq3A_597 : i32
    %jit3A_599 = arith.constant 6 : i32
    %select_n3A_600 = arith.select %eq3A_598, %jit3A_599, %select_n3A_591 : i32
    %eq3A_601 = arith.constant 1 : i32
    %eq3A_602 = arith.cmpi eq, %add3A_66, %eq3A_601 : i32
    %jit3A_603 = arith.constant 2.44498777E-4 : f32
    %select_n3A_604 = arith.select %eq3A_602, %jit3A_603, %select_n3A_596 : f32
    %eq3A_605 = arith.constant 2 : i32
    %eq3A_606 = arith.cmpi eq, %add3A_66, %eq3A_605 : i32
    %jit3A_607 = arith.constant 11 : i32
    %select_n3A_608 = arith.select %eq3A_606, %jit3A_607, %select_n3A_600 : i32
    %eq3A_609 = arith.constant 2 : i32
    %eq3A_610 = arith.cmpi eq, %add3A_66, %eq3A_609 : i32
    %jit3A_611 = arith.constant 2.44798051E-4 : f32
    %select_n3A_612 = arith.select %eq3A_610, %jit3A_611, %select_n3A_604 : f32
    %eq3A_613 = arith.constant 3 : i32
    %eq3A_614 = arith.cmpi eq, %add3A_66, %eq3A_613 : i32
    %jit3A_615 = arith.constant 17 : i32
    %select_n3A_616 = arith.select %eq3A_614, %jit3A_615, %select_n3A_608 : i32
    %eq3A_617 = arith.constant 3 : i32
    %eq3A_618 = arith.cmpi eq, %add3A_66, %eq3A_617 : i32
    %jit3A_619 = arith.constant 2.45158124E-4 : f32
    %select_n3A_620 = arith.select %eq3A_618, %jit3A_619, %select_n3A_612 : f32
    %eq3A_621 = arith.constant 4 : i32
    %eq3A_622 = arith.cmpi eq, %add3A_66, %eq3A_621 : i32
    %jit3A_623 = arith.constant 22 : i32
    %select_n3A_624 = arith.select %eq3A_622, %jit3A_623, %select_n3A_616 : i32
    %eq3A_625 = arith.constant 4 : i32
    %eq3A_626 = arith.cmpi eq, %add3A_66, %eq3A_625 : i32
    %jit3A_627 = arith.constant 2.454590e-04 : f32
    %select_n3A_628 = arith.select %eq3A_626, %jit3A_627, %select_n3A_620 : f32
    %eq3A_629 = arith.constant 5 : i32
    %eq3A_630 = arith.cmpi eq, %add3A_66, %eq3A_629 : i32
    %jit3A_631 = arith.constant 27 : i32
    %select_n3A_632 = arith.select %eq3A_630, %jit3A_631, %select_n3A_624 : i32
    %eq3A_633 = arith.constant 5 : i32
    %eq3A_634 = arith.cmpi eq, %add3A_66, %eq3A_633 : i32
    %jit3A_635 = arith.constant 2.45760632E-4 : f32
    %select_n3A_636 = arith.select %eq3A_634, %jit3A_635, %select_n3A_628 : f32
    %eq3A_637 = arith.constant 6 : i32
    %eq3A_638 = arith.cmpi eq, %add3A_66, %eq3A_637 : i32
    %jit3A_639 = arith.constant 33 : i32
    %select_n3A_640 = arith.select %eq3A_638, %jit3A_639, %select_n3A_632 : i32
    %eq3A_641 = arith.constant 6 : i32
    %eq3A_642 = arith.cmpi eq, %add3A_66, %eq3A_641 : i32
    %jit3A_643 = arith.constant 2.46123556E-4 : f32
    %select_n3A_644 = arith.select %eq3A_642, %jit3A_643, %select_n3A_636 : f32
    %eq3A_645 = arith.constant 7 : i32
    %eq3A_646 = arith.cmpi eq, %add3A_66, %eq3A_645 : i32
    %jit3A_647 = arith.constant 38 : i32
    %select_n3A_648 = arith.select %eq3A_646, %jit3A_647, %select_n3A_640 : i32
    %eq3A_649 = arith.constant 7 : i32
    %eq3A_650 = arith.cmpi eq, %add3A_66, %eq3A_649 : i32
    %jit3A_651 = arith.constant 2.46426818E-4 : f32
    %select_n3A_652 = arith.select %eq3A_650, %jit3A_651, %select_n3A_644 : f32
    %eq3A_653 = arith.constant 8 : i32
    %eq3A_654 = arith.cmpi eq, %add3A_66, %eq3A_653 : i32
    %jit3A_655 = arith.constant 44 : i32
    %select_n3A_656 = arith.select %eq3A_654, %jit3A_655, %select_n3A_648 : i32
    %eq3A_657 = arith.constant 8 : i32
    %eq3A_658 = arith.cmpi eq, %add3A_66, %eq3A_657 : i32
    %jit3A_659 = arith.constant 2.46791722E-4 : f32
    %select_n3A_660 = arith.select %eq3A_658, %jit3A_659, %select_n3A_652 : f32
    %eq3A_661 = arith.constant 9 : i32
    %eq3A_662 = arith.cmpi eq, %add3A_66, %eq3A_661 : i32
    %jit3A_663 = arith.constant 49 : i32
    %select_n3A_664 = arith.select %eq3A_662, %jit3A_663, %select_n3A_656 : i32
    %eq3A_665 = arith.constant 9 : i32
    %eq3A_666 = arith.cmpi eq, %add3A_66, %eq3A_665 : i32
    %jit3A_667 = arith.constant 2.47096614E-4 : f32
    %select_n3A_668 = arith.select %eq3A_666, %jit3A_667, %select_n3A_660 : f32
    %eq3A_669 = arith.constant 10 : i32
    %eq3A_670 = arith.cmpi eq, %add3A_66, %eq3A_669 : i32
    %jit3A_671 = arith.constant 54 : i32
    %select_n3A_672 = arith.select %eq3A_670, %jit3A_671, %select_n3A_664 : i32
    %eq3A_673 = arith.constant 10 : i32
    %eq3A_674 = arith.cmpi eq, %add3A_66, %eq3A_673 : i32
    %jit3A_675 = arith.constant 2.47402262E-4 : f32
    %select_n3A_676 = arith.select %eq3A_674, %jit3A_675, %select_n3A_668 : f32
    %eq3A_677 = arith.constant 11 : i32
    %eq3A_678 = arith.cmpi eq, %add3A_66, %eq3A_677 : i32
    %jit3A_679 = arith.constant 60 : i32
    %select_n3A_680 = arith.select %eq3A_678, %jit3A_679, %select_n3A_672 : i32
    %eq3A_681 = arith.constant 11 : i32
    %eq3A_682 = arith.cmpi eq, %add3A_66, %eq3A_681 : i32
    %jit3A_683 = arith.constant 2.47770076E-4 : f32
    %select_n3A_684 = arith.select %eq3A_682, %jit3A_683, %select_n3A_676 : f32
    %eq3A_685 = arith.constant 12 : i32
    %eq3A_686 = arith.cmpi eq, %add3A_66, %eq3A_685 : i32
    %jit3A_687 = arith.constant 65 : i32
    %select_n3A_688 = arith.select %eq3A_686, %jit3A_687, %select_n3A_680 : i32
    %eq3A_689 = arith.constant 12 : i32
    %eq3A_690 = arith.cmpi eq, %add3A_66, %eq3A_689 : i32
    %jit3A_691 = arith.constant 2.48077413E-4 : f32
    %select_n3A_692 = arith.select %eq3A_690, %jit3A_691, %select_n3A_684 : f32
    %eq3A_693 = arith.constant 13 : i32
    %eq3A_694 = arith.cmpi eq, %add3A_66, %eq3A_693 : i32
    %jit3A_695 = arith.constant 71 : i32
    %select_n3A_696 = arith.select %eq3A_694, %jit3A_695, %select_n3A_688 : i32
    %eq3A_697 = arith.constant 13 : i32
    %eq3A_698 = arith.cmpi eq, %add3A_66, %eq3A_697 : i32
    %jit3A_699 = arith.constant 2.48447206E-4 : f32
    %select_n3A_700 = arith.select %eq3A_698, %jit3A_699, %select_n3A_692 : f32
    %eq3A_701 = arith.constant 14 : i32
    %eq3A_702 = arith.cmpi eq, %add3A_66, %eq3A_701 : i32
    %jit3A_703 = arith.constant 76 : i32
    %select_n3A_704 = arith.select %eq3A_702, %jit3A_703, %select_n3A_696 : i32
    %eq3A_705 = arith.constant 14 : i32
    %eq3A_706 = arith.cmpi eq, %add3A_66, %eq3A_705 : i32
    %jit3A_707 = arith.constant 2.48756231E-4 : f32
    %select_n3A_708 = arith.select %eq3A_706, %jit3A_707, %select_n3A_700 : f32
    %eq3A_709 = arith.constant 15 : i32
    %eq3A_710 = arith.cmpi eq, %add3A_66, %eq3A_709 : i32
    %jit3A_711 = arith.constant 81 : i32
    %select_n3A_712 = arith.select %eq3A_710, %jit3A_711, %select_n3A_704 : i32
    %eq3A_713 = arith.constant 15 : i32
    %eq3A_714 = arith.cmpi eq, %add3A_66, %eq3A_713 : i32
    %jit3A_715 = arith.constant 2.490660e-04 : f32
    %select_n3A_716 = arith.select %eq3A_714, %jit3A_715, %select_n3A_708 : f32
    %eq3A_717 = arith.constant 16 : i32
    %eq3A_718 = arith.cmpi eq, %add3A_66, %eq3A_717 : i32
    %jit3A_719 = arith.constant 87 : i32
    %select_n3A_720 = arith.select %eq3A_718, %jit3A_719, %select_n3A_712 : i32
    %eq3A_721 = arith.constant 16 : i32
    %eq3A_722 = arith.cmpi eq, %add3A_66, %eq3A_721 : i32
    %jit3A_723 = arith.constant 2.49438774E-4 : f32
    %select_n3A_724 = arith.select %eq3A_722, %jit3A_723, %select_n3A_716 : f32
    %eq3A_725 = arith.constant 17 : i32
    %eq3A_726 = arith.cmpi eq, %add3A_66, %eq3A_725 : i32
    %jit3A_727 = arith.constant 92 : i32
    %select_n3A_728 = arith.select %eq3A_726, %jit3A_727, %select_n3A_720 : i32
    %eq3A_729 = arith.constant 17 : i32
    %eq3A_730 = arith.cmpi eq, %add3A_66, %eq3A_729 : i32
    %jit3A_731 = arith.constant 2.49750243E-4 : f32
    %select_n3A_732 = arith.select %eq3A_730, %jit3A_731, %select_n3A_724 : f32
    %eq3A_733 = arith.constant 18 : i32
    %eq3A_734 = arith.cmpi eq, %add3A_66, %eq3A_733 : i32
    %jit3A_735 = arith.constant 97 : i32
    %select_n3A_736 = arith.select %eq3A_734, %jit3A_735, %select_n3A_728 : i32
    %eq3A_737 = arith.constant 18 : i32
    %eq3A_738 = arith.cmpi eq, %add3A_66, %eq3A_737 : i32
    %jit3A_739 = arith.constant 2.50062527E-4 : f32
    %select_n3A_740 = arith.select %eq3A_738, %jit3A_739, %select_n3A_732 : f32
    %eq3A_741 = arith.constant 19 : i32
    %eq3A_742 = arith.cmpi eq, %add3A_66, %eq3A_741 : i32
    %jit3A_743 = arith.constant 103 : i32
    %select_n3A_744 = arith.select %eq3A_742, %jit3A_743, %select_n3A_736 : i32
    %eq3A_745 = arith.constant 19 : i32
    %eq3A_746 = arith.cmpi eq, %add3A_66, %eq3A_745 : i32
    %jit3A_747 = arith.constant 2.50438257E-4 : f32
    %select_n3A_748 = arith.select %eq3A_746, %jit3A_747, %select_n3A_740 : f32
    %eq3A_749 = arith.constant 20 : i32
    %eq3A_750 = arith.cmpi eq, %add3A_66, %eq3A_749 : i32
    %jit3A_751 = arith.constant 108 : i32
    %select_n3A_752 = arith.select %eq3A_750, %jit3A_751, %select_n3A_744 : i32
    %eq3A_753 = arith.constant 20 : i32
    %eq3A_754 = arith.cmpi eq, %add3A_66, %eq3A_753 : i32
    %jit3A_755 = arith.constant 2.50752259E-4 : f32
    %select_n3A_756 = arith.select %eq3A_754, %jit3A_755, %select_n3A_748 : f32
    %eq3A_757 = arith.constant 21 : i32
    %eq3A_758 = arith.cmpi eq, %add3A_66, %eq3A_757 : i32
    %jit3A_759 = arith.constant 114 : i32
    %select_n3A_760 = arith.select %eq3A_758, %jit3A_759, %select_n3A_752 : i32
    %eq3A_761 = arith.constant 21 : i32
    %eq3A_762 = arith.cmpi eq, %add3A_66, %eq3A_761 : i32
    %jit3A_763 = arith.constant 2.51130085E-4 : f32
    %select_n3A_764 = arith.select %eq3A_762, %jit3A_763, %select_n3A_756 : f32
    %eq3A_765 = arith.constant 22 : i32
    %eq3A_766 = arith.cmpi eq, %add3A_66, %eq3A_765 : i32
    %jit3A_767 = arith.constant 119 : i32
    %select_n3A_768 = arith.select %eq3A_766, %jit3A_767, %select_n3A_760 : i32
    %eq3A_769 = arith.constant 22 : i32
    %eq3A_770 = arith.cmpi eq, %add3A_66, %eq3A_769 : i32
    %jit3A_771 = arith.constant 2.51445803E-4 : f32
    %select_n3A_772 = arith.select %eq3A_770, %jit3A_771, %select_n3A_764 : f32
    %eq3A_773 = arith.constant 23 : i32
    %eq3A_774 = arith.cmpi eq, %add3A_66, %eq3A_773 : i32
    %jit3A_775 = arith.constant 124 : i32
    %select_n3A_776 = arith.select %eq3A_774, %jit3A_775, %select_n3A_768 : i32
    %eq3A_777 = arith.constant 23 : i32
    %eq3A_778 = arith.cmpi eq, %add3A_66, %eq3A_777 : i32
    %jit3A_779 = arith.constant 2.51762336E-4 : f32
    %select_n3A_780 = arith.select %eq3A_778, %jit3A_779, %select_n3A_772 : f32
    %eq3A_781 = arith.constant 24 : i32
    %eq3A_782 = arith.cmpi eq, %add3A_66, %eq3A_781 : i32
    %jit3A_783 = arith.constant 130 : i32
    %select_n3A_784 = arith.select %eq3A_782, %jit3A_783, %select_n3A_776 : i32
    %eq3A_785 = arith.constant 24 : i32
    %eq3A_786 = arith.cmpi eq, %add3A_66, %eq3A_785 : i32
    %jit3A_787 = arith.constant 2.52143218E-4 : f32
    %select_n3A_788 = arith.select %eq3A_786, %jit3A_787, %select_n3A_780 : f32
    %eq3A_789 = arith.constant 25 : i32
    %eq3A_790 = arith.cmpi eq, %add3A_66, %eq3A_789 : i32
    %jit3A_791 = arith.constant 135 : i32
    %select_n3A_792 = arith.select %eq3A_790, %jit3A_791, %select_n3A_784 : i32
    %eq3A_793 = arith.constant 25 : i32
    %eq3A_794 = arith.cmpi eq, %add3A_66, %eq3A_793 : i32
    %jit3A_795 = arith.constant 2.52461497E-4 : f32
    %select_n3A_796 = arith.select %eq3A_794, %jit3A_795, %select_n3A_788 : f32
    %eq3A_797 = arith.constant 26 : i32
    %eq3A_798 = arith.cmpi eq, %add3A_66, %eq3A_797 : i32
    %jit3A_799 = arith.constant 141 : i32
    %select_n3A_800 = arith.select %eq3A_798, %jit3A_799, %select_n3A_792 : i32
    %eq3A_801 = arith.constant 26 : i32
    %eq3A_802 = arith.cmpi eq, %add3A_66, %eq3A_801 : i32
    %jit3A_803 = arith.constant 2.52844504E-4 : f32
    %select_n3A_804 = arith.select %eq3A_802, %jit3A_803, %select_n3A_796 : f32
    %eq3A_805 = arith.constant 27 : i32
    %eq3A_806 = arith.cmpi eq, %add3A_66, %eq3A_805 : i32
    %jit3A_807 = arith.constant 146 : i32
    %select_n3A_808 = arith.select %eq3A_806, %jit3A_807, %select_n3A_800 : i32
    %eq3A_809 = arith.constant 27 : i32
    %eq3A_810 = arith.cmpi eq, %add3A_66, %eq3A_809 : i32
    %jit3A_811 = arith.constant 2.53164559E-4 : f32
    %select_n3A_812 = arith.select %eq3A_810, %jit3A_811, %select_n3A_804 : f32
    %eq3A_813 = arith.constant 28 : i32
    %eq3A_814 = arith.cmpi eq, %add3A_66, %eq3A_813 : i32
    %jit3A_815 = arith.constant 151 : i32
    %select_n3A_816 = arith.select %eq3A_814, %jit3A_815, %select_n3A_808 : i32
    %eq3A_817 = arith.constant 28 : i32
    %eq3A_818 = arith.cmpi eq, %add3A_66, %eq3A_817 : i32
    %jit3A_819 = arith.constant 2.53485428E-4 : f32
    %select_n3A_820 = arith.select %eq3A_818, %jit3A_819, %select_n3A_812 : f32
    %eq3A_821 = arith.constant 29 : i32
    %eq3A_822 = arith.cmpi eq, %add3A_66, %eq3A_821 : i32
    %jit3A_823 = arith.constant 157 : i32
    %select_n3A_824 = arith.select %eq3A_822, %jit3A_823, %select_n3A_816 : i32
    %eq3A_825 = arith.constant 29 : i32
    %eq3A_826 = arith.cmpi eq, %add3A_66, %eq3A_825 : i32
    %jit3A_827 = arith.constant 2.53871549E-4 : f32
    %select_n3A_828 = arith.select %eq3A_826, %jit3A_827, %select_n3A_820 : f32
    %eq3A_829 = arith.constant 30 : i32
    %eq3A_830 = arith.cmpi eq, %add3A_66, %eq3A_829 : i32
    %jit3A_831 = arith.constant 162 : i32
    %select_n3A_832 = arith.select %eq3A_830, %jit3A_831, %select_n3A_824 : i32
    %eq3A_833 = arith.constant 30 : i32
    %eq3A_834 = arith.cmpi eq, %add3A_66, %eq3A_833 : i32
    %jit3A_835 = arith.constant 2.54194194E-4 : f32
    %select_n3A_836 = arith.select %eq3A_834, %jit3A_835, %select_n3A_828 : f32
    %eq3A_837 = arith.constant 31 : i32
    %eq3A_838 = arith.cmpi eq, %add3A_66, %eq3A_837 : i32
    %jit3A_839 = arith.constant 168 : i32
    %select_n3A_840 = arith.select %eq3A_838, %jit3A_839, %select_n3A_832 : i32
    %eq3A_841 = arith.constant 31 : i32
    %eq3A_842 = arith.cmpi eq, %add3A_66, %eq3A_841 : i32
    %jit3A_843 = arith.constant 2.54582497E-4 : f32
    %select_n3A_844 = arith.select %eq3A_842, %jit3A_843, %select_n3A_836 : f32
    %eq3A_845 = arith.constant 0 : i32
    %eq3A_846 = arith.cmpi eq, %add3A_70, %eq3A_845 : i32
    %jit3A_847 = arith.constant 1 : i32
    %jit3A_848 = arith.constant 0 : i32
    %select_n3A_849 = arith.select %eq3A_846, %jit3A_847, %jit3A_848 : i32
    %eq3A_850 = arith.constant 0 : i32
    %eq3A_851 = arith.cmpi eq, %add3A_70, %eq3A_850 : i32
    %jit3A_852 = arith.constant 2.44200259E-4 : f32
    %jit3A_853 = arith.constant 0.000000e+00 : f32
    %select_n3A_854 = arith.select %eq3A_851, %jit3A_852, %jit3A_853 : f32
    %eq3A_855 = arith.constant 1 : i32
    %eq3A_856 = arith.cmpi eq, %add3A_70, %eq3A_855 : i32
    %jit3A_857 = arith.constant 6 : i32
    %select_n3A_858 = arith.select %eq3A_856, %jit3A_857, %select_n3A_849 : i32
    %eq3A_859 = arith.constant 1 : i32
    %eq3A_860 = arith.cmpi eq, %add3A_70, %eq3A_859 : i32
    %jit3A_861 = arith.constant 2.44498777E-4 : f32
    %select_n3A_862 = arith.select %eq3A_860, %jit3A_861, %select_n3A_854 : f32
    %eq3A_863 = arith.constant 2 : i32
    %eq3A_864 = arith.cmpi eq, %add3A_70, %eq3A_863 : i32
    %jit3A_865 = arith.constant 11 : i32
    %select_n3A_866 = arith.select %eq3A_864, %jit3A_865, %select_n3A_858 : i32
    %eq3A_867 = arith.constant 2 : i32
    %eq3A_868 = arith.cmpi eq, %add3A_70, %eq3A_867 : i32
    %jit3A_869 = arith.constant 2.44798051E-4 : f32
    %select_n3A_870 = arith.select %eq3A_868, %jit3A_869, %select_n3A_862 : f32
    %eq3A_871 = arith.constant 3 : i32
    %eq3A_872 = arith.cmpi eq, %add3A_70, %eq3A_871 : i32
    %jit3A_873 = arith.constant 17 : i32
    %select_n3A_874 = arith.select %eq3A_872, %jit3A_873, %select_n3A_866 : i32
    %eq3A_875 = arith.constant 3 : i32
    %eq3A_876 = arith.cmpi eq, %add3A_70, %eq3A_875 : i32
    %jit3A_877 = arith.constant 2.45158124E-4 : f32
    %select_n3A_878 = arith.select %eq3A_876, %jit3A_877, %select_n3A_870 : f32
    %eq3A_879 = arith.constant 4 : i32
    %eq3A_880 = arith.cmpi eq, %add3A_70, %eq3A_879 : i32
    %jit3A_881 = arith.constant 22 : i32
    %select_n3A_882 = arith.select %eq3A_880, %jit3A_881, %select_n3A_874 : i32
    %eq3A_883 = arith.constant 4 : i32
    %eq3A_884 = arith.cmpi eq, %add3A_70, %eq3A_883 : i32
    %jit3A_885 = arith.constant 2.454590e-04 : f32
    %select_n3A_886 = arith.select %eq3A_884, %jit3A_885, %select_n3A_878 : f32
    %eq3A_887 = arith.constant 5 : i32
    %eq3A_888 = arith.cmpi eq, %add3A_70, %eq3A_887 : i32
    %jit3A_889 = arith.constant 27 : i32
    %select_n3A_890 = arith.select %eq3A_888, %jit3A_889, %select_n3A_882 : i32
    %eq3A_891 = arith.constant 5 : i32
    %eq3A_892 = arith.cmpi eq, %add3A_70, %eq3A_891 : i32
    %jit3A_893 = arith.constant 2.45760632E-4 : f32
    %select_n3A_894 = arith.select %eq3A_892, %jit3A_893, %select_n3A_886 : f32
    %eq3A_895 = arith.constant 6 : i32
    %eq3A_896 = arith.cmpi eq, %add3A_70, %eq3A_895 : i32
    %jit3A_897 = arith.constant 33 : i32
    %select_n3A_898 = arith.select %eq3A_896, %jit3A_897, %select_n3A_890 : i32
    %eq3A_899 = arith.constant 6 : i32
    %eq3A_900 = arith.cmpi eq, %add3A_70, %eq3A_899 : i32
    %jit3A_901 = arith.constant 2.46123556E-4 : f32
    %select_n3A_902 = arith.select %eq3A_900, %jit3A_901, %select_n3A_894 : f32
    %eq3A_903 = arith.constant 7 : i32
    %eq3A_904 = arith.cmpi eq, %add3A_70, %eq3A_903 : i32
    %jit3A_905 = arith.constant 38 : i32
    %select_n3A_906 = arith.select %eq3A_904, %jit3A_905, %select_n3A_898 : i32
    %eq3A_907 = arith.constant 7 : i32
    %eq3A_908 = arith.cmpi eq, %add3A_70, %eq3A_907 : i32
    %jit3A_909 = arith.constant 2.46426818E-4 : f32
    %select_n3A_910 = arith.select %eq3A_908, %jit3A_909, %select_n3A_902 : f32
    %eq3A_911 = arith.constant 8 : i32
    %eq3A_912 = arith.cmpi eq, %add3A_70, %eq3A_911 : i32
    %jit3A_913 = arith.constant 44 : i32
    %select_n3A_914 = arith.select %eq3A_912, %jit3A_913, %select_n3A_906 : i32
    %eq3A_915 = arith.constant 8 : i32
    %eq3A_916 = arith.cmpi eq, %add3A_70, %eq3A_915 : i32
    %jit3A_917 = arith.constant 2.46791722E-4 : f32
    %select_n3A_918 = arith.select %eq3A_916, %jit3A_917, %select_n3A_910 : f32
    %eq3A_919 = arith.constant 9 : i32
    %eq3A_920 = arith.cmpi eq, %add3A_70, %eq3A_919 : i32
    %jit3A_921 = arith.constant 49 : i32
    %select_n3A_922 = arith.select %eq3A_920, %jit3A_921, %select_n3A_914 : i32
    %eq3A_923 = arith.constant 9 : i32
    %eq3A_924 = arith.cmpi eq, %add3A_70, %eq3A_923 : i32
    %jit3A_925 = arith.constant 2.47096614E-4 : f32
    %select_n3A_926 = arith.select %eq3A_924, %jit3A_925, %select_n3A_918 : f32
    %eq3A_927 = arith.constant 10 : i32
    %eq3A_928 = arith.cmpi eq, %add3A_70, %eq3A_927 : i32
    %jit3A_929 = arith.constant 54 : i32
    %select_n3A_930 = arith.select %eq3A_928, %jit3A_929, %select_n3A_922 : i32
    %eq3A_931 = arith.constant 10 : i32
    %eq3A_932 = arith.cmpi eq, %add3A_70, %eq3A_931 : i32
    %jit3A_933 = arith.constant 2.47402262E-4 : f32
    %select_n3A_934 = arith.select %eq3A_932, %jit3A_933, %select_n3A_926 : f32
    %eq3A_935 = arith.constant 11 : i32
    %eq3A_936 = arith.cmpi eq, %add3A_70, %eq3A_935 : i32
    %jit3A_937 = arith.constant 60 : i32
    %select_n3A_938 = arith.select %eq3A_936, %jit3A_937, %select_n3A_930 : i32
    %eq3A_939 = arith.constant 11 : i32
    %eq3A_940 = arith.cmpi eq, %add3A_70, %eq3A_939 : i32
    %jit3A_941 = arith.constant 2.47770076E-4 : f32
    %select_n3A_942 = arith.select %eq3A_940, %jit3A_941, %select_n3A_934 : f32
    %eq3A_943 = arith.constant 12 : i32
    %eq3A_944 = arith.cmpi eq, %add3A_70, %eq3A_943 : i32
    %jit3A_945 = arith.constant 65 : i32
    %select_n3A_946 = arith.select %eq3A_944, %jit3A_945, %select_n3A_938 : i32
    %eq3A_947 = arith.constant 12 : i32
    %eq3A_948 = arith.cmpi eq, %add3A_70, %eq3A_947 : i32
    %jit3A_949 = arith.constant 2.48077413E-4 : f32
    %select_n3A_950 = arith.select %eq3A_948, %jit3A_949, %select_n3A_942 : f32
    %eq3A_951 = arith.constant 13 : i32
    %eq3A_952 = arith.cmpi eq, %add3A_70, %eq3A_951 : i32
    %jit3A_953 = arith.constant 71 : i32
    %select_n3A_954 = arith.select %eq3A_952, %jit3A_953, %select_n3A_946 : i32
    %eq3A_955 = arith.constant 13 : i32
    %eq3A_956 = arith.cmpi eq, %add3A_70, %eq3A_955 : i32
    %jit3A_957 = arith.constant 2.48447206E-4 : f32
    %select_n3A_958 = arith.select %eq3A_956, %jit3A_957, %select_n3A_950 : f32
    %eq3A_959 = arith.constant 14 : i32
    %eq3A_960 = arith.cmpi eq, %add3A_70, %eq3A_959 : i32
    %jit3A_961 = arith.constant 76 : i32
    %select_n3A_962 = arith.select %eq3A_960, %jit3A_961, %select_n3A_954 : i32
    %eq3A_963 = arith.constant 14 : i32
    %eq3A_964 = arith.cmpi eq, %add3A_70, %eq3A_963 : i32
    %jit3A_965 = arith.constant 2.48756231E-4 : f32
    %select_n3A_966 = arith.select %eq3A_964, %jit3A_965, %select_n3A_958 : f32
    %eq3A_967 = arith.constant 15 : i32
    %eq3A_968 = arith.cmpi eq, %add3A_70, %eq3A_967 : i32
    %jit3A_969 = arith.constant 81 : i32
    %select_n3A_970 = arith.select %eq3A_968, %jit3A_969, %select_n3A_962 : i32
    %eq3A_971 = arith.constant 15 : i32
    %eq3A_972 = arith.cmpi eq, %add3A_70, %eq3A_971 : i32
    %jit3A_973 = arith.constant 2.490660e-04 : f32
    %select_n3A_974 = arith.select %eq3A_972, %jit3A_973, %select_n3A_966 : f32
    %eq3A_975 = arith.constant 16 : i32
    %eq3A_976 = arith.cmpi eq, %add3A_70, %eq3A_975 : i32
    %jit3A_977 = arith.constant 87 : i32
    %select_n3A_978 = arith.select %eq3A_976, %jit3A_977, %select_n3A_970 : i32
    %eq3A_979 = arith.constant 16 : i32
    %eq3A_980 = arith.cmpi eq, %add3A_70, %eq3A_979 : i32
    %jit3A_981 = arith.constant 2.49438774E-4 : f32
    %select_n3A_982 = arith.select %eq3A_980, %jit3A_981, %select_n3A_974 : f32
    %eq3A_983 = arith.constant 17 : i32
    %eq3A_984 = arith.cmpi eq, %add3A_70, %eq3A_983 : i32
    %jit3A_985 = arith.constant 92 : i32
    %select_n3A_986 = arith.select %eq3A_984, %jit3A_985, %select_n3A_978 : i32
    %eq3A_987 = arith.constant 17 : i32
    %eq3A_988 = arith.cmpi eq, %add3A_70, %eq3A_987 : i32
    %jit3A_989 = arith.constant 2.49750243E-4 : f32
    %select_n3A_990 = arith.select %eq3A_988, %jit3A_989, %select_n3A_982 : f32
    %eq3A_991 = arith.constant 18 : i32
    %eq3A_992 = arith.cmpi eq, %add3A_70, %eq3A_991 : i32
    %jit3A_993 = arith.constant 97 : i32
    %select_n3A_994 = arith.select %eq3A_992, %jit3A_993, %select_n3A_986 : i32
    %eq3A_995 = arith.constant 18 : i32
    %eq3A_996 = arith.cmpi eq, %add3A_70, %eq3A_995 : i32
    %jit3A_997 = arith.constant 2.50062527E-4 : f32
    %select_n3A_998 = arith.select %eq3A_996, %jit3A_997, %select_n3A_990 : f32
    %eq3A_999 = arith.constant 19 : i32
    %eq3A_1000 = arith.cmpi eq, %add3A_70, %eq3A_999 : i32
    %jit3A_1001 = arith.constant 103 : i32
    %select_n3A_1002 = arith.select %eq3A_1000, %jit3A_1001, %select_n3A_994 : i32
    %eq3A_1003 = arith.constant 19 : i32
    %eq3A_1004 = arith.cmpi eq, %add3A_70, %eq3A_1003 : i32
    %jit3A_1005 = arith.constant 2.50438257E-4 : f32
    %select_n3A_1006 = arith.select %eq3A_1004, %jit3A_1005, %select_n3A_998 : f32
    %eq3A_1007 = arith.constant 20 : i32
    %eq3A_1008 = arith.cmpi eq, %add3A_70, %eq3A_1007 : i32
    %jit3A_1009 = arith.constant 108 : i32
    %select_n3A_1010 = arith.select %eq3A_1008, %jit3A_1009, %select_n3A_1002 : i32
    %eq3A_1011 = arith.constant 20 : i32
    %eq3A_1012 = arith.cmpi eq, %add3A_70, %eq3A_1011 : i32
    %jit3A_1013 = arith.constant 2.50752259E-4 : f32
    %select_n3A_1014 = arith.select %eq3A_1012, %jit3A_1013, %select_n3A_1006 : f32
    %eq3A_1015 = arith.constant 21 : i32
    %eq3A_1016 = arith.cmpi eq, %add3A_70, %eq3A_1015 : i32
    %jit3A_1017 = arith.constant 114 : i32
    %select_n3A_1018 = arith.select %eq3A_1016, %jit3A_1017, %select_n3A_1010 : i32
    %eq3A_1019 = arith.constant 21 : i32
    %eq3A_1020 = arith.cmpi eq, %add3A_70, %eq3A_1019 : i32
    %jit3A_1021 = arith.constant 2.51130085E-4 : f32
    %select_n3A_1022 = arith.select %eq3A_1020, %jit3A_1021, %select_n3A_1014 : f32
    %eq3A_1023 = arith.constant 22 : i32
    %eq3A_1024 = arith.cmpi eq, %add3A_70, %eq3A_1023 : i32
    %jit3A_1025 = arith.constant 119 : i32
    %select_n3A_1026 = arith.select %eq3A_1024, %jit3A_1025, %select_n3A_1018 : i32
    %eq3A_1027 = arith.constant 22 : i32
    %eq3A_1028 = arith.cmpi eq, %add3A_70, %eq3A_1027 : i32
    %jit3A_1029 = arith.constant 2.51445803E-4 : f32
    %select_n3A_1030 = arith.select %eq3A_1028, %jit3A_1029, %select_n3A_1022 : f32
    %eq3A_1031 = arith.constant 23 : i32
    %eq3A_1032 = arith.cmpi eq, %add3A_70, %eq3A_1031 : i32
    %jit3A_1033 = arith.constant 124 : i32
    %select_n3A_1034 = arith.select %eq3A_1032, %jit3A_1033, %select_n3A_1026 : i32
    %eq3A_1035 = arith.constant 23 : i32
    %eq3A_1036 = arith.cmpi eq, %add3A_70, %eq3A_1035 : i32
    %jit3A_1037 = arith.constant 2.51762336E-4 : f32
    %select_n3A_1038 = arith.select %eq3A_1036, %jit3A_1037, %select_n3A_1030 : f32
    %eq3A_1039 = arith.constant 24 : i32
    %eq3A_1040 = arith.cmpi eq, %add3A_70, %eq3A_1039 : i32
    %jit3A_1041 = arith.constant 130 : i32
    %select_n3A_1042 = arith.select %eq3A_1040, %jit3A_1041, %select_n3A_1034 : i32
    %eq3A_1043 = arith.constant 24 : i32
    %eq3A_1044 = arith.cmpi eq, %add3A_70, %eq3A_1043 : i32
    %jit3A_1045 = arith.constant 2.52143218E-4 : f32
    %select_n3A_1046 = arith.select %eq3A_1044, %jit3A_1045, %select_n3A_1038 : f32
    %eq3A_1047 = arith.constant 25 : i32
    %eq3A_1048 = arith.cmpi eq, %add3A_70, %eq3A_1047 : i32
    %jit3A_1049 = arith.constant 135 : i32
    %select_n3A_1050 = arith.select %eq3A_1048, %jit3A_1049, %select_n3A_1042 : i32
    %eq3A_1051 = arith.constant 25 : i32
    %eq3A_1052 = arith.cmpi eq, %add3A_70, %eq3A_1051 : i32
    %jit3A_1053 = arith.constant 2.52461497E-4 : f32
    %select_n3A_1054 = arith.select %eq3A_1052, %jit3A_1053, %select_n3A_1046 : f32
    %eq3A_1055 = arith.constant 26 : i32
    %eq3A_1056 = arith.cmpi eq, %add3A_70, %eq3A_1055 : i32
    %jit3A_1057 = arith.constant 141 : i32
    %select_n3A_1058 = arith.select %eq3A_1056, %jit3A_1057, %select_n3A_1050 : i32
    %eq3A_1059 = arith.constant 26 : i32
    %eq3A_1060 = arith.cmpi eq, %add3A_70, %eq3A_1059 : i32
    %jit3A_1061 = arith.constant 2.52844504E-4 : f32
    %select_n3A_1062 = arith.select %eq3A_1060, %jit3A_1061, %select_n3A_1054 : f32
    %eq3A_1063 = arith.constant 27 : i32
    %eq3A_1064 = arith.cmpi eq, %add3A_70, %eq3A_1063 : i32
    %jit3A_1065 = arith.constant 146 : i32
    %select_n3A_1066 = arith.select %eq3A_1064, %jit3A_1065, %select_n3A_1058 : i32
    %eq3A_1067 = arith.constant 27 : i32
    %eq3A_1068 = arith.cmpi eq, %add3A_70, %eq3A_1067 : i32
    %jit3A_1069 = arith.constant 2.53164559E-4 : f32
    %select_n3A_1070 = arith.select %eq3A_1068, %jit3A_1069, %select_n3A_1062 : f32
    %eq3A_1071 = arith.constant 28 : i32
    %eq3A_1072 = arith.cmpi eq, %add3A_70, %eq3A_1071 : i32
    %jit3A_1073 = arith.constant 151 : i32
    %select_n3A_1074 = arith.select %eq3A_1072, %jit3A_1073, %select_n3A_1066 : i32
    %eq3A_1075 = arith.constant 28 : i32
    %eq3A_1076 = arith.cmpi eq, %add3A_70, %eq3A_1075 : i32
    %jit3A_1077 = arith.constant 2.53485428E-4 : f32
    %select_n3A_1078 = arith.select %eq3A_1076, %jit3A_1077, %select_n3A_1070 : f32
    %eq3A_1079 = arith.constant 29 : i32
    %eq3A_1080 = arith.cmpi eq, %add3A_70, %eq3A_1079 : i32
    %jit3A_1081 = arith.constant 157 : i32
    %select_n3A_1082 = arith.select %eq3A_1080, %jit3A_1081, %select_n3A_1074 : i32
    %eq3A_1083 = arith.constant 29 : i32
    %eq3A_1084 = arith.cmpi eq, %add3A_70, %eq3A_1083 : i32
    %jit3A_1085 = arith.constant 2.53871549E-4 : f32
    %select_n3A_1086 = arith.select %eq3A_1084, %jit3A_1085, %select_n3A_1078 : f32
    %eq3A_1087 = arith.constant 30 : i32
    %eq3A_1088 = arith.cmpi eq, %add3A_70, %eq3A_1087 : i32
    %jit3A_1089 = arith.constant 162 : i32
    %select_n3A_1090 = arith.select %eq3A_1088, %jit3A_1089, %select_n3A_1082 : i32
    %eq3A_1091 = arith.constant 30 : i32
    %eq3A_1092 = arith.cmpi eq, %add3A_70, %eq3A_1091 : i32
    %jit3A_1093 = arith.constant 2.54194194E-4 : f32
    %select_n3A_1094 = arith.select %eq3A_1092, %jit3A_1093, %select_n3A_1086 : f32
    %eq3A_1095 = arith.constant 31 : i32
    %eq3A_1096 = arith.cmpi eq, %add3A_70, %eq3A_1095 : i32
    %jit3A_1097 = arith.constant 168 : i32
    %select_n3A_1098 = arith.select %eq3A_1096, %jit3A_1097, %select_n3A_1090 : i32
    %eq3A_1099 = arith.constant 31 : i32
    %eq3A_1100 = arith.cmpi eq, %add3A_70, %eq3A_1099 : i32
    %jit3A_1101 = arith.constant 2.54582497E-4 : f32
    %select_n3A_1102 = arith.select %eq3A_1100, %jit3A_1101, %select_n3A_1094 : f32
    %scan3A = arith.constant 0 : i32
    %scan3A_1103 = arith.constant 256 : i32
    %scan3A_1104 = arith.addi %scan3A, %scan3A_1103 : i32
    %scan3A_1105 = arith.constant 1 : i32
    %scan3A_1106:4 = scf.for %scan3A_1175 = %scan3A to %scan3A_1104 step %scan3A_1105 iter_args(%scan3A_1176 = %broadcast_in_dim3A_31, %scan3A_1177 = %broadcast_in_dim3A_31, %scan3A_1178 = %broadcast_in_dim3A_31, %scan3A_1179 = %broadcast_in_dim3A_31) -> (vector<16xf32>, vector<16xf32>, vector<16xf32>, vector<16xf32>)  : i32 {
      %mul3A_1180 = arith.constant 16 : i32
      %mul3A_1181 = arith.muli %scan3A_1175, %mul3A_1180 : i32
      %get3A = arith.index_cast %mul3A_1181 : i32 to index
      %get3A_1182 = tpu.vector_load %arg4[%get3A] {strides = array<i32>} : memref<4288xf32, #tpu.memory_space<vmem>>, vector<16xf32>,
      %add3A_1183 = arith.addi %mul3A_1181, %select_n3A_324 : i32
      %get3A_1184 = arith.index_cast %add3A_1183 : i32 to index
      %get3A_1185 = tpu.vector_load %arg4[%get3A_1184] {strides = array<i32>} : memref<4288xf32, #tpu.memory_space<vmem>>, vector<16xf32>,
      %mul3A_1186 = arith.mulf %get3A_1182, %get3A_1185 : vector<16xf32>
      %add3A_1187 = arith.addf %scan3A_1176, %mul3A_1186 : vector<16xf32>
      %add3A_1188 = arith.addi %mul3A_1181, %select_n3A_582 : i32
      %get3A_1189 = arith.index_cast %add3A_1188 : i32 to index
      %get3A_1190 = tpu.vector_load %arg4[%get3A_1189] {strides = array<i32>} : memref<4288xf32, #tpu.memory_space<vmem>>, vector<16xf32>,
      %mul3A_1191 = arith.mulf %get3A_1182, %get3A_1190 : vector<16xf32>
      %add3A_1192 = arith.addf %scan3A_1177, %mul3A_1191 : vector<16xf32>
      %add3A_1193 = arith.addi %mul3A_1181, %select_n3A_840 : i32
      %get3A_1194 = arith.index_cast %add3A_1193 : i32 to index
      %get3A_1195 = tpu.vector_load %arg4[%get3A_1194] {strides = array<i32>} : memref<4288xf32, #tpu.memory_space<vmem>>, vector<16xf32>,
      %mul3A_1196 = arith.mulf %get3A_1182, %get3A_1195 : vector<16xf32>
      %add3A_1197 = arith.addf %scan3A_1178, %mul3A_1196 : vector<16xf32>
      %add3A_1198 = arith.addi %mul3A_1181, %select_n3A_1098 : i32
      %get3A_1199 = arith.index_cast %add3A_1198 : i32 to index
      %get3A_1200 = tpu.vector_load %arg4[%get3A_1199] {strides = array<i32>} : memref<4288xf32, #tpu.memory_space<vmem>>, vector<16xf32>,
      %mul3A_1201 = arith.mulf %get3A_1182, %get3A_1200 : vector<16xf32>
      %add3A_1202 = arith.addf %scan3A_1179, %mul3A_1201 : vector<16xf32>
      scf.yield %add3A_1187, %add3A_1192, %add3A_1197, %add3A_1202 : vector<16xf32>, vector<16xf32>, vector<16xf32>, vector<16xf32>
    }
    %scan3A_1107 = arith.constant 256 : i32
    %iota3A = tpu.iota {dimensions = array<i32: 0>} : vector<16xi32>
    %broadcast_in_dim3A_1108 = arith.constant 0.000000e+00 : f32
    %broadcast_in_dim3A_1109 = vector.broadcast %broadcast_in_dim3A_1108 : f32 to vector<16xf32>
    %broadcast_in_dim3A_1110 = arith.constant 0.000000e+00 : f32
    %broadcast_in_dim3A_1111 = vector.broadcast %broadcast_in_dim3A_1110 : f32 to vector<16xf32>
    %reduce_sum3A = arith.constant true
    %reduce_sum3A_1112 = vector.broadcast %reduce_sum3A : i1 to vector<16xi1>
    %reduce_sum3A_1113 = tpu.scan <sum>, %scan3A_1106#0 masked %reduce_sum3A_1112 : vector<16xf32>, vector<16xi1> -> vector<16xf32>
    %reduce_sum3A_1114 = vector.extract %reduce_sum3A_1113[15] : f32 from vector<16xf32>
    %mul3A_1115 = arith.mulf %reduce_sum3A_1114, %select_n3A_328 : f32
    %eq3A_1116 = vector.broadcast %add3A_58 : i32 to vector<16xi32>
    %eq3A_1117 = arith.cmpi eq, %iota3A, %eq3A_1116 : vector<16xi32>
    %broadcast_in_dim3A_1118 = vector.broadcast %mul3A_1115 : f32 to vector<16xf32>
    %select_n3A_1119 = arith.select %eq3A_1117, %broadcast_in_dim3A_1118, %broadcast_in_dim3A_1109 : vector<16xi1>, vector<16xf32>
    %sub3A_1120 = arith.constant 16 : i32
    %sub3A_1121 = arith.subi %add3A_58, %sub3A_1120 : i32
    %eq3A_1122 = vector.broadcast %sub3A_1121 : i32 to vector<16xi32>
    %eq3A_1123 = arith.cmpi eq, %iota3A, %eq3A_1122 : vector<16xi32>
    %broadcast_in_dim3A_1124 = vector.broadcast %mul3A_1115 : f32 to vector<16xf32>
    %select_n3A_1125 = arith.select %eq3A_1123, %broadcast_in_dim3A_1124, %broadcast_in_dim3A_1111 : vector<16xi1>, vector<16xf32>
    %reduce_sum3A_1126 = arith.constant true
    %reduce_sum3A_1127 = vector.broadcast %reduce_sum3A_1126 : i1 to vector<16xi1>
    %reduce_sum3A_1128 = tpu.scan <sum>, %scan3A_1106#1 masked %reduce_sum3A_1127 : vector<16xf32>, vector<16xi1> -> vector<16xf32>
    %reduce_sum3A_1129 = vector.extract %reduce_sum3A_1128[15] : f32 from vector<16xf32>
    %mul3A_1130 = arith.mulf %reduce_sum3A_1129, %select_n3A_586 : f32
    %eq3A_1131 = vector.broadcast %add3A_62 : i32 to vector<16xi32>
    %eq3A_1132 = arith.cmpi eq, %iota3A, %eq3A_1131 : vector<16xi32>
    %broadcast_in_dim3A_1133 = vector.broadcast %mul3A_1130 : f32 to vector<16xf32>
    %select_n3A_1134 = arith.select %eq3A_1132, %broadcast_in_dim3A_1133, %select_n3A_1119 : vector<16xi1>, vector<16xf32>
    %sub3A_1135 = arith.constant 16 : i32
    %sub3A_1136 = arith.subi %add3A_62, %sub3A_1135 : i32
    %eq3A_1137 = vector.broadcast %sub3A_1136 : i32 to vector<16xi32>
    %eq3A_1138 = arith.cmpi eq, %iota3A, %eq3A_1137 : vector<16xi32>
    %broadcast_in_dim3A_1139 = vector.broadcast %mul3A_1130 : f32 to vector<16xf32>
    %select_n3A_1140 = arith.select %eq3A_1138, %broadcast_in_dim3A_1139, %select_n3A_1125 : vector<16xi1>, vector<16xf32>
    %reduce_sum3A_1141 = arith.constant true
    %reduce_sum3A_1142 = vector.broadcast %reduce_sum3A_1141 : i1 to vector<16xi1>
    %reduce_sum3A_1143 = tpu.scan <sum>, %scan3A_1106#2 masked %reduce_sum3A_1142 : vector<16xf32>, vector<16xi1> -> vector<16xf32>
    %reduce_sum3A_1144 = vector.extract %reduce_sum3A_1143[15] : f32 from vector<16xf32>
    %mul3A_1145 = arith.mulf %reduce_sum3A_1144, %select_n3A_844 : f32
    %eq3A_1146 = vector.broadcast %add3A_66 : i32 to vector<16xi32>
    %eq3A_1147 = arith.cmpi eq, %iota3A, %eq3A_1146 : vector<16xi32>
    %broadcast_in_dim3A_1148 = vector.broadcast %mul3A_1145 : f32 to vector<16xf32>
    %select_n3A_1149 = arith.select %eq3A_1147, %broadcast_in_dim3A_1148, %select_n3A_1134 : vector<16xi1>, vector<16xf32>
    %sub3A_1150 = arith.constant 16 : i32
    %sub3A_1151 = arith.subi %add3A_66, %sub3A_1150 : i32
    %eq3A_1152 = vector.broadcast %sub3A_1151 : i32 to vector<16xi32>
    %eq3A_1153 = arith.cmpi eq, %iota3A, %eq3A_1152 : vector<16xi32>
    %broadcast_in_dim3A_1154 = vector.broadcast %mul3A_1145 : f32 to vector<16xf32>
    %select_n3A_1155 = arith.select %eq3A_1153, %broadcast_in_dim3A_1154, %select_n3A_1140 : vector<16xi1>, vector<16xf32>
    %reduce_sum3A_1156 = arith.constant true
    %reduce_sum3A_1157 = vector.broadcast %reduce_sum3A_1156 : i1 to vector<16xi1>
    %reduce_sum3A_1158 = tpu.scan <sum>, %scan3A_1106#3 masked %reduce_sum3A_1157 : vector<16xf32>, vector<16xi1> -> vector<16xf32>
    %reduce_sum3A_1159 = vector.extract %reduce_sum3A_1158[15] : f32 from vector<16xf32>
    %mul3A_1160 = arith.mulf %reduce_sum3A_1159, %select_n3A_1102 : f32
    %eq3A_1161 = vector.broadcast %add3A_70 : i32 to vector<16xi32>
    %eq3A_1162 = arith.cmpi eq, %iota3A, %eq3A_1161 : vector<16xi32>
    %broadcast_in_dim3A_1163 = vector.broadcast %mul3A_1160 : f32 to vector<16xf32>
    %select_n3A_1164 = arith.select %eq3A_1162, %broadcast_in_dim3A_1163, %select_n3A_1149 : vector<16xi1>, vector<16xf32>
    %sub3A_1165 = arith.constant 16 : i32
    %sub3A_1166 = arith.subi %add3A_70, %sub3A_1165 : i32
    %eq3A_1167 = vector.broadcast %sub3A_1166 : i32 to vector<16xi32>
    %eq3A_1168 = arith.cmpi eq, %iota3A, %eq3A_1167 : vector<16xi32>
    %broadcast_in_dim3A_1169 = vector.broadcast %mul3A_1160 : f32 to vector<16xf32>
    %select_n3A_1170 = arith.select %eq3A_1168, %broadcast_in_dim3A_1169, %select_n3A_1155 : vector<16xi1>, vector<16xf32>
    %swap3A_1171 = arith.constant 0 : index
    %swap3A_1172 = tpu.vector_load %arg5[%swap3A_1171] {strides = array<i32>} : memref<32xf32, #tpu.memory_space<vmem>>, vector<16xf32>,
    tpu.vector_store %arg5[%swap3A_1171], %select_n3A_1164 {strides = array<i32>} : memref<32xf32, #tpu.memory_space<vmem>>, vector<16xf32>,
    %swap3A_1173 = arith.constant 16 : index
    %swap3A_1174 = tpu.vector_load %arg5[%swap3A_1173] {strides = array<i32>} : memref<32xf32, #tpu.memory_space<vmem>>, vector<16xf32>,
    tpu.vector_store %arg5[%swap3A_1173], %select_n3A_1170 {strides = array<i32>} : memref<32xf32, #tpu.memory_space<vmem>>, vector<16xf32>,
    "tpu.region"() ({
      %run_scoped3A = tpu.sem_alloc : memref<!tpu.dma_semaphore, #tpu.memory_space<semaphore_mem>>
      %dma_start3A = arith.constant 0 : i32
      %dma_start3A_1175 = tpu.memref_slice %arg3[%add3A, %select_n3A_30, %dma_start3A] : memref<4x8x32xf32, #tpu.memory_space<hbm>> -> memref<1x1x32xf32, #tpu.memory_space<hbm>>
      %dma_start3A_1176 = tpu.memref_squeeze %dma_start3A_1175 : memref<1x1x32xf32, #tpu.memory_space<hbm>> -> memref<32xf32, #tpu.memory_space<hbm>>
      %dma_start3A_1177 = arith.constant 0 : i32
      %dma_start3A_1178 = tpu.memref_slice %arg3[%add3A, %select_n3A_30, %dma_start3A_1177] : memref<4x8x32xf32, #tpu.memory_space<hbm>> -> memref<1x1x32xf32, #tpu.memory_space<hbm>>
      %dma_start3A_1179 = tpu.memref_squeeze %dma_start3A_1178 : memref<1x1x32xf32, #tpu.memory_space<hbm>> -> memref<32xf32, #tpu.memory_space<hbm>>
      tpu.enqueue_dma source(%arg5 : memref<32xf32, #tpu.memory_space<vmem>>) target(%dma_start3A_1179 : memref<32xf32, #tpu.memory_space<hbm>>) target_semaphore(%run_scoped3A : memref<!tpu.dma_semaphore, #tpu.memory_space<semaphore_mem>>)
      %dma_wait3A = arith.constant 0 : i32
      %dma_wait3A_1180 = tpu.memref_slice %arg3[%add3A, %select_n3A_30, %dma_wait3A] : memref<4x8x32xf32, #tpu.memory_space<hbm>> -> memref<1x1x32xf32, #tpu.memory_space<hbm>>
      %dma_wait3A_1181 = tpu.memref_squeeze %dma_wait3A_1180 : memref<1x1x32xf32, #tpu.memory_space<hbm>> -> memref<32xf32, #tpu.memory_space<hbm>>
      %dma_wait3A_1182 = arith.constant 0 : i32
      %dma_wait3A_1183 = tpu.memref_slice %arg3[%add3A, %select_n3A_30, %dma_wait3A_1182] : memref<4x8x32xf32, #tpu.memory_space<hbm>> -> memref<1x1x32xf32, #tpu.memory_space<hbm>>
      %dma_wait3A_1184 = tpu.memref_squeeze %dma_wait3A_1183 : memref<1x1x32xf32, #tpu.memory_space<hbm>> -> memref<32xf32, #tpu.memory_space<hbm>>
      tpu.wait_dma2 semaphore(%run_scoped3A : memref<!tpu.dma_semaphore, #tpu.memory_space<semaphore_mem>>) src(%arg5 : memref<32xf32, #tpu.memory_space<vmem>>) dst(%dma_wait3A_1184 : memref<32xf32, #tpu.memory_space<hbm>>)
      tpu.yield
    }) : () -> ()
    return
  }
}

#map = affine_map<(d0, d1) -> (0, 0, 0)>
#map1 = affine_map<(d0, d1) -> (0, 0)>
module attributes {stable_mosaic.version = 14 : i64} {
  func.func @_sc_topk_body(%arg0: i32, %arg1: i32, %arg2: memref<4x8x32xf32, #tpu.memory_space<hbm>>, %arg3: memref<4x32xf32, #tpu.memory_space<hbm>>, %arg4: memref<8x32xf32, #tpu.memory_space<vmem>>, %arg5: memref<32xf32, #tpu.memory_space<vmem>>) attributes {dimension_semantics = [#tpu.dimension_semantics<core_parallel>, #tpu.dimension_semantics<subcore_parallel>], iteration_bounds = array<i64: 2, 16>, scalar_prefetch = 0 : i64, scratch_operands = 2 : i64, tpu.core_type = #tpu.core_type<sc_vector_subcore>, window_params = [{transform_indices = #map}, {transform_indices = #map1}]} {
    %mul3A = arith.constant 2 : i32
    %mul3A_0 = arith.muli %arg1, %mul3A : i32
    %add3A = arith.addi %mul3A_0, %arg0 : i32
    %lt3A = arith.constant 4 : i32
    %lt3A_1 = arith.cmpi slt, %add3A, %lt3A : i32
    %convert_element_type3A = arith.extui %lt3A_1 : i1 to i32
    %cond3A = arith.constant 0 : i32
    %cond3A_2 = arith.cmpi ne, %convert_element_type3A, %cond3A : i32
    scf.if %cond3A_2 {
      "tpu.region"() ({
        %run_scoped3A = tpu.sem_alloc : memref<!tpu.dma_semaphore, #tpu.memory_space<semaphore_mem>>
        %dma_start3A = arith.constant 0 : i32
        %dma_start3A_408 = arith.constant 0 : i32
        %dma_start3A_409 = tpu.memref_slice %arg2[%add3A, %dma_start3A, %dma_start3A_408] : memref<4x8x32xf32, #tpu.memory_space<hbm>> -> memref<1x8x32xf32, #tpu.memory_space<hbm>>
        %dma_start3A_410 = tpu.memref_squeeze %dma_start3A_409 : memref<1x8x32xf32, #tpu.memory_space<hbm>> -> memref<8x32xf32, #tpu.memory_space<hbm>>
        %dma_start3A_411 = arith.constant 0 : i32
        %dma_start3A_412 = arith.constant 0 : i32
        %dma_start3A_413 = tpu.memref_slice %arg2[%add3A, %dma_start3A_411, %dma_start3A_412] : memref<4x8x32xf32, #tpu.memory_space<hbm>> -> memref<1x8x32xf32, #tpu.memory_space<hbm>>
        %dma_start3A_414 = tpu.memref_squeeze %dma_start3A_413 : memref<1x8x32xf32, #tpu.memory_space<hbm>> -> memref<8x32xf32, #tpu.memory_space<hbm>>
        tpu.enqueue_dma source(%dma_start3A_414 : memref<8x32xf32, #tpu.memory_space<hbm>>) target(%arg4 : memref<8x32xf32, #tpu.memory_space<vmem>>) target_semaphore(%run_scoped3A : memref<!tpu.dma_semaphore, #tpu.memory_space<semaphore_mem>>)
        %dma_wait3A = arith.constant 0 : i32
        %dma_wait3A_415 = arith.constant 0 : i32
        %dma_wait3A_416 = tpu.memref_slice %arg2[%add3A, %dma_wait3A, %dma_wait3A_415] : memref<4x8x32xf32, #tpu.memory_space<hbm>> -> memref<1x8x32xf32, #tpu.memory_space<hbm>>
        %dma_wait3A_417 = tpu.memref_squeeze %dma_wait3A_416 : memref<1x8x32xf32, #tpu.memory_space<hbm>> -> memref<8x32xf32, #tpu.memory_space<hbm>>
        %dma_wait3A_418 = arith.constant 0 : i32
        %dma_wait3A_419 = arith.constant 0 : i32
        %dma_wait3A_420 = tpu.memref_slice %arg2[%add3A, %dma_wait3A_418, %dma_wait3A_419] : memref<4x8x32xf32, #tpu.memory_space<hbm>> -> memref<1x8x32xf32, #tpu.memory_space<hbm>>
        %dma_wait3A_421 = tpu.memref_squeeze %dma_wait3A_420 : memref<1x8x32xf32, #tpu.memory_space<hbm>> -> memref<8x32xf32, #tpu.memory_space<hbm>>
        tpu.wait_dma2 semaphore(%run_scoped3A : memref<!tpu.dma_semaphore, #tpu.memory_space<semaphore_mem>>) src(%dma_wait3A_421 : memref<8x32xf32, #tpu.memory_space<hbm>>) dst(%arg4 : memref<8x32xf32, #tpu.memory_space<vmem>>)
        tpu.yield
      }) : () -> ()
      %iota3A = tpu.iota {dimensions = array<i32: 0>} : vector<16xi32>
      %broadcast_in_dim3A = arith.constant 0.000000e+00 : f32
      %broadcast_in_dim3A_3 = vector.broadcast %broadcast_in_dim3A : f32 to vector<16xf32>
      %broadcast_in_dim3A_4 = arith.constant 0.000000e+00 : f32
      %broadcast_in_dim3A_5 = vector.broadcast %broadcast_in_dim3A_4 : f32 to vector<16xf32>
      %get3A = arith.constant 0 : i32
      %get3A_6 = arith.index_cast %get3A : i32 to index
      %get3A_7 = arith.constant 0 : index
      %get3A_8 = tpu.vector_load %arg4[%get3A_6, %get3A_7] {strides = array<i32>} : memref<8x32xf32, #tpu.memory_space<vmem>>, vector<16xf32>,
      %add3A_9 = arith.addf %broadcast_in_dim3A_3, %get3A_8 : vector<16xf32>
      %get3A_10 = arith.constant 0 : i32
      %get3A_11 = arith.index_cast %get3A_10 : i32 to index
      %get3A_12 = arith.constant 16 : index
      %get3A_13 = tpu.vector_load %arg4[%get3A_11, %get3A_12] {strides = array<i32>} : memref<8x32xf32, #tpu.memory_space<vmem>>, vector<16xf32>,
      %add3A_14 = arith.addf %broadcast_in_dim3A_5, %get3A_13 : vector<16xf32>
      %get3A_15 = arith.constant 1 : i32
      %get3A_16 = arith.index_cast %get3A_15 : i32 to index
      %get3A_17 = arith.constant 0 : index
      %get3A_18 = tpu.vector_load %arg4[%get3A_16, %get3A_17] {strides = array<i32>} : memref<8x32xf32, #tpu.memory_space<vmem>>, vector<16xf32>,
      %add3A_19 = arith.addf %add3A_9, %get3A_18 : vector<16xf32>
      %get3A_20 = arith.constant 1 : i32
      %get3A_21 = arith.index_cast %get3A_20 : i32 to index
      %get3A_22 = arith.constant 16 : index
      %get3A_23 = tpu.vector_load %arg4[%get3A_21, %get3A_22] {strides = array<i32>} : memref<8x32xf32, #tpu.memory_space<vmem>>, vector<16xf32>,
      %add3A_24 = arith.addf %add3A_14, %get3A_23 : vector<16xf32>
      %get3A_25 = arith.constant 2 : i32
      %get3A_26 = arith.index_cast %get3A_25 : i32 to index
      %get3A_27 = arith.constant 0 : index
      %get3A_28 = tpu.vector_load %arg4[%get3A_26, %get3A_27] {strides = array<i32>} : memref<8x32xf32, #tpu.memory_space<vmem>>, vector<16xf32>,
      %add3A_29 = arith.addf %add3A_19, %get3A_28 : vector<16xf32>
      %get3A_30 = arith.constant 2 : i32
      %get3A_31 = arith.index_cast %get3A_30 : i32 to index
      %get3A_32 = arith.constant 16 : index
      %get3A_33 = tpu.vector_load %arg4[%get3A_31, %get3A_32] {strides = array<i32>} : memref<8x32xf32, #tpu.memory_space<vmem>>, vector<16xf32>,
      %add3A_34 = arith.addf %add3A_24, %get3A_33 : vector<16xf32>
      %get3A_35 = arith.constant 3 : i32
      %get3A_36 = arith.index_cast %get3A_35 : i32 to index
      %get3A_37 = arith.constant 0 : index
      %get3A_38 = tpu.vector_load %arg4[%get3A_36, %get3A_37] {strides = array<i32>} : memref<8x32xf32, #tpu.memory_space<vmem>>, vector<16xf32>,
      %add3A_39 = arith.addf %add3A_29, %get3A_38 : vector<16xf32>
      %get3A_40 = arith.constant 3 : i32
      %get3A_41 = arith.index_cast %get3A_40 : i32 to index
      %get3A_42 = arith.constant 16 : index
      %get3A_43 = tpu.vector_load %arg4[%get3A_41, %get3A_42] {strides = array<i32>} : memref<8x32xf32, #tpu.memory_space<vmem>>, vector<16xf32>,
      %add3A_44 = arith.addf %add3A_34, %get3A_43 : vector<16xf32>
      %get3A_45 = arith.constant 4 : i32
      %get3A_46 = arith.index_cast %get3A_45 : i32 to index
      %get3A_47 = arith.constant 0 : index
      %get3A_48 = tpu.vector_load %arg4[%get3A_46, %get3A_47] {strides = array<i32>} : memref<8x32xf32, #tpu.memory_space<vmem>>, vector<16xf32>,
      %add3A_49 = arith.addf %add3A_39, %get3A_48 : vector<16xf32>
      %get3A_50 = arith.constant 4 : i32
      %get3A_51 = arith.index_cast %get3A_50 : i32 to index
      %get3A_52 = arith.constant 16 : index
      %get3A_53 = tpu.vector_load %arg4[%get3A_51, %get3A_52] {strides = array<i32>} : memref<8x32xf32, #tpu.memory_space<vmem>>, vector<16xf32>,
      %add3A_54 = arith.addf %add3A_44, %get3A_53 : vector<16xf32>
      %get3A_55 = arith.constant 5 : i32
      %get3A_56 = arith.index_cast %get3A_55 : i32 to index
      %get3A_57 = arith.constant 0 : index
      %get3A_58 = tpu.vector_load %arg4[%get3A_56, %get3A_57] {strides = array<i32>} : memref<8x32xf32, #tpu.memory_space<vmem>>, vector<16xf32>,
      %add3A_59 = arith.addf %add3A_49, %get3A_58 : vector<16xf32>
      %get3A_60 = arith.constant 5 : i32
      %get3A_61 = arith.index_cast %get3A_60 : i32 to index
      %get3A_62 = arith.constant 16 : index
      %get3A_63 = tpu.vector_load %arg4[%get3A_61, %get3A_62] {strides = array<i32>} : memref<8x32xf32, #tpu.memory_space<vmem>>, vector<16xf32>,
      %add3A_64 = arith.addf %add3A_54, %get3A_63 : vector<16xf32>
      %get3A_65 = arith.constant 6 : i32
      %get3A_66 = arith.index_cast %get3A_65 : i32 to index
      %get3A_67 = arith.constant 0 : index
      %get3A_68 = tpu.vector_load %arg4[%get3A_66, %get3A_67] {strides = array<i32>} : memref<8x32xf32, #tpu.memory_space<vmem>>, vector<16xf32>,
      %add3A_69 = arith.addf %add3A_59, %get3A_68 : vector<16xf32>
      %get3A_70 = arith.constant 6 : i32
      %get3A_71 = arith.index_cast %get3A_70 : i32 to index
      %get3A_72 = arith.constant 16 : index
      %get3A_73 = tpu.vector_load %arg4[%get3A_71, %get3A_72] {strides = array<i32>} : memref<8x32xf32, #tpu.memory_space<vmem>>, vector<16xf32>,
      %add3A_74 = arith.addf %add3A_64, %get3A_73 : vector<16xf32>
      %get3A_75 = arith.constant 7 : i32
      %get3A_76 = arith.index_cast %get3A_75 : i32 to index
      %get3A_77 = arith.constant 0 : index
      %get3A_78 = tpu.vector_load %arg4[%get3A_76, %get3A_77] {strides = array<i32>} : memref<8x32xf32, #tpu.memory_space<vmem>>, vector<16xf32>,
      %add3A_79 = arith.addf %add3A_69, %get3A_78 : vector<16xf32>
      %get3A_80 = arith.constant 7 : i32
      %get3A_81 = arith.index_cast %get3A_80 : i32 to index
      %get3A_82 = arith.constant 16 : index
      %get3A_83 = tpu.vector_load %arg4[%get3A_81, %get3A_82] {strides = array<i32>} : memref<8x32xf32, #tpu.memory_space<vmem>>, vector<16xf32>,
      %add3A_84 = arith.addf %add3A_74, %get3A_83 : vector<16xf32>
      %reduce_max3A = arith.constant true
      %reduce_max3A_85 = vector.broadcast %reduce_max3A : i1 to vector<16xi1>
      %reduce_max3A_86 = tpu.scan <max>, %add3A_79 masked %reduce_max3A_85 : vector<16xf32>, vector<16xi1> -> vector<16xf32>
      %reduce_max3A_87 = vector.extract %reduce_max3A_86[15] : f32 from vector<16xf32>
      %reduce_max3A_88 = arith.constant true
      %reduce_max3A_89 = vector.broadcast %reduce_max3A_88 : i1 to vector<16xi1>
      %reduce_max3A_90 = tpu.scan <max>, %add3A_84 masked %reduce_max3A_89 : vector<16xf32>, vector<16xi1> -> vector<16xf32>
      %reduce_max3A_91 = vector.extract %reduce_max3A_90[15] : f32 from vector<16xf32>
      %max3A = arith.maximumf %reduce_max3A_87, %reduce_max3A_91 : f32
      %eq3A = vector.broadcast %max3A : f32 to vector<16xf32>
      %eq3A_92 = arith.cmpf oeq, %add3A_79, %eq3A : vector<16xf32>
      %jit3A = arith.constant 99 : i32
      %broadcast_in_dim3A_93 = vector.broadcast %jit3A : i32 to vector<16xi32>
      %select_n3A = arith.select %eq3A_92, %iota3A, %broadcast_in_dim3A_93 : vector<16xi1>, vector<16xi32>
      %reduce_min3A = arith.constant true
      %reduce_min3A_94 = vector.broadcast %reduce_min3A : i1 to vector<16xi1>
      %reduce_min3A_95 = arith.constant -2147483648 : i32
      %reduce_min3A_96 = vector.broadcast %reduce_min3A_95 : i32 to vector<16xi32>
      %reduce_min3A_97 = arith.xori %select_n3A, %reduce_min3A_96 : vector<16xi32>
      %reduce_min3A_98 = tpu.scan <min>, %reduce_min3A_97 masked %reduce_min3A_94 : vector<16xi32>, vector<16xi1> -> vector<16xi32>
      %reduce_min3A_99 = arith.xori %reduce_min3A_98, %reduce_min3A_96 : vector<16xi32>
      %reduce_min3A_100 = vector.extract %reduce_min3A_99[15] : i32 from vector<16xi32>
      %eq3A_101 = vector.broadcast %max3A : f32 to vector<16xf32>
      %eq3A_102 = arith.cmpf oeq, %add3A_84, %eq3A_101 : vector<16xf32>
      %add3A_103 = arith.constant 16 : i32
      %add3A_104 = vector.broadcast %add3A_103 : i32 to vector<16xi32>
      %add3A_105 = arith.addi %iota3A, %add3A_104 : vector<16xi32>
      %jit3A_106 = arith.constant 99 : i32
      %broadcast_in_dim3A_107 = vector.broadcast %jit3A_106 : i32 to vector<16xi32>
      %select_n3A_108 = arith.select %eq3A_102, %add3A_105, %broadcast_in_dim3A_107 : vector<16xi1>, vector<16xi32>
      %reduce_min3A_109 = arith.constant true
      %reduce_min3A_110 = vector.broadcast %reduce_min3A_109 : i1 to vector<16xi1>
      %reduce_min3A_111 = arith.constant -2147483648 : i32
      %reduce_min3A_112 = vector.broadcast %reduce_min3A_111 : i32 to vector<16xi32>
      %reduce_min3A_113 = arith.xori %select_n3A_108, %reduce_min3A_112 : vector<16xi32>
      %reduce_min3A_114 = tpu.scan <min>, %reduce_min3A_113 masked %reduce_min3A_110 : vector<16xi32>, vector<16xi1> -> vector<16xi32>
      %reduce_min3A_115 = arith.xori %reduce_min3A_114, %reduce_min3A_112 : vector<16xi32>
      %reduce_min3A_116 = vector.extract %reduce_min3A_115[15] : i32 from vector<16xi32>
      %min3A = arith.minsi %reduce_min3A_100, %reduce_min3A_116 : i32
      %eq3A_117 = vector.broadcast %min3A : i32 to vector<16xi32>
      %eq3A_118 = arith.cmpi eq, %iota3A, %eq3A_117 : vector<16xi32>
      %jit3A_119 = arith.constant -3.000000e+38 : f32
      %broadcast_in_dim3A_120 = vector.broadcast %jit3A_119 : f32 to vector<16xf32>
      %select_n3A_121 = arith.select %eq3A_118, %broadcast_in_dim3A_120, %add3A_79 : vector<16xi1>, vector<16xf32>
      %add3A_122 = arith.constant 16 : i32
      %add3A_123 = vector.broadcast %add3A_122 : i32 to vector<16xi32>
      %add3A_124 = arith.addi %iota3A, %add3A_123 : vector<16xi32>
      %eq3A_125 = vector.broadcast %min3A : i32 to vector<16xi32>
      %eq3A_126 = arith.cmpi eq, %add3A_124, %eq3A_125 : vector<16xi32>
      %jit3A_127 = arith.constant -3.000000e+38 : f32
      %broadcast_in_dim3A_128 = vector.broadcast %jit3A_127 : f32 to vector<16xf32>
      %select_n3A_129 = arith.select %eq3A_126, %broadcast_in_dim3A_128, %add3A_84 : vector<16xi1>, vector<16xf32>
      %reduce_max3A_130 = arith.constant true
      %reduce_max3A_131 = vector.broadcast %reduce_max3A_130 : i1 to vector<16xi1>
      %reduce_max3A_132 = tpu.scan <max>, %select_n3A_121 masked %reduce_max3A_131 : vector<16xf32>, vector<16xi1> -> vector<16xf32>
      %reduce_max3A_133 = vector.extract %reduce_max3A_132[15] : f32 from vector<16xf32>
      %reduce_max3A_134 = arith.constant true
      %reduce_max3A_135 = vector.broadcast %reduce_max3A_134 : i1 to vector<16xi1>
      %reduce_max3A_136 = tpu.scan <max>, %select_n3A_129 masked %reduce_max3A_135 : vector<16xf32>, vector<16xi1> -> vector<16xf32>
      %reduce_max3A_137 = vector.extract %reduce_max3A_136[15] : f32 from vector<16xf32>
      %max3A_138 = arith.maximumf %reduce_max3A_133, %reduce_max3A_137 : f32
      %eq3A_139 = vector.broadcast %max3A_138 : f32 to vector<16xf32>
      %eq3A_140 = arith.cmpf oeq, %select_n3A_121, %eq3A_139 : vector<16xf32>
      %jit3A_141 = arith.constant 99 : i32
      %broadcast_in_dim3A_142 = vector.broadcast %jit3A_141 : i32 to vector<16xi32>
      %select_n3A_143 = arith.select %eq3A_140, %iota3A, %broadcast_in_dim3A_142 : vector<16xi1>, vector<16xi32>
      %reduce_min3A_144 = arith.constant true
      %reduce_min3A_145 = vector.broadcast %reduce_min3A_144 : i1 to vector<16xi1>
      %reduce_min3A_146 = arith.constant -2147483648 : i32
      %reduce_min3A_147 = vector.broadcast %reduce_min3A_146 : i32 to vector<16xi32>
      %reduce_min3A_148 = arith.xori %select_n3A_143, %reduce_min3A_147 : vector<16xi32>
      %reduce_min3A_149 = tpu.scan <min>, %reduce_min3A_148 masked %reduce_min3A_145 : vector<16xi32>, vector<16xi1> -> vector<16xi32>
      %reduce_min3A_150 = arith.xori %reduce_min3A_149, %reduce_min3A_147 : vector<16xi32>
      %reduce_min3A_151 = vector.extract %reduce_min3A_150[15] : i32 from vector<16xi32>
      %eq3A_152 = vector.broadcast %max3A_138 : f32 to vector<16xf32>
      %eq3A_153 = arith.cmpf oeq, %select_n3A_129, %eq3A_152 : vector<16xf32>
      %add3A_154 = arith.constant 16 : i32
      %add3A_155 = vector.broadcast %add3A_154 : i32 to vector<16xi32>
      %add3A_156 = arith.addi %iota3A, %add3A_155 : vector<16xi32>
      %jit3A_157 = arith.constant 99 : i32
      %broadcast_in_dim3A_158 = vector.broadcast %jit3A_157 : i32 to vector<16xi32>
      %select_n3A_159 = arith.select %eq3A_153, %add3A_156, %broadcast_in_dim3A_158 : vector<16xi1>, vector<16xi32>
      %reduce_min3A_160 = arith.constant true
      %reduce_min3A_161 = vector.broadcast %reduce_min3A_160 : i1 to vector<16xi1>
      %reduce_min3A_162 = arith.constant -2147483648 : i32
      %reduce_min3A_163 = vector.broadcast %reduce_min3A_162 : i32 to vector<16xi32>
      %reduce_min3A_164 = arith.xori %select_n3A_159, %reduce_min3A_163 : vector<16xi32>
      %reduce_min3A_165 = tpu.scan <min>, %reduce_min3A_164 masked %reduce_min3A_161 : vector<16xi32>, vector<16xi1> -> vector<16xi32>
      %reduce_min3A_166 = arith.xori %reduce_min3A_165, %reduce_min3A_163 : vector<16xi32>
      %reduce_min3A_167 = vector.extract %reduce_min3A_166[15] : i32 from vector<16xi32>
      %min3A_168 = arith.minsi %reduce_min3A_151, %reduce_min3A_167 : i32
      %eq3A_169 = vector.broadcast %min3A_168 : i32 to vector<16xi32>
      %eq3A_170 = arith.cmpi eq, %iota3A, %eq3A_169 : vector<16xi32>
      %jit3A_171 = arith.constant -3.000000e+38 : f32
      %broadcast_in_dim3A_172 = vector.broadcast %jit3A_171 : f32 to vector<16xf32>
      %select_n3A_173 = arith.select %eq3A_170, %broadcast_in_dim3A_172, %select_n3A_121 : vector<16xi1>, vector<16xf32>
      %add3A_174 = arith.constant 16 : i32
      %add3A_175 = vector.broadcast %add3A_174 : i32 to vector<16xi32>
      %add3A_176 = arith.addi %iota3A, %add3A_175 : vector<16xi32>
      %eq3A_177 = vector.broadcast %min3A_168 : i32 to vector<16xi32>
      %eq3A_178 = arith.cmpi eq, %add3A_176, %eq3A_177 : vector<16xi32>
      %jit3A_179 = arith.constant -3.000000e+38 : f32
      %broadcast_in_dim3A_180 = vector.broadcast %jit3A_179 : f32 to vector<16xf32>
      %select_n3A_181 = arith.select %eq3A_178, %broadcast_in_dim3A_180, %select_n3A_129 : vector<16xi1>, vector<16xf32>
      %reduce_max3A_182 = arith.constant true
      %reduce_max3A_183 = vector.broadcast %reduce_max3A_182 : i1 to vector<16xi1>
      %reduce_max3A_184 = tpu.scan <max>, %select_n3A_173 masked %reduce_max3A_183 : vector<16xf32>, vector<16xi1> -> vector<16xf32>
      %reduce_max3A_185 = vector.extract %reduce_max3A_184[15] : f32 from vector<16xf32>
      %reduce_max3A_186 = arith.constant true
      %reduce_max3A_187 = vector.broadcast %reduce_max3A_186 : i1 to vector<16xi1>
      %reduce_max3A_188 = tpu.scan <max>, %select_n3A_181 masked %reduce_max3A_187 : vector<16xf32>, vector<16xi1> -> vector<16xf32>
      %reduce_max3A_189 = vector.extract %reduce_max3A_188[15] : f32 from vector<16xf32>
      %max3A_190 = arith.maximumf %reduce_max3A_185, %reduce_max3A_189 : f32
      %eq3A_191 = vector.broadcast %max3A_190 : f32 to vector<16xf32>
      %eq3A_192 = arith.cmpf oeq, %select_n3A_173, %eq3A_191 : vector<16xf32>
      %jit3A_193 = arith.constant 99 : i32
      %broadcast_in_dim3A_194 = vector.broadcast %jit3A_193 : i32 to vector<16xi32>
      %select_n3A_195 = arith.select %eq3A_192, %iota3A, %broadcast_in_dim3A_194 : vector<16xi1>, vector<16xi32>
      %reduce_min3A_196 = arith.constant true
      %reduce_min3A_197 = vector.broadcast %reduce_min3A_196 : i1 to vector<16xi1>
      %reduce_min3A_198 = arith.constant -2147483648 : i32
      %reduce_min3A_199 = vector.broadcast %reduce_min3A_198 : i32 to vector<16xi32>
      %reduce_min3A_200 = arith.xori %select_n3A_195, %reduce_min3A_199 : vector<16xi32>
      %reduce_min3A_201 = tpu.scan <min>, %reduce_min3A_200 masked %reduce_min3A_197 : vector<16xi32>, vector<16xi1> -> vector<16xi32>
      %reduce_min3A_202 = arith.xori %reduce_min3A_201, %reduce_min3A_199 : vector<16xi32>
      %reduce_min3A_203 = vector.extract %reduce_min3A_202[15] : i32 from vector<16xi32>
      %eq3A_204 = vector.broadcast %max3A_190 : f32 to vector<16xf32>
      %eq3A_205 = arith.cmpf oeq, %select_n3A_181, %eq3A_204 : vector<16xf32>
      %add3A_206 = arith.constant 16 : i32
      %add3A_207 = vector.broadcast %add3A_206 : i32 to vector<16xi32>
      %add3A_208 = arith.addi %iota3A, %add3A_207 : vector<16xi32>
      %jit3A_209 = arith.constant 99 : i32
      %broadcast_in_dim3A_210 = vector.broadcast %jit3A_209 : i32 to vector<16xi32>
      %select_n3A_211 = arith.select %eq3A_205, %add3A_208, %broadcast_in_dim3A_210 : vector<16xi1>, vector<16xi32>
      %reduce_min3A_212 = arith.constant true
      %reduce_min3A_213 = vector.broadcast %reduce_min3A_212 : i1 to vector<16xi1>
      %reduce_min3A_214 = arith.constant -2147483648 : i32
      %reduce_min3A_215 = vector.broadcast %reduce_min3A_214 : i32 to vector<16xi32>
      %reduce_min3A_216 = arith.xori %select_n3A_211, %reduce_min3A_215 : vector<16xi32>
      %reduce_min3A_217 = tpu.scan <min>, %reduce_min3A_216 masked %reduce_min3A_213 : vector<16xi32>, vector<16xi1> -> vector<16xi32>
      %reduce_min3A_218 = arith.xori %reduce_min3A_217, %reduce_min3A_215 : vector<16xi32>
      %reduce_min3A_219 = vector.extract %reduce_min3A_218[15] : i32 from vector<16xi32>
      %min3A_220 = arith.minsi %reduce_min3A_203, %reduce_min3A_219 : i32
      %eq3A_221 = vector.broadcast %min3A_220 : i32 to vector<16xi32>
      %eq3A_222 = arith.cmpi eq, %iota3A, %eq3A_221 : vector<16xi32>
      %jit3A_223 = arith.constant -3.000000e+38 : f32
      %broadcast_in_dim3A_224 = vector.broadcast %jit3A_223 : f32 to vector<16xf32>
      %select_n3A_225 = arith.select %eq3A_222, %broadcast_in_dim3A_224, %select_n3A_173 : vector<16xi1>, vector<16xf32>
      %add3A_226 = arith.constant 16 : i32
      %add3A_227 = vector.broadcast %add3A_226 : i32 to vector<16xi32>
      %add3A_228 = arith.addi %iota3A, %add3A_227 : vector<16xi32>
      %eq3A_229 = vector.broadcast %min3A_220 : i32 to vector<16xi32>
      %eq3A_230 = arith.cmpi eq, %add3A_228, %eq3A_229 : vector<16xi32>
      %jit3A_231 = arith.constant -3.000000e+38 : f32
      %broadcast_in_dim3A_232 = vector.broadcast %jit3A_231 : f32 to vector<16xf32>
      %select_n3A_233 = arith.select %eq3A_230, %broadcast_in_dim3A_232, %select_n3A_181 : vector<16xi1>, vector<16xf32>
      %reduce_max3A_234 = arith.constant true
      %reduce_max3A_235 = vector.broadcast %reduce_max3A_234 : i1 to vector<16xi1>
      %reduce_max3A_236 = tpu.scan <max>, %select_n3A_225 masked %reduce_max3A_235 : vector<16xf32>, vector<16xi1> -> vector<16xf32>
      %reduce_max3A_237 = vector.extract %reduce_max3A_236[15] : f32 from vector<16xf32>
      %reduce_max3A_238 = arith.constant true
      %reduce_max3A_239 = vector.broadcast %reduce_max3A_238 : i1 to vector<16xi1>
      %reduce_max3A_240 = tpu.scan <max>, %select_n3A_233 masked %reduce_max3A_239 : vector<16xf32>, vector<16xi1> -> vector<16xf32>
      %reduce_max3A_241 = vector.extract %reduce_max3A_240[15] : f32 from vector<16xf32>
      %max3A_242 = arith.maximumf %reduce_max3A_237, %reduce_max3A_241 : f32
      %eq3A_243 = vector.broadcast %max3A_242 : f32 to vector<16xf32>
      %eq3A_244 = arith.cmpf oeq, %select_n3A_225, %eq3A_243 : vector<16xf32>
      %jit3A_245 = arith.constant 99 : i32
      %broadcast_in_dim3A_246 = vector.broadcast %jit3A_245 : i32 to vector<16xi32>
      %select_n3A_247 = arith.select %eq3A_244, %iota3A, %broadcast_in_dim3A_246 : vector<16xi1>, vector<16xi32>
      %reduce_min3A_248 = arith.constant true
      %reduce_min3A_249 = vector.broadcast %reduce_min3A_248 : i1 to vector<16xi1>
      %reduce_min3A_250 = arith.constant -2147483648 : i32
      %reduce_min3A_251 = vector.broadcast %reduce_min3A_250 : i32 to vector<16xi32>
      %reduce_min3A_252 = arith.xori %select_n3A_247, %reduce_min3A_251 : vector<16xi32>
      %reduce_min3A_253 = tpu.scan <min>, %reduce_min3A_252 masked %reduce_min3A_249 : vector<16xi32>, vector<16xi1> -> vector<16xi32>
      %reduce_min3A_254 = arith.xori %reduce_min3A_253, %reduce_min3A_251 : vector<16xi32>
      %reduce_min3A_255 = vector.extract %reduce_min3A_254[15] : i32 from vector<16xi32>
      %eq3A_256 = vector.broadcast %max3A_242 : f32 to vector<16xf32>
      %eq3A_257 = arith.cmpf oeq, %select_n3A_233, %eq3A_256 : vector<16xf32>
      %add3A_258 = arith.constant 16 : i32
      %add3A_259 = vector.broadcast %add3A_258 : i32 to vector<16xi32>
      %add3A_260 = arith.addi %iota3A, %add3A_259 : vector<16xi32>
      %jit3A_261 = arith.constant 99 : i32
      %broadcast_in_dim3A_262 = vector.broadcast %jit3A_261 : i32 to vector<16xi32>
      %select_n3A_263 = arith.select %eq3A_257, %add3A_260, %broadcast_in_dim3A_262 : vector<16xi1>, vector<16xi32>
      %reduce_min3A_264 = arith.constant true
      %reduce_min3A_265 = vector.broadcast %reduce_min3A_264 : i1 to vector<16xi1>
      %reduce_min3A_266 = arith.constant -2147483648 : i32
      %reduce_min3A_267 = vector.broadcast %reduce_min3A_266 : i32 to vector<16xi32>
      %reduce_min3A_268 = arith.xori %select_n3A_263, %reduce_min3A_267 : vector<16xi32>
      %reduce_min3A_269 = tpu.scan <min>, %reduce_min3A_268 masked %reduce_min3A_265 : vector<16xi32>, vector<16xi1> -> vector<16xi32>
      %reduce_min3A_270 = arith.xori %reduce_min3A_269, %reduce_min3A_267 : vector<16xi32>
      %reduce_min3A_271 = vector.extract %reduce_min3A_270[15] : i32 from vector<16xi32>
      %min3A_272 = arith.minsi %reduce_min3A_255, %reduce_min3A_271 : i32
      %eq3A_273 = vector.broadcast %min3A_272 : i32 to vector<16xi32>
      %eq3A_274 = arith.cmpi eq, %iota3A, %eq3A_273 : vector<16xi32>
      %jit3A_275 = arith.constant -3.000000e+38 : f32
      %broadcast_in_dim3A_276 = vector.broadcast %jit3A_275 : f32 to vector<16xf32>
      %select_n3A_277 = arith.select %eq3A_274, %broadcast_in_dim3A_276, %select_n3A_225 : vector<16xi1>, vector<16xf32>
      %add3A_278 = arith.constant 16 : i32
      %add3A_279 = vector.broadcast %add3A_278 : i32 to vector<16xi32>
      %add3A_280 = arith.addi %iota3A, %add3A_279 : vector<16xi32>
      %eq3A_281 = vector.broadcast %min3A_272 : i32 to vector<16xi32>
      %eq3A_282 = arith.cmpi eq, %add3A_280, %eq3A_281 : vector<16xi32>
      %jit3A_283 = arith.constant -3.000000e+38 : f32
      %broadcast_in_dim3A_284 = vector.broadcast %jit3A_283 : f32 to vector<16xf32>
      %select_n3A_285 = arith.select %eq3A_282, %broadcast_in_dim3A_284, %select_n3A_233 : vector<16xi1>, vector<16xf32>
      %reduce_max3A_286 = arith.constant true
      %reduce_max3A_287 = vector.broadcast %reduce_max3A_286 : i1 to vector<16xi1>
      %reduce_max3A_288 = tpu.scan <max>, %select_n3A_277 masked %reduce_max3A_287 : vector<16xf32>, vector<16xi1> -> vector<16xf32>
      %reduce_max3A_289 = vector.extract %reduce_max3A_288[15] : f32 from vector<16xf32>
      %reduce_max3A_290 = arith.constant true
      %reduce_max3A_291 = vector.broadcast %reduce_max3A_290 : i1 to vector<16xi1>
      %reduce_max3A_292 = tpu.scan <max>, %select_n3A_285 masked %reduce_max3A_291 : vector<16xf32>, vector<16xi1> -> vector<16xf32>
      %reduce_max3A_293 = vector.extract %reduce_max3A_292[15] : f32 from vector<16xf32>
      %max3A_294 = arith.maximumf %reduce_max3A_289, %reduce_max3A_293 : f32
      %eq3A_295 = vector.broadcast %max3A_294 : f32 to vector<16xf32>
      %eq3A_296 = arith.cmpf oeq, %select_n3A_277, %eq3A_295 : vector<16xf32>
      %jit3A_297 = arith.constant 99 : i32
      %broadcast_in_dim3A_298 = vector.broadcast %jit3A_297 : i32 to vector<16xi32>
      %select_n3A_299 = arith.select %eq3A_296, %iota3A, %broadcast_in_dim3A_298 : vector<16xi1>, vector<16xi32>
      %reduce_min3A_300 = arith.constant true
      %reduce_min3A_301 = vector.broadcast %reduce_min3A_300 : i1 to vector<16xi1>
      %reduce_min3A_302 = arith.constant -2147483648 : i32
      %reduce_min3A_303 = vector.broadcast %reduce_min3A_302 : i32 to vector<16xi32>
      %reduce_min3A_304 = arith.xori %select_n3A_299, %reduce_min3A_303 : vector<16xi32>
      %reduce_min3A_305 = tpu.scan <min>, %reduce_min3A_304 masked %reduce_min3A_301 : vector<16xi32>, vector<16xi1> -> vector<16xi32>
      %reduce_min3A_306 = arith.xori %reduce_min3A_305, %reduce_min3A_303 : vector<16xi32>
      %reduce_min3A_307 = vector.extract %reduce_min3A_306[15] : i32 from vector<16xi32>
      %eq3A_308 = vector.broadcast %max3A_294 : f32 to vector<16xf32>
      %eq3A_309 = arith.cmpf oeq, %select_n3A_285, %eq3A_308 : vector<16xf32>
      %add3A_310 = arith.constant 16 : i32
      %add3A_311 = vector.broadcast %add3A_310 : i32 to vector<16xi32>
      %add3A_312 = arith.addi %iota3A, %add3A_311 : vector<16xi32>
      %jit3A_313 = arith.constant 99 : i32
      %broadcast_in_dim3A_314 = vector.broadcast %jit3A_313 : i32 to vector<16xi32>
      %select_n3A_315 = arith.select %eq3A_309, %add3A_312, %broadcast_in_dim3A_314 : vector<16xi1>, vector<16xi32>
      %reduce_min3A_316 = arith.constant true
      %reduce_min3A_317 = vector.broadcast %reduce_min3A_316 : i1 to vector<16xi1>
      %reduce_min3A_318 = arith.constant -2147483648 : i32
      %reduce_min3A_319 = vector.broadcast %reduce_min3A_318 : i32 to vector<16xi32>
      %reduce_min3A_320 = arith.xori %select_n3A_315, %reduce_min3A_319 : vector<16xi32>
      %reduce_min3A_321 = tpu.scan <min>, %reduce_min3A_320 masked %reduce_min3A_317 : vector<16xi32>, vector<16xi1> -> vector<16xi32>
      %reduce_min3A_322 = arith.xori %reduce_min3A_321, %reduce_min3A_319 : vector<16xi32>
      %reduce_min3A_323 = vector.extract %reduce_min3A_322[15] : i32 from vector<16xi32>
      %min3A_324 = arith.minsi %reduce_min3A_307, %reduce_min3A_323 : i32
      %eq3A_325 = vector.broadcast %min3A_324 : i32 to vector<16xi32>
      %eq3A_326 = arith.cmpi eq, %iota3A, %eq3A_325 : vector<16xi32>
      %jit3A_327 = arith.constant -3.000000e+38 : f32
      %broadcast_in_dim3A_328 = vector.broadcast %jit3A_327 : f32 to vector<16xf32>
      %select_n3A_329 = arith.select %eq3A_326, %broadcast_in_dim3A_328, %select_n3A_277 : vector<16xi1>, vector<16xf32>
      %add3A_330 = arith.constant 16 : i32
      %add3A_331 = vector.broadcast %add3A_330 : i32 to vector<16xi32>
      %add3A_332 = arith.addi %iota3A, %add3A_331 : vector<16xi32>
      %eq3A_333 = vector.broadcast %min3A_324 : i32 to vector<16xi32>
      %eq3A_334 = arith.cmpi eq, %add3A_332, %eq3A_333 : vector<16xi32>
      %jit3A_335 = arith.constant -3.000000e+38 : f32
      %broadcast_in_dim3A_336 = vector.broadcast %jit3A_335 : f32 to vector<16xf32>
      %select_n3A_337 = arith.select %eq3A_334, %broadcast_in_dim3A_336, %select_n3A_285 : vector<16xi1>, vector<16xf32>
      %add3A_338 = arith.addf %max3A, %max3A_138 : f32
      %add3A_339 = arith.addf %add3A_338, %max3A_190 : f32
      %add3A_340 = arith.addf %add3A_339, %max3A_242 : f32
      %add3A_341 = arith.addf %add3A_340, %max3A_294 : f32
      %add3A_342 = arith.constant 9.99999997E-7 : f32
      %add3A_343 = arith.addf %add3A_341, %add3A_342 : f32
      %broadcast_in_dim3A_344 = arith.constant 0.000000e+00 : f32
      %broadcast_in_dim3A_345 = vector.broadcast %broadcast_in_dim3A_344 : f32 to vector<16xf32>
      %broadcast_in_dim3A_346 = arith.constant 0.000000e+00 : f32
      %broadcast_in_dim3A_347 = vector.broadcast %broadcast_in_dim3A_346 : f32 to vector<16xf32>
      %eq3A_348 = vector.broadcast %min3A : i32 to vector<16xi32>
      %eq3A_349 = arith.cmpi eq, %iota3A, %eq3A_348 : vector<16xi32>
      %broadcast_in_dim3A_350 = vector.broadcast %max3A : f32 to vector<16xf32>
      %select_n3A_351 = arith.select %eq3A_349, %broadcast_in_dim3A_350, %broadcast_in_dim3A_345 : vector<16xi1>, vector<16xf32>
      %add3A_352 = arith.constant 16 : i32
      %add3A_353 = vector.broadcast %add3A_352 : i32 to vector<16xi32>
      %add3A_354 = arith.addi %iota3A, %add3A_353 : vector<16xi32>
      %eq3A_355 = vector.broadcast %min3A : i32 to vector<16xi32>
      %eq3A_356 = arith.cmpi eq, %add3A_354, %eq3A_355 : vector<16xi32>
      %broadcast_in_dim3A_357 = vector.broadcast %max3A : f32 to vector<16xf32>
      %select_n3A_358 = arith.select %eq3A_356, %broadcast_in_dim3A_357, %broadcast_in_dim3A_347 : vector<16xi1>, vector<16xf32>
      %eq3A_359 = vector.broadcast %min3A_168 : i32 to vector<16xi32>
      %eq3A_360 = arith.cmpi eq, %iota3A, %eq3A_359 : vector<16xi32>
      %broadcast_in_dim3A_361 = vector.broadcast %max3A_138 : f32 to vector<16xf32>
      %select_n3A_362 = arith.select %eq3A_360, %broadcast_in_dim3A_361, %select_n3A_351 : vector<16xi1>, vector<16xf32>
      %add3A_363 = arith.constant 16 : i32
      %add3A_364 = vector.broadcast %add3A_363 : i32 to vector<16xi32>
      %add3A_365 = arith.addi %iota3A, %add3A_364 : vector<16xi32>
      %eq3A_366 = vector.broadcast %min3A_168 : i32 to vector<16xi32>
      %eq3A_367 = arith.cmpi eq, %add3A_365, %eq3A_366 : vector<16xi32>
      %broadcast_in_dim3A_368 = vector.broadcast %max3A_138 : f32 to vector<16xf32>
      %select_n3A_369 = arith.select %eq3A_367, %broadcast_in_dim3A_368, %select_n3A_358 : vector<16xi1>, vector<16xf32>
      %eq3A_370 = vector.broadcast %min3A_220 : i32 to vector<16xi32>
      %eq3A_371 = arith.cmpi eq, %iota3A, %eq3A_370 : vector<16xi32>
      %broadcast_in_dim3A_372 = vector.broadcast %max3A_190 : f32 to vector<16xf32>
      %select_n3A_373 = arith.select %eq3A_371, %broadcast_in_dim3A_372, %select_n3A_362 : vector<16xi1>, vector<16xf32>
      %add3A_374 = arith.constant 16 : i32
      %add3A_375 = vector.broadcast %add3A_374 : i32 to vector<16xi32>
      %add3A_376 = arith.addi %iota3A, %add3A_375 : vector<16xi32>
      %eq3A_377 = vector.broadcast %min3A_220 : i32 to vector<16xi32>
      %eq3A_378 = arith.cmpi eq, %add3A_376, %eq3A_377 : vector<16xi32>
      %broadcast_in_dim3A_379 = vector.broadcast %max3A_190 : f32 to vector<16xf32>
      %select_n3A_380 = arith.select %eq3A_378, %broadcast_in_dim3A_379, %select_n3A_369 : vector<16xi1>, vector<16xf32>
      %eq3A_381 = vector.broadcast %min3A_272 : i32 to vector<16xi32>
      %eq3A_382 = arith.cmpi eq, %iota3A, %eq3A_381 : vector<16xi32>
      %broadcast_in_dim3A_383 = vector.broadcast %max3A_242 : f32 to vector<16xf32>
      %select_n3A_384 = arith.select %eq3A_382, %broadcast_in_dim3A_383, %select_n3A_373 : vector<16xi1>, vector<16xf32>
      %add3A_385 = arith.constant 16 : i32
      %add3A_386 = vector.broadcast %add3A_385 : i32 to vector<16xi32>
      %add3A_387 = arith.addi %iota3A, %add3A_386 : vector<16xi32>
      %eq3A_388 = vector.broadcast %min3A_272 : i32 to vector<16xi32>
      %eq3A_389 = arith.cmpi eq, %add3A_387, %eq3A_388 : vector<16xi32>
      %broadcast_in_dim3A_390 = vector.broadcast %max3A_242 : f32 to vector<16xf32>
      %select_n3A_391 = arith.select %eq3A_389, %broadcast_in_dim3A_390, %select_n3A_380 : vector<16xi1>, vector<16xf32>
      %eq3A_392 = vector.broadcast %min3A_324 : i32 to vector<16xi32>
      %eq3A_393 = arith.cmpi eq, %iota3A, %eq3A_392 : vector<16xi32>
      %broadcast_in_dim3A_394 = vector.broadcast %max3A_294 : f32 to vector<16xf32>
      %select_n3A_395 = arith.select %eq3A_393, %broadcast_in_dim3A_394, %select_n3A_384 : vector<16xi1>, vector<16xf32>
      %add3A_396 = arith.constant 16 : i32
      %add3A_397 = vector.broadcast %add3A_396 : i32 to vector<16xi32>
      %add3A_398 = arith.addi %iota3A, %add3A_397 : vector<16xi32>
      %eq3A_399 = vector.broadcast %min3A_324 : i32 to vector<16xi32>
      %eq3A_400 = arith.cmpi eq, %add3A_398, %eq3A_399 : vector<16xi32>
      %broadcast_in_dim3A_401 = vector.broadcast %max3A_294 : f32 to vector<16xf32>
      %select_n3A_402 = arith.select %eq3A_400, %broadcast_in_dim3A_401, %select_n3A_391 : vector<16xi1>, vector<16xf32>
      %broadcast_in_dim3A_403 = vector.broadcast %add3A_343 : f32 to vector<16xf32>
      %div3A = arith.divf %select_n3A_395, %broadcast_in_dim3A_403 : vector<16xf32>
      %swap3A = arith.constant 0 : index
      %swap3A_404 = tpu.vector_load %arg5[%swap3A] {strides = array<i32>} : memref<32xf32, #tpu.memory_space<vmem>>, vector<16xf32>,
      tpu.vector_store %arg5[%swap3A], %div3A {strides = array<i32>} : memref<32xf32, #tpu.memory_space<vmem>>, vector<16xf32>,
      %div3A_405 = arith.divf %select_n3A_402, %broadcast_in_dim3A_403 : vector<16xf32>
      %swap3A_406 = arith.constant 16 : index
      %swap3A_407 = tpu.vector_load %arg5[%swap3A_406] {strides = array<i32>} : memref<32xf32, #tpu.memory_space<vmem>>, vector<16xf32>,
      tpu.vector_store %arg5[%swap3A_406], %div3A_405 {strides = array<i32>} : memref<32xf32, #tpu.memory_space<vmem>>, vector<16xf32>,
      "tpu.region"() ({
        %run_scoped3A = tpu.sem_alloc : memref<!tpu.dma_semaphore, #tpu.memory_space<semaphore_mem>>
        %dma_start3A = arith.constant 0 : i32
        %dma_start3A_408 = tpu.memref_slice %arg3[%add3A, %dma_start3A] : memref<4x32xf32, #tpu.memory_space<hbm>> -> memref<1x32xf32, #tpu.memory_space<hbm>>
        %dma_start3A_409 = tpu.memref_squeeze %dma_start3A_408 : memref<1x32xf32, #tpu.memory_space<hbm>> -> memref<32xf32, #tpu.memory_space<hbm>>
        %dma_start3A_410 = arith.constant 0 : i32
        %dma_start3A_411 = tpu.memref_slice %arg3[%add3A, %dma_start3A_410] : memref<4x32xf32, #tpu.memory_space<hbm>> -> memref<1x32xf32, #tpu.memory_space<hbm>>
        %dma_start3A_412 = tpu.memref_squeeze %dma_start3A_411 : memref<1x32xf32, #tpu.memory_space<hbm>> -> memref<32xf32, #tpu.memory_space<hbm>>
        tpu.enqueue_dma source(%arg5 : memref<32xf32, #tpu.memory_space<vmem>>) target(%dma_start3A_412 : memref<32xf32, #tpu.memory_space<hbm>>) target_semaphore(%run_scoped3A : memref<!tpu.dma_semaphore, #tpu.memory_space<semaphore_mem>>)
        %dma_wait3A = arith.constant 0 : i32
        %dma_wait3A_413 = tpu.memref_slice %arg3[%add3A, %dma_wait3A] : memref<4x32xf32, #tpu.memory_space<hbm>> -> memref<1x32xf32, #tpu.memory_space<hbm>>
        %dma_wait3A_414 = tpu.memref_squeeze %dma_wait3A_413 : memref<1x32xf32, #tpu.memory_space<hbm>> -> memref<32xf32, #tpu.memory_space<hbm>>
        %dma_wait3A_415 = arith.constant 0 : i32
        %dma_wait3A_416 = tpu.memref_slice %arg3[%add3A, %dma_wait3A_415] : memref<4x32xf32, #tpu.memory_space<hbm>> -> memref<1x32xf32, #tpu.memory_space<hbm>>
        %dma_wait3A_417 = tpu.memref_squeeze %dma_wait3A_416 : memref<1x32xf32, #tpu.memory_space<hbm>> -> memref<32xf32, #tpu.memory_space<hbm>>
        tpu.wait_dma2 semaphore(%run_scoped3A : memref<!tpu.dma_semaphore, #tpu.memory_space<semaphore_mem>>) src(%arg5 : memref<32xf32, #tpu.memory_space<vmem>>) dst(%dma_wait3A_417 : memref<32xf32, #tpu.memory_space<hbm>>)
        tpu.yield
      }) : () -> ()
    } else {
    }
    return
  }
}

module attributes {stable_mosaic.version = 14 : i64} {
  func.func @_mean_kernel(%arg0: i32, %arg1: i32, %arg2: memref<1x1024x1024xf32, #tpu.memory_space<vmem>>, %arg3: memref<1x1x1024xf32, #tpu.memory_space<vmem>>) attributes {dimension_semantics = [#tpu.dimension_semantics<arbitrary>, #tpu.dimension_semantics<arbitrary>], iteration_bounds = array<i64: 4, 4>, scalar_prefetch = 0 : i64, scratch_operands = 0 : i64, tpu.core_type = #tpu.core_type<tc>, window_params = [{transform_indices = @transform_0, window_bounds = array<i64: 1, 1024, 1024>}, {transform_indices = @transform_1, window_bounds = array<i64: 1, 1, 1024>}]} {
    %get3A = arith.constant 0 : index
    %get3A_0 = arith.constant 0 : index
    %get3A_1 = arith.constant 0 : index
    %get3A_2 = vector.load %arg2[%get3A, %get3A_0, %get3A_1] : memref<1x1024x1024xf32, #tpu.memory_space<vmem>>, vector<1x1024x1024xf32>
    %get3A_3 = vector.shape_cast %get3A_2 : vector<1x1024x1024xf32> to vector<1024x1024xf32>
    %reduce_sum3A = arith.constant dense<0.000000e+00> : vector<1024xf32>
    %reduce_sum3A_4 = vector.multi_reduction <add>, %get3A_3, %reduce_sum3A [1] : vector<1024x1024xf32> to vector<1024xf32>
    %mul3A = arith.constant 9.765625E-4 : f32
    %mul3A_5 = vector.broadcast %mul3A : f32 to vector<1024xf32>
    %mul3A_6 = arith.mulf %reduce_sum3A_4, %mul3A_5 : vector<1024xf32>
    %swap3A = arith.constant 0 : index
    %swap3A_7 = arith.constant 0 : index
    %swap3A_8 = arith.constant 0 : index
    %swap3A_9 = vector.load %arg3[%swap3A, %swap3A_7, %swap3A_8] : memref<1x1x1024xf32, #tpu.memory_space<vmem>>, vector<1x1x1024xf32>
    %swap3A_10 = vector.shape_cast %swap3A_9 : vector<1x1x1024xf32> to vector<1024xf32>
    %swap3A_11 = vector.shape_cast %mul3A_6 : vector<1024xf32> to vector<1x1x1024xf32>
    tpu.vector_store %arg3[%swap3A, %swap3A_7, %swap3A_8], %swap3A_11 {strides = array<i32>} : memref<1x1x1024xf32, #tpu.memory_space<vmem>>, vector<1x1x1024xf32>,
    return
  }
  func.func @transform_0(%arg0: i32, %arg1: i32) -> (i32, i32, i32) {
    %c0_i32 = arith.constant 0 : i32
    %c0_i32_0 = arith.constant 0 : i32
    return %arg0, %arg1, %c0_i32 : i32, i32, i32
  }
  func.func @transform_1(%arg0: i32, %arg1: i32) -> (i32, i32, i32) {
    %c0_i32 = arith.constant 0 : i32
    %c0_i32_0 = arith.constant 0 : i32
    return %arg0, %c0_i32, %arg1 : i32, i32, i32
  }
}

module attributes {stable_mosaic.version = 14 : i64} {
  func.func @_agg_kernel(%arg0: i32, %arg1: i32, %arg2: memref<4x32xf32, #tpu.memory_space<smem>>, %arg3: memref<1x256x1024xf32, #tpu.memory_space<vmem>>, %arg4: memref<1x1024x1024xf32, #tpu.memory_space<vmem>>, %arg5: memref<1x1024x1024xf32, #tpu.memory_space<vmem>>) attributes {dimension_semantics = [#tpu.dimension_semantics<arbitrary>, #tpu.dimension_semantics<arbitrary>], iteration_bounds = array<i64: 4, 4>, scalar_prefetch = 0 : i64, scratch_operands = 0 : i64, tpu.core_type = #tpu.core_type<tc>, window_params = [{transform_indices = @transform_0, window_bounds = array<i64: 4, 32>}, {transform_indices = @transform_1, window_bounds = array<i64: 1, 256, 1024>}, {transform_indices = @transform_2, window_bounds = array<i64: 1, 1024, 1024>}, {transform_indices = @transform_3, window_bounds = array<i64: 1, 1024, 1024>}]} {
    %broadcast_in_dim3A = arith.constant 0.000000e+00 : f32
    %broadcast_in_dim3A_0 = vector.broadcast %broadcast_in_dim3A : f32 to vector<1x1024x1024xf32>
    %squeeze3A = vector.shape_cast %broadcast_in_dim3A_0 : vector<1x1024x1024xf32> to vector<1024x1024xf32>
    %swap3A = arith.constant 0 : index
    %swap3A_1 = arith.constant 0 : index
    %swap3A_2 = arith.constant 0 : index
    %swap3A_3 = vector.load %arg5[%swap3A, %swap3A_1, %swap3A_2] : memref<1x1024x1024xf32, #tpu.memory_space<vmem>>, vector<1x1024x1024xf32>
    %swap3A_4 = vector.shape_cast %swap3A_3 : vector<1x1024x1024xf32> to vector<1024x1024xf32>
    %swap3A_5 = vector.shape_cast %squeeze3A : vector<1024x1024xf32> to vector<1x1024x1024xf32>
    tpu.vector_store %arg5[%swap3A, %swap3A_1, %swap3A_2], %swap3A_5 {strides = array<i32>} : memref<1x1024x1024xf32, #tpu.memory_space<vmem>>, vector<1x1024x1024xf32>,
    %get3A = arith.index_cast %arg0 : i32 to index
    %get3A_6 = arith.constant 0 : index
    %get3A_7 = memref.load %arg2[%get3A, %get3A_6] : memref<4x32xf32, #tpu.memory_space<smem>>
    %ne3A = arith.constant 0.000000e+00 : f32
    %ne3A_8 = arith.cmpf one, %get3A_7, %ne3A : f32
    %convert_element_type3A = arith.extui %ne3A_8 : i1 to i32
    %cond3A = arith.constant 0 : i32
    %cond3A_9 = arith.cmpi ne, %convert_element_type3A, %cond3A : i32
    scf.if %cond3A_9 {
      %get3A_258 = arith.constant 0 : index
      %get3A_259 = arith.constant 255 : index
      %get3A_260 = arith.constant 0 : index
      %get3A_261 = vector.load %arg3[%get3A_258, %get3A_259, %get3A_260] : memref<1x256x1024xf32, #tpu.memory_space<vmem>>, vector<1x1x1024xf32>
      %get3A_262 = vector.shape_cast %get3A_261 : vector<1x1x1024xf32> to vector<1x1024xf32>
      %get3A_263 = arith.constant 0 : index
      %get3A_264 = arith.constant 0 : index
      %get3A_265 = arith.constant 0 : index
      %get3A_266 = vector.load %arg4[%get3A_263, %get3A_264, %get3A_265] : memref<1x1024x1024xf32, #tpu.memory_space<vmem>>, vector<1x1023x1024xf32>
      %get3A_267 = vector.shape_cast %get3A_266 : vector<1x1023x1024xf32> to vector<1023x1024xf32>
      %get3A_268 = arith.constant 0 : index
      %get3A_269 = arith.constant 0 : index
      %get3A_270 = arith.constant 0 : index
      %get3A_271 = vector.load %arg5[%get3A_268, %get3A_269, %get3A_270] : memref<1x1024x1024xf32, #tpu.memory_space<vmem>>, vector<1x1024x1024xf32>
      %get3A_272 = vector.shape_cast %get3A_271 : vector<1x1024x1024xf32> to vector<1024x1024xf32>
      %concatenate3A = tpu.concatenate %get3A_262, %get3A_267 in 0 : vector<1x1024xf32>, vector<1023x1024xf32> -> vector<1024x1024xf32>
      %mul3A = vector.broadcast %get3A_7 : f32 to vector<1024x1024xf32>
      %mul3A_273 = arith.mulf %mul3A, %concatenate3A : vector<1024x1024xf32>
      %add3A = arith.addf %get3A_272, %mul3A_273 : vector<1024x1024xf32>
      %swap3A_274 = arith.constant 0 : index
      %swap3A_275 = arith.constant 0 : index
      %swap3A_276 = arith.constant 0 : index
      %swap3A_277 = vector.load %arg5[%swap3A_274, %swap3A_275, %swap3A_276] : memref<1x1024x1024xf32, #tpu.memory_space<vmem>>, vector<1x1024x1024xf32>
      %swap3A_278 = vector.shape_cast %swap3A_277 : vector<1x1024x1024xf32> to vector<1024x1024xf32>
      %swap3A_279 = vector.shape_cast %add3A : vector<1024x1024xf32> to vector<1x1024x1024xf32>
      tpu.vector_store %arg5[%swap3A_274, %swap3A_275, %swap3A_276], %swap3A_279 {strides = array<i32>} : memref<1x1024x1024xf32, #tpu.memory_space<vmem>>, vector<1x1024x1024xf32>,
    } else {
    }
    %get3A_10 = arith.index_cast %arg0 : i32 to index
    %get3A_11 = arith.constant 1 : index
    %get3A_12 = memref.load %arg2[%get3A_10, %get3A_11] : memref<4x32xf32, #tpu.memory_space<smem>>
    %ne3A_13 = arith.constant 0.000000e+00 : f32
    %ne3A_14 = arith.cmpf one, %get3A_12, %ne3A_13 : f32
    %convert_element_type3A_15 = arith.extui %ne3A_14 : i1 to i32
    %cond3A_16 = arith.constant 0 : i32
    %cond3A_17 = arith.cmpi ne, %convert_element_type3A_15, %cond3A_16 : i32
    scf.if %cond3A_17 {
      %get3A_258 = arith.constant 0 : index
      %get3A_259 = arith.constant 250 : index
      %get3A_260 = arith.constant 0 : index
      %get3A_261 = vector.load %arg3[%get3A_258, %get3A_259, %get3A_260] : memref<1x256x1024xf32, #tpu.memory_space<vmem>>, vector<1x6x1024xf32>
      %get3A_262 = vector.shape_cast %get3A_261 : vector<1x6x1024xf32> to vector<6x1024xf32>
      %get3A_263 = arith.constant 0 : index
      %get3A_264 = arith.constant 0 : index
      %get3A_265 = arith.constant 0 : index
      %get3A_266 = vector.load %arg4[%get3A_263, %get3A_264, %get3A_265] : memref<1x1024x1024xf32, #tpu.memory_space<vmem>>, vector<1x1018x1024xf32>
      %get3A_267 = vector.shape_cast %get3A_266 : vector<1x1018x1024xf32> to vector<1018x1024xf32>
      %get3A_268 = arith.constant 0 : index
      %get3A_269 = arith.constant 0 : index
      %get3A_270 = arith.constant 0 : index
      %get3A_271 = vector.load %arg5[%get3A_268, %get3A_269, %get3A_270] : memref<1x1024x1024xf32, #tpu.memory_space<vmem>>, vector<1x1024x1024xf32>
      %get3A_272 = vector.shape_cast %get3A_271 : vector<1x1024x1024xf32> to vector<1024x1024xf32>
      %concatenate3A = tpu.concatenate %get3A_262, %get3A_267 in 0 : vector<6x1024xf32>, vector<1018x1024xf32> -> vector<1024x1024xf32>
      %mul3A = vector.broadcast %get3A_12 : f32 to vector<1024x1024xf32>
      %mul3A_273 = arith.mulf %mul3A, %concatenate3A : vector<1024x1024xf32>
      %add3A = arith.addf %get3A_272, %mul3A_273 : vector<1024x1024xf32>
      %swap3A_274 = arith.constant 0 : index
      %swap3A_275 = arith.constant 0 : index
      %swap3A_276 = arith.constant 0 : index
      %swap3A_277 = vector.load %arg5[%swap3A_274, %swap3A_275, %swap3A_276] : memref<1x1024x1024xf32, #tpu.memory_space<vmem>>, vector<1x1024x1024xf32>
      %swap3A_278 = vector.shape_cast %swap3A_277 : vector<1x1024x1024xf32> to vector<1024x1024xf32>
      %swap3A_279 = vector.shape_cast %add3A : vector<1024x1024xf32> to vector<1x1024x1024xf32>
      tpu.vector_store %arg5[%swap3A_274, %swap3A_275, %swap3A_276], %swap3A_279 {strides = array<i32>} : memref<1x1024x1024xf32, #tpu.memory_space<vmem>>, vector<1x1024x1024xf32>,
    } else {
    }
    %get3A_18 = arith.index_cast %arg0 : i32 to index
    %get3A_19 = arith.constant 2 : index
    %get3A_20 = memref.load %arg2[%get3A_18, %get3A_19] : memref<4x32xf32, #tpu.memory_space<smem>>
    %ne3A_21 = arith.constant 0.000000e+00 : f32
    %ne3A_22 = arith.cmpf one, %get3A_20, %ne3A_21 : f32
    %convert_element_type3A_23 = arith.extui %ne3A_22 : i1 to i32
    %cond3A_24 = arith.constant 0 : i32
    %cond3A_25 = arith.cmpi ne, %convert_element_type3A_23, %cond3A_24 : i32
    scf.if %cond3A_25 {
      %get3A_258 = arith.constant 0 : index
      %get3A_259 = arith.constant 245 : index
      %get3A_260 = arith.constant 0 : index
      %get3A_261 = vector.load %arg3[%get3A_258, %get3A_259, %get3A_260] : memref<1x256x1024xf32, #tpu.memory_space<vmem>>, vector<1x11x1024xf32>
      %get3A_262 = vector.shape_cast %get3A_261 : vector<1x11x1024xf32> to vector<11x1024xf32>
      %get3A_263 = arith.constant 0 : index
      %get3A_264 = arith.constant 0 : index
      %get3A_265 = arith.constant 0 : index
      %get3A_266 = vector.load %arg4[%get3A_263, %get3A_264, %get3A_265] : memref<1x1024x1024xf32, #tpu.memory_space<vmem>>, vector<1x1013x1024xf32>
      %get3A_267 = vector.shape_cast %get3A_266 : vector<1x1013x1024xf32> to vector<1013x1024xf32>
      %get3A_268 = arith.constant 0 : index
      %get3A_269 = arith.constant 0 : index
      %get3A_270 = arith.constant 0 : index
      %get3A_271 = vector.load %arg5[%get3A_268, %get3A_269, %get3A_270] : memref<1x1024x1024xf32, #tpu.memory_space<vmem>>, vector<1x1024x1024xf32>
      %get3A_272 = vector.shape_cast %get3A_271 : vector<1x1024x1024xf32> to vector<1024x1024xf32>
      %concatenate3A = tpu.concatenate %get3A_262, %get3A_267 in 0 : vector<11x1024xf32>, vector<1013x1024xf32> -> vector<1024x1024xf32>
      %mul3A = vector.broadcast %get3A_20 : f32 to vector<1024x1024xf32>
      %mul3A_273 = arith.mulf %mul3A, %concatenate3A : vector<1024x1024xf32>
      %add3A = arith.addf %get3A_272, %mul3A_273 : vector<1024x1024xf32>
      %swap3A_274 = arith.constant 0 : index
      %swap3A_275 = arith.constant 0 : index
      %swap3A_276 = arith.constant 0 : index
      %swap3A_277 = vector.load %arg5[%swap3A_274, %swap3A_275, %swap3A_276] : memref<1x1024x1024xf32, #tpu.memory_space<vmem>>, vector<1x1024x1024xf32>
      %swap3A_278 = vector.shape_cast %swap3A_277 : vector<1x1024x1024xf32> to vector<1024x1024xf32>
      %swap3A_279 = vector.shape_cast %add3A : vector<1024x1024xf32> to vector<1x1024x1024xf32>
      tpu.vector_store %arg5[%swap3A_274, %swap3A_275, %swap3A_276], %swap3A_279 {strides = array<i32>} : memref<1x1024x1024xf32, #tpu.memory_space<vmem>>, vector<1x1024x1024xf32>,
    } else {
    }
    %get3A_26 = arith.index_cast %arg0 : i32 to index
    %get3A_27 = arith.constant 3 : index
    %get3A_28 = memref.load %arg2[%get3A_26, %get3A_27] : memref<4x32xf32, #tpu.memory_space<smem>>
    %ne3A_29 = arith.constant 0.000000e+00 : f32
    %ne3A_30 = arith.cmpf one, %get3A_28, %ne3A_29 : f32
    %convert_element_type3A_31 = arith.extui %ne3A_30 : i1 to i32
    %cond3A_32 = arith.constant 0 : i32
    %cond3A_33 = arith.cmpi ne, %convert_element_type3A_31, %cond3A_32 : i32
    scf.if %cond3A_33 {
      %get3A_258 = arith.constant 0 : index
      %get3A_259 = arith.constant 239 : index
      %get3A_260 = arith.constant 0 : index
      %get3A_261 = vector.load %arg3[%get3A_258, %get3A_259, %get3A_260] : memref<1x256x1024xf32, #tpu.memory_space<vmem>>, vector<1x17x1024xf32>
      %get3A_262 = vector.shape_cast %get3A_261 : vector<1x17x1024xf32> to vector<17x1024xf32>
      %get3A_263 = arith.constant 0 : index
      %get3A_264 = arith.constant 0 : index
      %get3A_265 = arith.constant 0 : index
      %get3A_266 = vector.load %arg4[%get3A_263, %get3A_264, %get3A_265] : memref<1x1024x1024xf32, #tpu.memory_space<vmem>>, vector<1x1007x1024xf32>
      %get3A_267 = vector.shape_cast %get3A_266 : vector<1x1007x1024xf32> to vector<1007x1024xf32>
      %get3A_268 = arith.constant 0 : index
      %get3A_269 = arith.constant 0 : index
      %get3A_270 = arith.constant 0 : index
      %get3A_271 = vector.load %arg5[%get3A_268, %get3A_269, %get3A_270] : memref<1x1024x1024xf32, #tpu.memory_space<vmem>>, vector<1x1024x1024xf32>
      %get3A_272 = vector.shape_cast %get3A_271 : vector<1x1024x1024xf32> to vector<1024x1024xf32>
      %concatenate3A = tpu.concatenate %get3A_262, %get3A_267 in 0 : vector<17x1024xf32>, vector<1007x1024xf32> -> vector<1024x1024xf32>
      %mul3A = vector.broadcast %get3A_28 : f32 to vector<1024x1024xf32>
      %mul3A_273 = arith.mulf %mul3A, %concatenate3A : vector<1024x1024xf32>
      %add3A = arith.addf %get3A_272, %mul3A_273 : vector<1024x1024xf32>
      %swap3A_274 = arith.constant 0 : index
      %swap3A_275 = arith.constant 0 : index
      %swap3A_276 = arith.constant 0 : index
      %swap3A_277 = vector.load %arg5[%swap3A_274, %swap3A_275, %swap3A_276] : memref<1x1024x1024xf32, #tpu.memory_space<vmem>>, vector<1x1024x1024xf32>
      %swap3A_278 = vector.shape_cast %swap3A_277 : vector<1x1024x1024xf32> to vector<1024x1024xf32>
      %swap3A_279 = vector.shape_cast %add3A : vector<1024x1024xf32> to vector<1x1024x1024xf32>
      tpu.vector_store %arg5[%swap3A_274, %swap3A_275, %swap3A_276], %swap3A_279 {strides = array<i32>} : memref<1x1024x1024xf32, #tpu.memory_space<vmem>>, vector<1x1024x1024xf32>,
    } else {
    }
    %get3A_34 = arith.index_cast %arg0 : i32 to index
    %get3A_35 = arith.constant 4 : index
    %get3A_36 = memref.load %arg2[%get3A_34, %get3A_35] : memref<4x32xf32, #tpu.memory_space<smem>>
    %ne3A_37 = arith.constant 0.000000e+00 : f32
    %ne3A_38 = arith.cmpf one, %get3A_36, %ne3A_37 : f32
    %convert_element_type3A_39 = arith.extui %ne3A_38 : i1 to i32
    %cond3A_40 = arith.constant 0 : i32
    %cond3A_41 = arith.cmpi ne, %convert_element_type3A_39, %cond3A_40 : i32
    scf.if %cond3A_41 {
      %get3A_258 = arith.constant 0 : index
      %get3A_259 = arith.constant 234 : index
      %get3A_260 = arith.constant 0 : index
      %get3A_261 = vector.load %arg3[%get3A_258, %get3A_259, %get3A_260] : memref<1x256x1024xf32, #tpu.memory_space<vmem>>, vector<1x22x1024xf32>
      %get3A_262 = vector.shape_cast %get3A_261 : vector<1x22x1024xf32> to vector<22x1024xf32>
      %get3A_263 = arith.constant 0 : index
      %get3A_264 = arith.constant 0 : index
      %get3A_265 = arith.constant 0 : index
      %get3A_266 = vector.load %arg4[%get3A_263, %get3A_264, %get3A_265] : memref<1x1024x1024xf32, #tpu.memory_space<vmem>>, vector<1x1002x1024xf32>
      %get3A_267 = vector.shape_cast %get3A_266 : vector<1x1002x1024xf32> to vector<1002x1024xf32>
      %get3A_268 = arith.constant 0 : index
      %get3A_269 = arith.constant 0 : index
      %get3A_270 = arith.constant 0 : index
      %get3A_271 = vector.load %arg5[%get3A_268, %get3A_269, %get3A_270] : memref<1x1024x1024xf32, #tpu.memory_space<vmem>>, vector<1x1024x1024xf32>
      %get3A_272 = vector.shape_cast %get3A_271 : vector<1x1024x1024xf32> to vector<1024x1024xf32>
      %concatenate3A = tpu.concatenate %get3A_262, %get3A_267 in 0 : vector<22x1024xf32>, vector<1002x1024xf32> -> vector<1024x1024xf32>
      %mul3A = vector.broadcast %get3A_36 : f32 to vector<1024x1024xf32>
      %mul3A_273 = arith.mulf %mul3A, %concatenate3A : vector<1024x1024xf32>
      %add3A = arith.addf %get3A_272, %mul3A_273 : vector<1024x1024xf32>
      %swap3A_274 = arith.constant 0 : index
      %swap3A_275 = arith.constant 0 : index
      %swap3A_276 = arith.constant 0 : index
      %swap3A_277 = vector.load %arg5[%swap3A_274, %swap3A_275, %swap3A_276] : memref<1x1024x1024xf32, #tpu.memory_space<vmem>>, vector<1x1024x1024xf32>
      %swap3A_278 = vector.shape_cast %swap3A_277 : vector<1x1024x1024xf32> to vector<1024x1024xf32>
      %swap3A_279 = vector.shape_cast %add3A : vector<1024x1024xf32> to vector<1x1024x1024xf32>
      tpu.vector_store %arg5[%swap3A_274, %swap3A_275, %swap3A_276], %swap3A_279 {strides = array<i32>} : memref<1x1024x1024xf32, #tpu.memory_space<vmem>>, vector<1x1024x1024xf32>,
    } else {
    }
    %get3A_42 = arith.index_cast %arg0 : i32 to index
    %get3A_43 = arith.constant 5 : index
    %get3A_44 = memref.load %arg2[%get3A_42, %get3A_43] : memref<4x32xf32, #tpu.memory_space<smem>>
    %ne3A_45 = arith.constant 0.000000e+00 : f32
    %ne3A_46 = arith.cmpf one, %get3A_44, %ne3A_45 : f32
    %convert_element_type3A_47 = arith.extui %ne3A_46 : i1 to i32
    %cond3A_48 = arith.constant 0 : i32
    %cond3A_49 = arith.cmpi ne, %convert_element_type3A_47, %cond3A_48 : i32
    scf.if %cond3A_49 {
      %get3A_258 = arith.constant 0 : index
      %get3A_259 = arith.constant 229 : index
      %get3A_260 = arith.constant 0 : index
      %get3A_261 = vector.load %arg3[%get3A_258, %get3A_259, %get3A_260] : memref<1x256x1024xf32, #tpu.memory_space<vmem>>, vector<1x27x1024xf32>
      %get3A_262 = vector.shape_cast %get3A_261 : vector<1x27x1024xf32> to vector<27x1024xf32>
      %get3A_263 = arith.constant 0 : index
      %get3A_264 = arith.constant 0 : index
      %get3A_265 = arith.constant 0 : index
      %get3A_266 = vector.load %arg4[%get3A_263, %get3A_264, %get3A_265] : memref<1x1024x1024xf32, #tpu.memory_space<vmem>>, vector<1x997x1024xf32>
      %get3A_267 = vector.shape_cast %get3A_266 : vector<1x997x1024xf32> to vector<997x1024xf32>
      %get3A_268 = arith.constant 0 : index
      %get3A_269 = arith.constant 0 : index
      %get3A_270 = arith.constant 0 : index
      %get3A_271 = vector.load %arg5[%get3A_268, %get3A_269, %get3A_270] : memref<1x1024x1024xf32, #tpu.memory_space<vmem>>, vector<1x1024x1024xf32>
      %get3A_272 = vector.shape_cast %get3A_271 : vector<1x1024x1024xf32> to vector<1024x1024xf32>
      %concatenate3A = tpu.concatenate %get3A_262, %get3A_267 in 0 : vector<27x1024xf32>, vector<997x1024xf32> -> vector<1024x1024xf32>
      %mul3A = vector.broadcast %get3A_44 : f32 to vector<1024x1024xf32>
      %mul3A_273 = arith.mulf %mul3A, %concatenate3A : vector<1024x1024xf32>
      %add3A = arith.addf %get3A_272, %mul3A_273 : vector<1024x1024xf32>
      %swap3A_274 = arith.constant 0 : index
      %swap3A_275 = arith.constant 0 : index
      %swap3A_276 = arith.constant 0 : index
      %swap3A_277 = vector.load %arg5[%swap3A_274, %swap3A_275, %swap3A_276] : memref<1x1024x1024xf32, #tpu.memory_space<vmem>>, vector<1x1024x1024xf32>
      %swap3A_278 = vector.shape_cast %swap3A_277 : vector<1x1024x1024xf32> to vector<1024x1024xf32>
      %swap3A_279 = vector.shape_cast %add3A : vector<1024x1024xf32> to vector<1x1024x1024xf32>
      tpu.vector_store %arg5[%swap3A_274, %swap3A_275, %swap3A_276], %swap3A_279 {strides = array<i32>} : memref<1x1024x1024xf32, #tpu.memory_space<vmem>>, vector<1x1024x1024xf32>,
    } else {
    }
    %get3A_50 = arith.index_cast %arg0 : i32 to index
    %get3A_51 = arith.constant 6 : index
    %get3A_52 = memref.load %arg2[%get3A_50, %get3A_51] : memref<4x32xf32, #tpu.memory_space<smem>>
    %ne3A_53 = arith.constant 0.000000e+00 : f32
    %ne3A_54 = arith.cmpf one, %get3A_52, %ne3A_53 : f32
    %convert_element_type3A_55 = arith.extui %ne3A_54 : i1 to i32
    %cond3A_56 = arith.constant 0 : i32
    %cond3A_57 = arith.cmpi ne, %convert_element_type3A_55, %cond3A_56 : i32
    scf.if %cond3A_57 {
      %get3A_258 = arith.constant 0 : index
      %get3A_259 = arith.constant 223 : index
      %get3A_260 = arith.constant 0 : index
      %get3A_261 = vector.load %arg3[%get3A_258, %get3A_259, %get3A_260] : memref<1x256x1024xf32, #tpu.memory_space<vmem>>, vector<1x33x1024xf32>
      %get3A_262 = vector.shape_cast %get3A_261 : vector<1x33x1024xf32> to vector<33x1024xf32>
      %get3A_263 = arith.constant 0 : index
      %get3A_264 = arith.constant 0 : index
      %get3A_265 = arith.constant 0 : index
      %get3A_266 = vector.load %arg4[%get3A_263, %get3A_264, %get3A_265] : memref<1x1024x1024xf32, #tpu.memory_space<vmem>>, vector<1x991x1024xf32>
      %get3A_267 = vector.shape_cast %get3A_266 : vector<1x991x1024xf32> to vector<991x1024xf32>
      %get3A_268 = arith.constant 0 : index
      %get3A_269 = arith.constant 0 : index
      %get3A_270 = arith.constant 0 : index
      %get3A_271 = vector.load %arg5[%get3A_268, %get3A_269, %get3A_270] : memref<1x1024x1024xf32, #tpu.memory_space<vmem>>, vector<1x1024x1024xf32>
      %get3A_272 = vector.shape_cast %get3A_271 : vector<1x1024x1024xf32> to vector<1024x1024xf32>
      %concatenate3A = tpu.concatenate %get3A_262, %get3A_267 in 0 : vector<33x1024xf32>, vector<991x1024xf32> -> vector<1024x1024xf32>
      %mul3A = vector.broadcast %get3A_52 : f32 to vector<1024x1024xf32>
      %mul3A_273 = arith.mulf %mul3A, %concatenate3A : vector<1024x1024xf32>
      %add3A = arith.addf %get3A_272, %mul3A_273 : vector<1024x1024xf32>
      %swap3A_274 = arith.constant 0 : index
      %swap3A_275 = arith.constant 0 : index
      %swap3A_276 = arith.constant 0 : index
      %swap3A_277 = vector.load %arg5[%swap3A_274, %swap3A_275, %swap3A_276] : memref<1x1024x1024xf32, #tpu.memory_space<vmem>>, vector<1x1024x1024xf32>
      %swap3A_278 = vector.shape_cast %swap3A_277 : vector<1x1024x1024xf32> to vector<1024x1024xf32>
      %swap3A_279 = vector.shape_cast %add3A : vector<1024x1024xf32> to vector<1x1024x1024xf32>
      tpu.vector_store %arg5[%swap3A_274, %swap3A_275, %swap3A_276], %swap3A_279 {strides = array<i32>} : memref<1x1024x1024xf32, #tpu.memory_space<vmem>>, vector<1x1024x1024xf32>,
    } else {
    }
    %get3A_58 = arith.index_cast %arg0 : i32 to index
    %get3A_59 = arith.constant 7 : index
    %get3A_60 = memref.load %arg2[%get3A_58, %get3A_59] : memref<4x32xf32, #tpu.memory_space<smem>>
    %ne3A_61 = arith.constant 0.000000e+00 : f32
    %ne3A_62 = arith.cmpf one, %get3A_60, %ne3A_61 : f32
    %convert_element_type3A_63 = arith.extui %ne3A_62 : i1 to i32
    %cond3A_64 = arith.constant 0 : i32
    %cond3A_65 = arith.cmpi ne, %convert_element_type3A_63, %cond3A_64 : i32
    scf.if %cond3A_65 {
      %get3A_258 = arith.constant 0 : index
      %get3A_259 = arith.constant 218 : index
      %get3A_260 = arith.constant 0 : index
      %get3A_261 = vector.load %arg3[%get3A_258, %get3A_259, %get3A_260] : memref<1x256x1024xf32, #tpu.memory_space<vmem>>, vector<1x38x1024xf32>
      %get3A_262 = vector.shape_cast %get3A_261 : vector<1x38x1024xf32> to vector<38x1024xf32>
      %get3A_263 = arith.constant 0 : index
      %get3A_264 = arith.constant 0 : index
      %get3A_265 = arith.constant 0 : index
      %get3A_266 = vector.load %arg4[%get3A_263, %get3A_264, %get3A_265] : memref<1x1024x1024xf32, #tpu.memory_space<vmem>>, vector<1x986x1024xf32>
      %get3A_267 = vector.shape_cast %get3A_266 : vector<1x986x1024xf32> to vector<986x1024xf32>
      %get3A_268 = arith.constant 0 : index
      %get3A_269 = arith.constant 0 : index
      %get3A_270 = arith.constant 0 : index
      %get3A_271 = vector.load %arg5[%get3A_268, %get3A_269, %get3A_270] : memref<1x1024x1024xf32, #tpu.memory_space<vmem>>, vector<1x1024x1024xf32>
      %get3A_272 = vector.shape_cast %get3A_271 : vector<1x1024x1024xf32> to vector<1024x1024xf32>
      %concatenate3A = tpu.concatenate %get3A_262, %get3A_267 in 0 : vector<38x1024xf32>, vector<986x1024xf32> -> vector<1024x1024xf32>
      %mul3A = vector.broadcast %get3A_60 : f32 to vector<1024x1024xf32>
      %mul3A_273 = arith.mulf %mul3A, %concatenate3A : vector<1024x1024xf32>
      %add3A = arith.addf %get3A_272, %mul3A_273 : vector<1024x1024xf32>
      %swap3A_274 = arith.constant 0 : index
      %swap3A_275 = arith.constant 0 : index
      %swap3A_276 = arith.constant 0 : index
      %swap3A_277 = vector.load %arg5[%swap3A_274, %swap3A_275, %swap3A_276] : memref<1x1024x1024xf32, #tpu.memory_space<vmem>>, vector<1x1024x1024xf32>
      %swap3A_278 = vector.shape_cast %swap3A_277 : vector<1x1024x1024xf32> to vector<1024x1024xf32>
      %swap3A_279 = vector.shape_cast %add3A : vector<1024x1024xf32> to vector<1x1024x1024xf32>
      tpu.vector_store %arg5[%swap3A_274, %swap3A_275, %swap3A_276], %swap3A_279 {strides = array<i32>} : memref<1x1024x1024xf32, #tpu.memory_space<vmem>>, vector<1x1024x1024xf32>,
    } else {
    }
    %get3A_66 = arith.index_cast %arg0 : i32 to index
    %get3A_67 = arith.constant 8 : index
    %get3A_68 = memref.load %arg2[%get3A_66, %get3A_67] : memref<4x32xf32, #tpu.memory_space<smem>>
    %ne3A_69 = arith.constant 0.000000e+00 : f32
    %ne3A_70 = arith.cmpf one, %get3A_68, %ne3A_69 : f32
    %convert_element_type3A_71 = arith.extui %ne3A_70 : i1 to i32
    %cond3A_72 = arith.constant 0 : i32
    %cond3A_73 = arith.cmpi ne, %convert_element_type3A_71, %cond3A_72 : i32
    scf.if %cond3A_73 {
      %get3A_258 = arith.constant 0 : index
      %get3A_259 = arith.constant 212 : index
      %get3A_260 = arith.constant 0 : index
      %get3A_261 = vector.load %arg3[%get3A_258, %get3A_259, %get3A_260] : memref<1x256x1024xf32, #tpu.memory_space<vmem>>, vector<1x44x1024xf32>
      %get3A_262 = vector.shape_cast %get3A_261 : vector<1x44x1024xf32> to vector<44x1024xf32>
      %get3A_263 = arith.constant 0 : index
      %get3A_264 = arith.constant 0 : index
      %get3A_265 = arith.constant 0 : index
      %get3A_266 = vector.load %arg4[%get3A_263, %get3A_264, %get3A_265] : memref<1x1024x1024xf32, #tpu.memory_space<vmem>>, vector<1x980x1024xf32>
      %get3A_267 = vector.shape_cast %get3A_266 : vector<1x980x1024xf32> to vector<980x1024xf32>
      %get3A_268 = arith.constant 0 : index
      %get3A_269 = arith.constant 0 : index
      %get3A_270 = arith.constant 0 : index
      %get3A_271 = vector.load %arg5[%get3A_268, %get3A_269, %get3A_270] : memref<1x1024x1024xf32, #tpu.memory_space<vmem>>, vector<1x1024x1024xf32>
      %get3A_272 = vector.shape_cast %get3A_271 : vector<1x1024x1024xf32> to vector<1024x1024xf32>
      %concatenate3A = tpu.concatenate %get3A_262, %get3A_267 in 0 : vector<44x1024xf32>, vector<980x1024xf32> -> vector<1024x1024xf32>
      %mul3A = vector.broadcast %get3A_68 : f32 to vector<1024x1024xf32>
      %mul3A_273 = arith.mulf %mul3A, %concatenate3A : vector<1024x1024xf32>
      %add3A = arith.addf %get3A_272, %mul3A_273 : vector<1024x1024xf32>
      %swap3A_274 = arith.constant 0 : index
      %swap3A_275 = arith.constant 0 : index
      %swap3A_276 = arith.constant 0 : index
      %swap3A_277 = vector.load %arg5[%swap3A_274, %swap3A_275, %swap3A_276] : memref<1x1024x1024xf32, #tpu.memory_space<vmem>>, vector<1x1024x1024xf32>
      %swap3A_278 = vector.shape_cast %swap3A_277 : vector<1x1024x1024xf32> to vector<1024x1024xf32>
      %swap3A_279 = vector.shape_cast %add3A : vector<1024x1024xf32> to vector<1x1024x1024xf32>
      tpu.vector_store %arg5[%swap3A_274, %swap3A_275, %swap3A_276], %swap3A_279 {strides = array<i32>} : memref<1x1024x1024xf32, #tpu.memory_space<vmem>>, vector<1x1024x1024xf32>,
    } else {
    }
    %get3A_74 = arith.index_cast %arg0 : i32 to index
    %get3A_75 = arith.constant 9 : index
    %get3A_76 = memref.load %arg2[%get3A_74, %get3A_75] : memref<4x32xf32, #tpu.memory_space<smem>>
    %ne3A_77 = arith.constant 0.000000e+00 : f32
    %ne3A_78 = arith.cmpf one, %get3A_76, %ne3A_77 : f32
    %convert_element_type3A_79 = arith.extui %ne3A_78 : i1 to i32
    %cond3A_80 = arith.constant 0 : i32
    %cond3A_81 = arith.cmpi ne, %convert_element_type3A_79, %cond3A_80 : i32
    scf.if %cond3A_81 {
      %get3A_258 = arith.constant 0 : index
      %get3A_259 = arith.constant 207 : index
      %get3A_260 = arith.constant 0 : index
      %get3A_261 = vector.load %arg3[%get3A_258, %get3A_259, %get3A_260] : memref<1x256x1024xf32, #tpu.memory_space<vmem>>, vector<1x49x1024xf32>
      %get3A_262 = vector.shape_cast %get3A_261 : vector<1x49x1024xf32> to vector<49x1024xf32>
      %get3A_263 = arith.constant 0 : index
      %get3A_264 = arith.constant 0 : index
      %get3A_265 = arith.constant 0 : index
      %get3A_266 = vector.load %arg4[%get3A_263, %get3A_264, %get3A_265] : memref<1x1024x1024xf32, #tpu.memory_space<vmem>>, vector<1x975x1024xf32>
      %get3A_267 = vector.shape_cast %get3A_266 : vector<1x975x1024xf32> to vector<975x1024xf32>
      %get3A_268 = arith.constant 0 : index
      %get3A_269 = arith.constant 0 : index
      %get3A_270 = arith.constant 0 : index
      %get3A_271 = vector.load %arg5[%get3A_268, %get3A_269, %get3A_270] : memref<1x1024x1024xf32, #tpu.memory_space<vmem>>, vector<1x1024x1024xf32>
      %get3A_272 = vector.shape_cast %get3A_271 : vector<1x1024x1024xf32> to vector<1024x1024xf32>
      %concatenate3A = tpu.concatenate %get3A_262, %get3A_267 in 0 : vector<49x1024xf32>, vector<975x1024xf32> -> vector<1024x1024xf32>
      %mul3A = vector.broadcast %get3A_76 : f32 to vector<1024x1024xf32>
      %mul3A_273 = arith.mulf %mul3A, %concatenate3A : vector<1024x1024xf32>
      %add3A = arith.addf %get3A_272, %mul3A_273 : vector<1024x1024xf32>
      %swap3A_274 = arith.constant 0 : index
      %swap3A_275 = arith.constant 0 : index
      %swap3A_276 = arith.constant 0 : index
      %swap3A_277 = vector.load %arg5[%swap3A_274, %swap3A_275, %swap3A_276] : memref<1x1024x1024xf32, #tpu.memory_space<vmem>>, vector<1x1024x1024xf32>
      %swap3A_278 = vector.shape_cast %swap3A_277 : vector<1x1024x1024xf32> to vector<1024x1024xf32>
      %swap3A_279 = vector.shape_cast %add3A : vector<1024x1024xf32> to vector<1x1024x1024xf32>
      tpu.vector_store %arg5[%swap3A_274, %swap3A_275, %swap3A_276], %swap3A_279 {strides = array<i32>} : memref<1x1024x1024xf32, #tpu.memory_space<vmem>>, vector<1x1024x1024xf32>,
    } else {
    }
    %get3A_82 = arith.index_cast %arg0 : i32 to index
    %get3A_83 = arith.constant 10 : index
    %get3A_84 = memref.load %arg2[%get3A_82, %get3A_83] : memref<4x32xf32, #tpu.memory_space<smem>>
    %ne3A_85 = arith.constant 0.000000e+00 : f32
    %ne3A_86 = arith.cmpf one, %get3A_84, %ne3A_85 : f32
    %convert_element_type3A_87 = arith.extui %ne3A_86 : i1 to i32
    %cond3A_88 = arith.constant 0 : i32
    %cond3A_89 = arith.cmpi ne, %convert_element_type3A_87, %cond3A_88 : i32
    scf.if %cond3A_89 {
      %get3A_258 = arith.constant 0 : index
      %get3A_259 = arith.constant 202 : index
      %get3A_260 = arith.constant 0 : index
      %get3A_261 = vector.load %arg3[%get3A_258, %get3A_259, %get3A_260] : memref<1x256x1024xf32, #tpu.memory_space<vmem>>, vector<1x54x1024xf32>
      %get3A_262 = vector.shape_cast %get3A_261 : vector<1x54x1024xf32> to vector<54x1024xf32>
      %get3A_263 = arith.constant 0 : index
      %get3A_264 = arith.constant 0 : index
      %get3A_265 = arith.constant 0 : index
      %get3A_266 = vector.load %arg4[%get3A_263, %get3A_264, %get3A_265] : memref<1x1024x1024xf32, #tpu.memory_space<vmem>>, vector<1x970x1024xf32>
      %get3A_267 = vector.shape_cast %get3A_266 : vector<1x970x1024xf32> to vector<970x1024xf32>
      %get3A_268 = arith.constant 0 : index
      %get3A_269 = arith.constant 0 : index
      %get3A_270 = arith.constant 0 : index
      %get3A_271 = vector.load %arg5[%get3A_268, %get3A_269, %get3A_270] : memref<1x1024x1024xf32, #tpu.memory_space<vmem>>, vector<1x1024x1024xf32>
      %get3A_272 = vector.shape_cast %get3A_271 : vector<1x1024x1024xf32> to vector<1024x1024xf32>
      %concatenate3A = tpu.concatenate %get3A_262, %get3A_267 in 0 : vector<54x1024xf32>, vector<970x1024xf32> -> vector<1024x1024xf32>
      %mul3A = vector.broadcast %get3A_84 : f32 to vector<1024x1024xf32>
      %mul3A_273 = arith.mulf %mul3A, %concatenate3A : vector<1024x1024xf32>
      %add3A = arith.addf %get3A_272, %mul3A_273 : vector<1024x1024xf32>
      %swap3A_274 = arith.constant 0 : index
      %swap3A_275 = arith.constant 0 : index
      %swap3A_276 = arith.constant 0 : index
      %swap3A_277 = vector.load %arg5[%swap3A_274, %swap3A_275, %swap3A_276] : memref<1x1024x1024xf32, #tpu.memory_space<vmem>>, vector<1x1024x1024xf32>
      %swap3A_278 = vector.shape_cast %swap3A_277 : vector<1x1024x1024xf32> to vector<1024x1024xf32>
      %swap3A_279 = vector.shape_cast %add3A : vector<1024x1024xf32> to vector<1x1024x1024xf32>
      tpu.vector_store %arg5[%swap3A_274, %swap3A_275, %swap3A_276], %swap3A_279 {strides = array<i32>} : memref<1x1024x1024xf32, #tpu.memory_space<vmem>>, vector<1x1024x1024xf32>,
    } else {
    }
    %get3A_90 = arith.index_cast %arg0 : i32 to index
    %get3A_91 = arith.constant 11 : index
    %get3A_92 = memref.load %arg2[%get3A_90, %get3A_91] : memref<4x32xf32, #tpu.memory_space<smem>>
    %ne3A_93 = arith.constant 0.000000e+00 : f32
    %ne3A_94 = arith.cmpf one, %get3A_92, %ne3A_93 : f32
    %convert_element_type3A_95 = arith.extui %ne3A_94 : i1 to i32
    %cond3A_96 = arith.constant 0 : i32
    %cond3A_97 = arith.cmpi ne, %convert_element_type3A_95, %cond3A_96 : i32
    scf.if %cond3A_97 {
      %get3A_258 = arith.constant 0 : index
      %get3A_259 = arith.constant 196 : index
      %get3A_260 = arith.constant 0 : index
      %get3A_261 = vector.load %arg3[%get3A_258, %get3A_259, %get3A_260] : memref<1x256x1024xf32, #tpu.memory_space<vmem>>, vector<1x60x1024xf32>
      %get3A_262 = vector.shape_cast %get3A_261 : vector<1x60x1024xf32> to vector<60x1024xf32>
      %get3A_263 = arith.constant 0 : index
      %get3A_264 = arith.constant 0 : index
      %get3A_265 = arith.constant 0 : index
      %get3A_266 = vector.load %arg4[%get3A_263, %get3A_264, %get3A_265] : memref<1x1024x1024xf32, #tpu.memory_space<vmem>>, vector<1x964x1024xf32>
      %get3A_267 = vector.shape_cast %get3A_266 : vector<1x964x1024xf32> to vector<964x1024xf32>
      %get3A_268 = arith.constant 0 : index
      %get3A_269 = arith.constant 0 : index
      %get3A_270 = arith.constant 0 : index
      %get3A_271 = vector.load %arg5[%get3A_268, %get3A_269, %get3A_270] : memref<1x1024x1024xf32, #tpu.memory_space<vmem>>, vector<1x1024x1024xf32>
      %get3A_272 = vector.shape_cast %get3A_271 : vector<1x1024x1024xf32> to vector<1024x1024xf32>
      %concatenate3A = tpu.concatenate %get3A_262, %get3A_267 in 0 : vector<60x1024xf32>, vector<964x1024xf32> -> vector<1024x1024xf32>
      %mul3A = vector.broadcast %get3A_92 : f32 to vector<1024x1024xf32>
      %mul3A_273 = arith.mulf %mul3A, %concatenate3A : vector<1024x1024xf32>
      %add3A = arith.addf %get3A_272, %mul3A_273 : vector<1024x1024xf32>
      %swap3A_274 = arith.constant 0 : index
      %swap3A_275 = arith.constant 0 : index
      %swap3A_276 = arith.constant 0 : index
      %swap3A_277 = vector.load %arg5[%swap3A_274, %swap3A_275, %swap3A_276] : memref<1x1024x1024xf32, #tpu.memory_space<vmem>>, vector<1x1024x1024xf32>
      %swap3A_278 = vector.shape_cast %swap3A_277 : vector<1x1024x1024xf32> to vector<1024x1024xf32>
      %swap3A_279 = vector.shape_cast %add3A : vector<1024x1024xf32> to vector<1x1024x1024xf32>
      tpu.vector_store %arg5[%swap3A_274, %swap3A_275, %swap3A_276], %swap3A_279 {strides = array<i32>} : memref<1x1024x1024xf32, #tpu.memory_space<vmem>>, vector<1x1024x1024xf32>,
    } else {
    }
    %get3A_98 = arith.index_cast %arg0 : i32 to index
    %get3A_99 = arith.constant 12 : index
    %get3A_100 = memref.load %arg2[%get3A_98, %get3A_99] : memref<4x32xf32, #tpu.memory_space<smem>>
    %ne3A_101 = arith.constant 0.000000e+00 : f32
    %ne3A_102 = arith.cmpf one, %get3A_100, %ne3A_101 : f32
    %convert_element_type3A_103 = arith.extui %ne3A_102 : i1 to i32
    %cond3A_104 = arith.constant 0 : i32
    %cond3A_105 = arith.cmpi ne, %convert_element_type3A_103, %cond3A_104 : i32
    scf.if %cond3A_105 {
      %get3A_258 = arith.constant 0 : index
      %get3A_259 = arith.constant 191 : index
      %get3A_260 = arith.constant 0 : index
      %get3A_261 = vector.load %arg3[%get3A_258, %get3A_259, %get3A_260] : memref<1x256x1024xf32, #tpu.memory_space<vmem>>, vector<1x65x1024xf32>
      %get3A_262 = vector.shape_cast %get3A_261 : vector<1x65x1024xf32> to vector<65x1024xf32>
      %get3A_263 = arith.constant 0 : index
      %get3A_264 = arith.constant 0 : index
      %get3A_265 = arith.constant 0 : index
      %get3A_266 = vector.load %arg4[%get3A_263, %get3A_264, %get3A_265] : memref<1x1024x1024xf32, #tpu.memory_space<vmem>>, vector<1x959x1024xf32>
      %get3A_267 = vector.shape_cast %get3A_266 : vector<1x959x1024xf32> to vector<959x1024xf32>
      %get3A_268 = arith.constant 0 : index
      %get3A_269 = arith.constant 0 : index
      %get3A_270 = arith.constant 0 : index
      %get3A_271 = vector.load %arg5[%get3A_268, %get3A_269, %get3A_270] : memref<1x1024x1024xf32, #tpu.memory_space<vmem>>, vector<1x1024x1024xf32>
      %get3A_272 = vector.shape_cast %get3A_271 : vector<1x1024x1024xf32> to vector<1024x1024xf32>
      %concatenate3A = tpu.concatenate %get3A_262, %get3A_267 in 0 : vector<65x1024xf32>, vector<959x1024xf32> -> vector<1024x1024xf32>
      %mul3A = vector.broadcast %get3A_100 : f32 to vector<1024x1024xf32>
      %mul3A_273 = arith.mulf %mul3A, %concatenate3A : vector<1024x1024xf32>
      %add3A = arith.addf %get3A_272, %mul3A_273 : vector<1024x1024xf32>
      %swap3A_274 = arith.constant 0 : index
      %swap3A_275 = arith.constant 0 : index
      %swap3A_276 = arith.constant 0 : index
      %swap3A_277 = vector.load %arg5[%swap3A_274, %swap3A_275, %swap3A_276] : memref<1x1024x1024xf32, #tpu.memory_space<vmem>>, vector<1x1024x1024xf32>
      %swap3A_278 = vector.shape_cast %swap3A_277 : vector<1x1024x1024xf32> to vector<1024x1024xf32>
      %swap3A_279 = vector.shape_cast %add3A : vector<1024x1024xf32> to vector<1x1024x1024xf32>
      tpu.vector_store %arg5[%swap3A_274, %swap3A_275, %swap3A_276], %swap3A_279 {strides = array<i32>} : memref<1x1024x1024xf32, #tpu.memory_space<vmem>>, vector<1x1024x1024xf32>,
    } else {
    }
    %get3A_106 = arith.index_cast %arg0 : i32 to index
    %get3A_107 = arith.constant 13 : index
    %get3A_108 = memref.load %arg2[%get3A_106, %get3A_107] : memref<4x32xf32, #tpu.memory_space<smem>>
    %ne3A_109 = arith.constant 0.000000e+00 : f32
    %ne3A_110 = arith.cmpf one, %get3A_108, %ne3A_109 : f32
    %convert_element_type3A_111 = arith.extui %ne3A_110 : i1 to i32
    %cond3A_112 = arith.constant 0 : i32
    %cond3A_113 = arith.cmpi ne, %convert_element_type3A_111, %cond3A_112 : i32
    scf.if %cond3A_113 {
      %get3A_258 = arith.constant 0 : index
      %get3A_259 = arith.constant 185 : index
      %get3A_260 = arith.constant 0 : index
      %get3A_261 = vector.load %arg3[%get3A_258, %get3A_259, %get3A_260] : memref<1x256x1024xf32, #tpu.memory_space<vmem>>, vector<1x71x1024xf32>
      %get3A_262 = vector.shape_cast %get3A_261 : vector<1x71x1024xf32> to vector<71x1024xf32>
      %get3A_263 = arith.constant 0 : index
      %get3A_264 = arith.constant 0 : index
      %get3A_265 = arith.constant 0 : index
      %get3A_266 = vector.load %arg4[%get3A_263, %get3A_264, %get3A_265] : memref<1x1024x1024xf32, #tpu.memory_space<vmem>>, vector<1x953x1024xf32>
      %get3A_267 = vector.shape_cast %get3A_266 : vector<1x953x1024xf32> to vector<953x1024xf32>
      %get3A_268 = arith.constant 0 : index
      %get3A_269 = arith.constant 0 : index
      %get3A_270 = arith.constant 0 : index
      %get3A_271 = vector.load %arg5[%get3A_268, %get3A_269, %get3A_270] : memref<1x1024x1024xf32, #tpu.memory_space<vmem>>, vector<1x1024x1024xf32>
      %get3A_272 = vector.shape_cast %get3A_271 : vector<1x1024x1024xf32> to vector<1024x1024xf32>
      %concatenate3A = tpu.concatenate %get3A_262, %get3A_267 in 0 : vector<71x1024xf32>, vector<953x1024xf32> -> vector<1024x1024xf32>
      %mul3A = vector.broadcast %get3A_108 : f32 to vector<1024x1024xf32>
      %mul3A_273 = arith.mulf %mul3A, %concatenate3A : vector<1024x1024xf32>
      %add3A = arith.addf %get3A_272, %mul3A_273 : vector<1024x1024xf32>
      %swap3A_274 = arith.constant 0 : index
      %swap3A_275 = arith.constant 0 : index
      %swap3A_276 = arith.constant 0 : index
      %swap3A_277 = vector.load %arg5[%swap3A_274, %swap3A_275, %swap3A_276] : memref<1x1024x1024xf32, #tpu.memory_space<vmem>>, vector<1x1024x1024xf32>
      %swap3A_278 = vector.shape_cast %swap3A_277 : vector<1x1024x1024xf32> to vector<1024x1024xf32>
      %swap3A_279 = vector.shape_cast %add3A : vector<1024x1024xf32> to vector<1x1024x1024xf32>
      tpu.vector_store %arg5[%swap3A_274, %swap3A_275, %swap3A_276], %swap3A_279 {strides = array<i32>} : memref<1x1024x1024xf32, #tpu.memory_space<vmem>>, vector<1x1024x1024xf32>,
    } else {
    }
    %get3A_114 = arith.index_cast %arg0 : i32 to index
    %get3A_115 = arith.constant 14 : index
    %get3A_116 = memref.load %arg2[%get3A_114, %get3A_115] : memref<4x32xf32, #tpu.memory_space<smem>>
    %ne3A_117 = arith.constant 0.000000e+00 : f32
    %ne3A_118 = arith.cmpf one, %get3A_116, %ne3A_117 : f32
    %convert_element_type3A_119 = arith.extui %ne3A_118 : i1 to i32
    %cond3A_120 = arith.constant 0 : i32
    %cond3A_121 = arith.cmpi ne, %convert_element_type3A_119, %cond3A_120 : i32
    scf.if %cond3A_121 {
      %get3A_258 = arith.constant 0 : index
      %get3A_259 = arith.constant 180 : index
      %get3A_260 = arith.constant 0 : index
      %get3A_261 = vector.load %arg3[%get3A_258, %get3A_259, %get3A_260] : memref<1x256x1024xf32, #tpu.memory_space<vmem>>, vector<1x76x1024xf32>
      %get3A_262 = vector.shape_cast %get3A_261 : vector<1x76x1024xf32> to vector<76x1024xf32>
      %get3A_263 = arith.constant 0 : index
      %get3A_264 = arith.constant 0 : index
      %get3A_265 = arith.constant 0 : index
      %get3A_266 = vector.load %arg4[%get3A_263, %get3A_264, %get3A_265] : memref<1x1024x1024xf32, #tpu.memory_space<vmem>>, vector<1x948x1024xf32>
      %get3A_267 = vector.shape_cast %get3A_266 : vector<1x948x1024xf32> to vector<948x1024xf32>
      %get3A_268 = arith.constant 0 : index
      %get3A_269 = arith.constant 0 : index
      %get3A_270 = arith.constant 0 : index
      %get3A_271 = vector.load %arg5[%get3A_268, %get3A_269, %get3A_270] : memref<1x1024x1024xf32, #tpu.memory_space<vmem>>, vector<1x1024x1024xf32>
      %get3A_272 = vector.shape_cast %get3A_271 : vector<1x1024x1024xf32> to vector<1024x1024xf32>
      %concatenate3A = tpu.concatenate %get3A_262, %get3A_267 in 0 : vector<76x1024xf32>, vector<948x1024xf32> -> vector<1024x1024xf32>
      %mul3A = vector.broadcast %get3A_116 : f32 to vector<1024x1024xf32>
      %mul3A_273 = arith.mulf %mul3A, %concatenate3A : vector<1024x1024xf32>
      %add3A = arith.addf %get3A_272, %mul3A_273 : vector<1024x1024xf32>
      %swap3A_274 = arith.constant 0 : index
      %swap3A_275 = arith.constant 0 : index
      %swap3A_276 = arith.constant 0 : index
      %swap3A_277 = vector.load %arg5[%swap3A_274, %swap3A_275, %swap3A_276] : memref<1x1024x1024xf32, #tpu.memory_space<vmem>>, vector<1x1024x1024xf32>
      %swap3A_278 = vector.shape_cast %swap3A_277 : vector<1x1024x1024xf32> to vector<1024x1024xf32>
      %swap3A_279 = vector.shape_cast %add3A : vector<1024x1024xf32> to vector<1x1024x1024xf32>
      tpu.vector_store %arg5[%swap3A_274, %swap3A_275, %swap3A_276], %swap3A_279 {strides = array<i32>} : memref<1x1024x1024xf32, #tpu.memory_space<vmem>>, vector<1x1024x1024xf32>,
    } else {
    }
    %get3A_122 = arith.index_cast %arg0 : i32 to index
    %get3A_123 = arith.constant 15 : index
    %get3A_124 = memref.load %arg2[%get3A_122, %get3A_123] : memref<4x32xf32, #tpu.memory_space<smem>>
    %ne3A_125 = arith.constant 0.000000e+00 : f32
    %ne3A_126 = arith.cmpf one, %get3A_124, %ne3A_125 : f32
    %convert_element_type3A_127 = arith.extui %ne3A_126 : i1 to i32
    %cond3A_128 = arith.constant 0 : i32
    %cond3A_129 = arith.cmpi ne, %convert_element_type3A_127, %cond3A_128 : i32
    scf.if %cond3A_129 {
      %get3A_258 = arith.constant 0 : index
      %get3A_259 = arith.constant 175 : index
      %get3A_260 = arith.constant 0 : index
      %get3A_261 = vector.load %arg3[%get3A_258, %get3A_259, %get3A_260] : memref<1x256x1024xf32, #tpu.memory_space<vmem>>, vector<1x81x1024xf32>
      %get3A_262 = vector.shape_cast %get3A_261 : vector<1x81x1024xf32> to vector<81x1024xf32>
      %get3A_263 = arith.constant 0 : index
      %get3A_264 = arith.constant 0 : index
      %get3A_265 = arith.constant 0 : index
      %get3A_266 = vector.load %arg4[%get3A_263, %get3A_264, %get3A_265] : memref<1x1024x1024xf32, #tpu.memory_space<vmem>>, vector<1x943x1024xf32>
      %get3A_267 = vector.shape_cast %get3A_266 : vector<1x943x1024xf32> to vector<943x1024xf32>
      %get3A_268 = arith.constant 0 : index
      %get3A_269 = arith.constant 0 : index
      %get3A_270 = arith.constant 0 : index
      %get3A_271 = vector.load %arg5[%get3A_268, %get3A_269, %get3A_270] : memref<1x1024x1024xf32, #tpu.memory_space<vmem>>, vector<1x1024x1024xf32>
      %get3A_272 = vector.shape_cast %get3A_271 : vector<1x1024x1024xf32> to vector<1024x1024xf32>
      %concatenate3A = tpu.concatenate %get3A_262, %get3A_267 in 0 : vector<81x1024xf32>, vector<943x1024xf32> -> vector<1024x1024xf32>
      %mul3A = vector.broadcast %get3A_124 : f32 to vector<1024x1024xf32>
      %mul3A_273 = arith.mulf %mul3A, %concatenate3A : vector<1024x1024xf32>
      %add3A = arith.addf %get3A_272, %mul3A_273 : vector<1024x1024xf32>
      %swap3A_274 = arith.constant 0 : index
      %swap3A_275 = arith.constant 0 : index
      %swap3A_276 = arith.constant 0 : index
      %swap3A_277 = vector.load %arg5[%swap3A_274, %swap3A_275, %swap3A_276] : memref<1x1024x1024xf32, #tpu.memory_space<vmem>>, vector<1x1024x1024xf32>
      %swap3A_278 = vector.shape_cast %swap3A_277 : vector<1x1024x1024xf32> to vector<1024x1024xf32>
      %swap3A_279 = vector.shape_cast %add3A : vector<1024x1024xf32> to vector<1x1024x1024xf32>
      tpu.vector_store %arg5[%swap3A_274, %swap3A_275, %swap3A_276], %swap3A_279 {strides = array<i32>} : memref<1x1024x1024xf32, #tpu.memory_space<vmem>>, vector<1x1024x1024xf32>,
    } else {
    }
    %get3A_130 = arith.index_cast %arg0 : i32 to index
    %get3A_131 = arith.constant 16 : index
    %get3A_132 = memref.load %arg2[%get3A_130, %get3A_131] : memref<4x32xf32, #tpu.memory_space<smem>>
    %ne3A_133 = arith.constant 0.000000e+00 : f32
    %ne3A_134 = arith.cmpf one, %get3A_132, %ne3A_133 : f32
    %convert_element_type3A_135 = arith.extui %ne3A_134 : i1 to i32
    %cond3A_136 = arith.constant 0 : i32
    %cond3A_137 = arith.cmpi ne, %convert_element_type3A_135, %cond3A_136 : i32
    scf.if %cond3A_137 {
      %get3A_258 = arith.constant 0 : index
      %get3A_259 = arith.constant 169 : index
      %get3A_260 = arith.constant 0 : index
      %get3A_261 = vector.load %arg3[%get3A_258, %get3A_259, %get3A_260] : memref<1x256x1024xf32, #tpu.memory_space<vmem>>, vector<1x87x1024xf32>
      %get3A_262 = vector.shape_cast %get3A_261 : vector<1x87x1024xf32> to vector<87x1024xf32>
      %get3A_263 = arith.constant 0 : index
      %get3A_264 = arith.constant 0 : index
      %get3A_265 = arith.constant 0 : index
      %get3A_266 = vector.load %arg4[%get3A_263, %get3A_264, %get3A_265] : memref<1x1024x1024xf32, #tpu.memory_space<vmem>>, vector<1x937x1024xf32>
      %get3A_267 = vector.shape_cast %get3A_266 : vector<1x937x1024xf32> to vector<937x1024xf32>
      %get3A_268 = arith.constant 0 : index
      %get3A_269 = arith.constant 0 : index
      %get3A_270 = arith.constant 0 : index
      %get3A_271 = vector.load %arg5[%get3A_268, %get3A_269, %get3A_270] : memref<1x1024x1024xf32, #tpu.memory_space<vmem>>, vector<1x1024x1024xf32>
      %get3A_272 = vector.shape_cast %get3A_271 : vector<1x1024x1024xf32> to vector<1024x1024xf32>
      %concatenate3A = tpu.concatenate %get3A_262, %get3A_267 in 0 : vector<87x1024xf32>, vector<937x1024xf32> -> vector<1024x1024xf32>
      %mul3A = vector.broadcast %get3A_132 : f32 to vector<1024x1024xf32>
      %mul3A_273 = arith.mulf %mul3A, %concatenate3A : vector<1024x1024xf32>
      %add3A = arith.addf %get3A_272, %mul3A_273 : vector<1024x1024xf32>
      %swap3A_274 = arith.constant 0 : index
      %swap3A_275 = arith.constant 0 : index
      %swap3A_276 = arith.constant 0 : index
      %swap3A_277 = vector.load %arg5[%swap3A_274, %swap3A_275, %swap3A_276] : memref<1x1024x1024xf32, #tpu.memory_space<vmem>>, vector<1x1024x1024xf32>
      %swap3A_278 = vector.shape_cast %swap3A_277 : vector<1x1024x1024xf32> to vector<1024x1024xf32>
      %swap3A_279 = vector.shape_cast %add3A : vector<1024x1024xf32> to vector<1x1024x1024xf32>
      tpu.vector_store %arg5[%swap3A_274, %swap3A_275, %swap3A_276], %swap3A_279 {strides = array<i32>} : memref<1x1024x1024xf32, #tpu.memory_space<vmem>>, vector<1x1024x1024xf32>,
    } else {
    }
    %get3A_138 = arith.index_cast %arg0 : i32 to index
    %get3A_139 = arith.constant 17 : index
    %get3A_140 = memref.load %arg2[%get3A_138, %get3A_139] : memref<4x32xf32, #tpu.memory_space<smem>>
    %ne3A_141 = arith.constant 0.000000e+00 : f32
    %ne3A_142 = arith.cmpf one, %get3A_140, %ne3A_141 : f32
    %convert_element_type3A_143 = arith.extui %ne3A_142 : i1 to i32
    %cond3A_144 = arith.constant 0 : i32
    %cond3A_145 = arith.cmpi ne, %convert_element_type3A_143, %cond3A_144 : i32
    scf.if %cond3A_145 {
      %get3A_258 = arith.constant 0 : index
      %get3A_259 = arith.constant 164 : index
      %get3A_260 = arith.constant 0 : index
      %get3A_261 = vector.load %arg3[%get3A_258, %get3A_259, %get3A_260] : memref<1x256x1024xf32, #tpu.memory_space<vmem>>, vector<1x92x1024xf32>
      %get3A_262 = vector.shape_cast %get3A_261 : vector<1x92x1024xf32> to vector<92x1024xf32>
      %get3A_263 = arith.constant 0 : index
      %get3A_264 = arith.constant 0 : index
      %get3A_265 = arith.constant 0 : index
      %get3A_266 = vector.load %arg4[%get3A_263, %get3A_264, %get3A_265] : memref<1x1024x1024xf32, #tpu.memory_space<vmem>>, vector<1x932x1024xf32>
      %get3A_267 = vector.shape_cast %get3A_266 : vector<1x932x1024xf32> to vector<932x1024xf32>
      %get3A_268 = arith.constant 0 : index
      %get3A_269 = arith.constant 0 : index
      %get3A_270 = arith.constant 0 : index
      %get3A_271 = vector.load %arg5[%get3A_268, %get3A_269, %get3A_270] : memref<1x1024x1024xf32, #tpu.memory_space<vmem>>, vector<1x1024x1024xf32>
      %get3A_272 = vector.shape_cast %get3A_271 : vector<1x1024x1024xf32> to vector<1024x1024xf32>
      %concatenate3A = tpu.concatenate %get3A_262, %get3A_267 in 0 : vector<92x1024xf32>, vector<932x1024xf32> -> vector<1024x1024xf32>
      %mul3A = vector.broadcast %get3A_140 : f32 to vector<1024x1024xf32>
      %mul3A_273 = arith.mulf %mul3A, %concatenate3A : vector<1024x1024xf32>
      %add3A = arith.addf %get3A_272, %mul3A_273 : vector<1024x1024xf32>
      %swap3A_274 = arith.constant 0 : index
      %swap3A_275 = arith.constant 0 : index
      %swap3A_276 = arith.constant 0 : index
      %swap3A_277 = vector.load %arg5[%swap3A_274, %swap3A_275, %swap3A_276] : memref<1x1024x1024xf32, #tpu.memory_space<vmem>>, vector<1x1024x1024xf32>
      %swap3A_278 = vector.shape_cast %swap3A_277 : vector<1x1024x1024xf32> to vector<1024x1024xf32>
      %swap3A_279 = vector.shape_cast %add3A : vector<1024x1024xf32> to vector<1x1024x1024xf32>
      tpu.vector_store %arg5[%swap3A_274, %swap3A_275, %swap3A_276], %swap3A_279 {strides = array<i32>} : memref<1x1024x1024xf32, #tpu.memory_space<vmem>>, vector<1x1024x1024xf32>,
    } else {
    }
    %get3A_146 = arith.index_cast %arg0 : i32 to index
    %get3A_147 = arith.constant 18 : index
    %get3A_148 = memref.load %arg2[%get3A_146, %get3A_147] : memref<4x32xf32, #tpu.memory_space<smem>>
    %ne3A_149 = arith.constant 0.000000e+00 : f32
    %ne3A_150 = arith.cmpf one, %get3A_148, %ne3A_149 : f32
    %convert_element_type3A_151 = arith.extui %ne3A_150 : i1 to i32
    %cond3A_152 = arith.constant 0 : i32
    %cond3A_153 = arith.cmpi ne, %convert_element_type3A_151, %cond3A_152 : i32
    scf.if %cond3A_153 {
      %get3A_258 = arith.constant 0 : index
      %get3A_259 = arith.constant 159 : index
      %get3A_260 = arith.constant 0 : index
      %get3A_261 = vector.load %arg3[%get3A_258, %get3A_259, %get3A_260] : memref<1x256x1024xf32, #tpu.memory_space<vmem>>, vector<1x97x1024xf32>
      %get3A_262 = vector.shape_cast %get3A_261 : vector<1x97x1024xf32> to vector<97x1024xf32>
      %get3A_263 = arith.constant 0 : index
      %get3A_264 = arith.constant 0 : index
      %get3A_265 = arith.constant 0 : index
      %get3A_266 = vector.load %arg4[%get3A_263, %get3A_264, %get3A_265] : memref<1x1024x1024xf32, #tpu.memory_space<vmem>>, vector<1x927x1024xf32>
      %get3A_267 = vector.shape_cast %get3A_266 : vector<1x927x1024xf32> to vector<927x1024xf32>
      %get3A_268 = arith.constant 0 : index
      %get3A_269 = arith.constant 0 : index
      %get3A_270 = arith.constant 0 : index
      %get3A_271 = vector.load %arg5[%get3A_268, %get3A_269, %get3A_270] : memref<1x1024x1024xf32, #tpu.memory_space<vmem>>, vector<1x1024x1024xf32>
      %get3A_272 = vector.shape_cast %get3A_271 : vector<1x1024x1024xf32> to vector<1024x1024xf32>
      %concatenate3A = tpu.concatenate %get3A_262, %get3A_267 in 0 : vector<97x1024xf32>, vector<927x1024xf32> -> vector<1024x1024xf32>
      %mul3A = vector.broadcast %get3A_148 : f32 to vector<1024x1024xf32>
      %mul3A_273 = arith.mulf %mul3A, %concatenate3A : vector<1024x1024xf32>
      %add3A = arith.addf %get3A_272, %mul3A_273 : vector<1024x1024xf32>
      %swap3A_274 = arith.constant 0 : index
      %swap3A_275 = arith.constant 0 : index
      %swap3A_276 = arith.constant 0 : index
      %swap3A_277 = vector.load %arg5[%swap3A_274, %swap3A_275, %swap3A_276] : memref<1x1024x1024xf32, #tpu.memory_space<vmem>>, vector<1x1024x1024xf32>
      %swap3A_278 = vector.shape_cast %swap3A_277 : vector<1x1024x1024xf32> to vector<1024x1024xf32>
      %swap3A_279 = vector.shape_cast %add3A : vector<1024x1024xf32> to vector<1x1024x1024xf32>
      tpu.vector_store %arg5[%swap3A_274, %swap3A_275, %swap3A_276], %swap3A_279 {strides = array<i32>} : memref<1x1024x1024xf32, #tpu.memory_space<vmem>>, vector<1x1024x1024xf32>,
    } else {
    }
    %get3A_154 = arith.index_cast %arg0 : i32 to index
    %get3A_155 = arith.constant 19 : index
    %get3A_156 = memref.load %arg2[%get3A_154, %get3A_155] : memref<4x32xf32, #tpu.memory_space<smem>>
    %ne3A_157 = arith.constant 0.000000e+00 : f32
    %ne3A_158 = arith.cmpf one, %get3A_156, %ne3A_157 : f32
    %convert_element_type3A_159 = arith.extui %ne3A_158 : i1 to i32
    %cond3A_160 = arith.constant 0 : i32
    %cond3A_161 = arith.cmpi ne, %convert_element_type3A_159, %cond3A_160 : i32
    scf.if %cond3A_161 {
      %get3A_258 = arith.constant 0 : index
      %get3A_259 = arith.constant 153 : index
      %get3A_260 = arith.constant 0 : index
      %get3A_261 = vector.load %arg3[%get3A_258, %get3A_259, %get3A_260] : memref<1x256x1024xf32, #tpu.memory_space<vmem>>, vector<1x103x1024xf32>
      %get3A_262 = vector.shape_cast %get3A_261 : vector<1x103x1024xf32> to vector<103x1024xf32>
      %get3A_263 = arith.constant 0 : index
      %get3A_264 = arith.constant 0 : index
      %get3A_265 = arith.constant 0 : index
      %get3A_266 = vector.load %arg4[%get3A_263, %get3A_264, %get3A_265] : memref<1x1024x1024xf32, #tpu.memory_space<vmem>>, vector<1x921x1024xf32>
      %get3A_267 = vector.shape_cast %get3A_266 : vector<1x921x1024xf32> to vector<921x1024xf32>
      %get3A_268 = arith.constant 0 : index
      %get3A_269 = arith.constant 0 : index
      %get3A_270 = arith.constant 0 : index
      %get3A_271 = vector.load %arg5[%get3A_268, %get3A_269, %get3A_270] : memref<1x1024x1024xf32, #tpu.memory_space<vmem>>, vector<1x1024x1024xf32>
      %get3A_272 = vector.shape_cast %get3A_271 : vector<1x1024x1024xf32> to vector<1024x1024xf32>
      %concatenate3A = tpu.concatenate %get3A_262, %get3A_267 in 0 : vector<103x1024xf32>, vector<921x1024xf32> -> vector<1024x1024xf32>
      %mul3A = vector.broadcast %get3A_156 : f32 to vector<1024x1024xf32>
      %mul3A_273 = arith.mulf %mul3A, %concatenate3A : vector<1024x1024xf32>
      %add3A = arith.addf %get3A_272, %mul3A_273 : vector<1024x1024xf32>
      %swap3A_274 = arith.constant 0 : index
      %swap3A_275 = arith.constant 0 : index
      %swap3A_276 = arith.constant 0 : index
      %swap3A_277 = vector.load %arg5[%swap3A_274, %swap3A_275, %swap3A_276] : memref<1x1024x1024xf32, #tpu.memory_space<vmem>>, vector<1x1024x1024xf32>
      %swap3A_278 = vector.shape_cast %swap3A_277 : vector<1x1024x1024xf32> to vector<1024x1024xf32>
      %swap3A_279 = vector.shape_cast %add3A : vector<1024x1024xf32> to vector<1x1024x1024xf32>
      tpu.vector_store %arg5[%swap3A_274, %swap3A_275, %swap3A_276], %swap3A_279 {strides = array<i32>} : memref<1x1024x1024xf32, #tpu.memory_space<vmem>>, vector<1x1024x1024xf32>,
    } else {
    }
    %get3A_162 = arith.index_cast %arg0 : i32 to index
    %get3A_163 = arith.constant 20 : index
    %get3A_164 = memref.load %arg2[%get3A_162, %get3A_163] : memref<4x32xf32, #tpu.memory_space<smem>>
    %ne3A_165 = arith.constant 0.000000e+00 : f32
    %ne3A_166 = arith.cmpf one, %get3A_164, %ne3A_165 : f32
    %convert_element_type3A_167 = arith.extui %ne3A_166 : i1 to i32
    %cond3A_168 = arith.constant 0 : i32
    %cond3A_169 = arith.cmpi ne, %convert_element_type3A_167, %cond3A_168 : i32
    scf.if %cond3A_169 {
      %get3A_258 = arith.constant 0 : index
      %get3A_259 = arith.constant 148 : index
      %get3A_260 = arith.constant 0 : index
      %get3A_261 = vector.load %arg3[%get3A_258, %get3A_259, %get3A_260] : memref<1x256x1024xf32, #tpu.memory_space<vmem>>, vector<1x108x1024xf32>
      %get3A_262 = vector.shape_cast %get3A_261 : vector<1x108x1024xf32> to vector<108x1024xf32>
      %get3A_263 = arith.constant 0 : index
      %get3A_264 = arith.constant 0 : index
      %get3A_265 = arith.constant 0 : index
      %get3A_266 = vector.load %arg4[%get3A_263, %get3A_264, %get3A_265] : memref<1x1024x1024xf32, #tpu.memory_space<vmem>>, vector<1x916x1024xf32>
      %get3A_267 = vector.shape_cast %get3A_266 : vector<1x916x1024xf32> to vector<916x1024xf32>
      %get3A_268 = arith.constant 0 : index
      %get3A_269 = arith.constant 0 : index
      %get3A_270 = arith.constant 0 : index
      %get3A_271 = vector.load %arg5[%get3A_268, %get3A_269, %get3A_270] : memref<1x1024x1024xf32, #tpu.memory_space<vmem>>, vector<1x1024x1024xf32>
      %get3A_272 = vector.shape_cast %get3A_271 : vector<1x1024x1024xf32> to vector<1024x1024xf32>
      %concatenate3A = tpu.concatenate %get3A_262, %get3A_267 in 0 : vector<108x1024xf32>, vector<916x1024xf32> -> vector<1024x1024xf32>
      %mul3A = vector.broadcast %get3A_164 : f32 to vector<1024x1024xf32>
      %mul3A_273 = arith.mulf %mul3A, %concatenate3A : vector<1024x1024xf32>
      %add3A = arith.addf %get3A_272, %mul3A_273 : vector<1024x1024xf32>
      %swap3A_274 = arith.constant 0 : index
      %swap3A_275 = arith.constant 0 : index
      %swap3A_276 = arith.constant 0 : index
      %swap3A_277 = vector.load %arg5[%swap3A_274, %swap3A_275, %swap3A_276] : memref<1x1024x1024xf32, #tpu.memory_space<vmem>>, vector<1x1024x1024xf32>
      %swap3A_278 = vector.shape_cast %swap3A_277 : vector<1x1024x1024xf32> to vector<1024x1024xf32>
      %swap3A_279 = vector.shape_cast %add3A : vector<1024x1024xf32> to vector<1x1024x1024xf32>
      tpu.vector_store %arg5[%swap3A_274, %swap3A_275, %swap3A_276], %swap3A_279 {strides = array<i32>} : memref<1x1024x1024xf32, #tpu.memory_space<vmem>>, vector<1x1024x1024xf32>,
    } else {
    }
    %get3A_170 = arith.index_cast %arg0 : i32 to index
    %get3A_171 = arith.constant 21 : index
    %get3A_172 = memref.load %arg2[%get3A_170, %get3A_171] : memref<4x32xf32, #tpu.memory_space<smem>>
    %ne3A_173 = arith.constant 0.000000e+00 : f32
    %ne3A_174 = arith.cmpf one, %get3A_172, %ne3A_173 : f32
    %convert_element_type3A_175 = arith.extui %ne3A_174 : i1 to i32
    %cond3A_176 = arith.constant 0 : i32
    %cond3A_177 = arith.cmpi ne, %convert_element_type3A_175, %cond3A_176 : i32
    scf.if %cond3A_177 {
      %get3A_258 = arith.constant 0 : index
      %get3A_259 = arith.constant 142 : index
      %get3A_260 = arith.constant 0 : index
      %get3A_261 = vector.load %arg3[%get3A_258, %get3A_259, %get3A_260] : memref<1x256x1024xf32, #tpu.memory_space<vmem>>, vector<1x114x1024xf32>
      %get3A_262 = vector.shape_cast %get3A_261 : vector<1x114x1024xf32> to vector<114x1024xf32>
      %get3A_263 = arith.constant 0 : index
      %get3A_264 = arith.constant 0 : index
      %get3A_265 = arith.constant 0 : index
      %get3A_266 = vector.load %arg4[%get3A_263, %get3A_264, %get3A_265] : memref<1x1024x1024xf32, #tpu.memory_space<vmem>>, vector<1x910x1024xf32>
      %get3A_267 = vector.shape_cast %get3A_266 : vector<1x910x1024xf32> to vector<910x1024xf32>
      %get3A_268 = arith.constant 0 : index
      %get3A_269 = arith.constant 0 : index
      %get3A_270 = arith.constant 0 : index
      %get3A_271 = vector.load %arg5[%get3A_268, %get3A_269, %get3A_270] : memref<1x1024x1024xf32, #tpu.memory_space<vmem>>, vector<1x1024x1024xf32>
      %get3A_272 = vector.shape_cast %get3A_271 : vector<1x1024x1024xf32> to vector<1024x1024xf32>
      %concatenate3A = tpu.concatenate %get3A_262, %get3A_267 in 0 : vector<114x1024xf32>, vector<910x1024xf32> -> vector<1024x1024xf32>
      %mul3A = vector.broadcast %get3A_172 : f32 to vector<1024x1024xf32>
      %mul3A_273 = arith.mulf %mul3A, %concatenate3A : vector<1024x1024xf32>
      %add3A = arith.addf %get3A_272, %mul3A_273 : vector<1024x1024xf32>
      %swap3A_274 = arith.constant 0 : index
      %swap3A_275 = arith.constant 0 : index
      %swap3A_276 = arith.constant 0 : index
      %swap3A_277 = vector.load %arg5[%swap3A_274, %swap3A_275, %swap3A_276] : memref<1x1024x1024xf32, #tpu.memory_space<vmem>>, vector<1x1024x1024xf32>
      %swap3A_278 = vector.shape_cast %swap3A_277 : vector<1x1024x1024xf32> to vector<1024x1024xf32>
      %swap3A_279 = vector.shape_cast %add3A : vector<1024x1024xf32> to vector<1x1024x1024xf32>
      tpu.vector_store %arg5[%swap3A_274, %swap3A_275, %swap3A_276], %swap3A_279 {strides = array<i32>} : memref<1x1024x1024xf32, #tpu.memory_space<vmem>>, vector<1x1024x1024xf32>,
    } else {
    }
    %get3A_178 = arith.index_cast %arg0 : i32 to index
    %get3A_179 = arith.constant 22 : index
    %get3A_180 = memref.load %arg2[%get3A_178, %get3A_179] : memref<4x32xf32, #tpu.memory_space<smem>>
    %ne3A_181 = arith.constant 0.000000e+00 : f32
    %ne3A_182 = arith.cmpf one, %get3A_180, %ne3A_181 : f32
    %convert_element_type3A_183 = arith.extui %ne3A_182 : i1 to i32
    %cond3A_184 = arith.constant 0 : i32
    %cond3A_185 = arith.cmpi ne, %convert_element_type3A_183, %cond3A_184 : i32
    scf.if %cond3A_185 {
      %get3A_258 = arith.constant 0 : index
      %get3A_259 = arith.constant 137 : index
      %get3A_260 = arith.constant 0 : index
      %get3A_261 = vector.load %arg3[%get3A_258, %get3A_259, %get3A_260] : memref<1x256x1024xf32, #tpu.memory_space<vmem>>, vector<1x119x1024xf32>
      %get3A_262 = vector.shape_cast %get3A_261 : vector<1x119x1024xf32> to vector<119x1024xf32>
      %get3A_263 = arith.constant 0 : index
      %get3A_264 = arith.constant 0 : index
      %get3A_265 = arith.constant 0 : index
      %get3A_266 = vector.load %arg4[%get3A_263, %get3A_264, %get3A_265] : memref<1x1024x1024xf32, #tpu.memory_space<vmem>>, vector<1x905x1024xf32>
      %get3A_267 = vector.shape_cast %get3A_266 : vector<1x905x1024xf32> to vector<905x1024xf32>
      %get3A_268 = arith.constant 0 : index
      %get3A_269 = arith.constant 0 : index
      %get3A_270 = arith.constant 0 : index
      %get3A_271 = vector.load %arg5[%get3A_268, %get3A_269, %get3A_270] : memref<1x1024x1024xf32, #tpu.memory_space<vmem>>, vector<1x1024x1024xf32>
      %get3A_272 = vector.shape_cast %get3A_271 : vector<1x1024x1024xf32> to vector<1024x1024xf32>
      %concatenate3A = tpu.concatenate %get3A_262, %get3A_267 in 0 : vector<119x1024xf32>, vector<905x1024xf32> -> vector<1024x1024xf32>
      %mul3A = vector.broadcast %get3A_180 : f32 to vector<1024x1024xf32>
      %mul3A_273 = arith.mulf %mul3A, %concatenate3A : vector<1024x1024xf32>
      %add3A = arith.addf %get3A_272, %mul3A_273 : vector<1024x1024xf32>
      %swap3A_274 = arith.constant 0 : index
      %swap3A_275 = arith.constant 0 : index
      %swap3A_276 = arith.constant 0 : index
      %swap3A_277 = vector.load %arg5[%swap3A_274, %swap3A_275, %swap3A_276] : memref<1x1024x1024xf32, #tpu.memory_space<vmem>>, vector<1x1024x1024xf32>
      %swap3A_278 = vector.shape_cast %swap3A_277 : vector<1x1024x1024xf32> to vector<1024x1024xf32>
      %swap3A_279 = vector.shape_cast %add3A : vector<1024x1024xf32> to vector<1x1024x1024xf32>
      tpu.vector_store %arg5[%swap3A_274, %swap3A_275, %swap3A_276], %swap3A_279 {strides = array<i32>} : memref<1x1024x1024xf32, #tpu.memory_space<vmem>>, vector<1x1024x1024xf32>,
    } else {
    }
    %get3A_186 = arith.index_cast %arg0 : i32 to index
    %get3A_187 = arith.constant 23 : index
    %get3A_188 = memref.load %arg2[%get3A_186, %get3A_187] : memref<4x32xf32, #tpu.memory_space<smem>>
    %ne3A_189 = arith.constant 0.000000e+00 : f32
    %ne3A_190 = arith.cmpf one, %get3A_188, %ne3A_189 : f32
    %convert_element_type3A_191 = arith.extui %ne3A_190 : i1 to i32
    %cond3A_192 = arith.constant 0 : i32
    %cond3A_193 = arith.cmpi ne, %convert_element_type3A_191, %cond3A_192 : i32
    scf.if %cond3A_193 {
      %get3A_258 = arith.constant 0 : index
      %get3A_259 = arith.constant 132 : index
      %get3A_260 = arith.constant 0 : index
      %get3A_261 = vector.load %arg3[%get3A_258, %get3A_259, %get3A_260] : memref<1x256x1024xf32, #tpu.memory_space<vmem>>, vector<1x124x1024xf32>
      %get3A_262 = vector.shape_cast %get3A_261 : vector<1x124x1024xf32> to vector<124x1024xf32>
      %get3A_263 = arith.constant 0 : index
      %get3A_264 = arith.constant 0 : index
      %get3A_265 = arith.constant 0 : index
      %get3A_266 = vector.load %arg4[%get3A_263, %get3A_264, %get3A_265] : memref<1x1024x1024xf32, #tpu.memory_space<vmem>>, vector<1x900x1024xf32>
      %get3A_267 = vector.shape_cast %get3A_266 : vector<1x900x1024xf32> to vector<900x1024xf32>
      %get3A_268 = arith.constant 0 : index
      %get3A_269 = arith.constant 0 : index
      %get3A_270 = arith.constant 0 : index
      %get3A_271 = vector.load %arg5[%get3A_268, %get3A_269, %get3A_270] : memref<1x1024x1024xf32, #tpu.memory_space<vmem>>, vector<1x1024x1024xf32>
      %get3A_272 = vector.shape_cast %get3A_271 : vector<1x1024x1024xf32> to vector<1024x1024xf32>
      %concatenate3A = tpu.concatenate %get3A_262, %get3A_267 in 0 : vector<124x1024xf32>, vector<900x1024xf32> -> vector<1024x1024xf32>
      %mul3A = vector.broadcast %get3A_188 : f32 to vector<1024x1024xf32>
      %mul3A_273 = arith.mulf %mul3A, %concatenate3A : vector<1024x1024xf32>
      %add3A = arith.addf %get3A_272, %mul3A_273 : vector<1024x1024xf32>
      %swap3A_274 = arith.constant 0 : index
      %swap3A_275 = arith.constant 0 : index
      %swap3A_276 = arith.constant 0 : index
      %swap3A_277 = vector.load %arg5[%swap3A_274, %swap3A_275, %swap3A_276] : memref<1x1024x1024xf32, #tpu.memory_space<vmem>>, vector<1x1024x1024xf32>
      %swap3A_278 = vector.shape_cast %swap3A_277 : vector<1x1024x1024xf32> to vector<1024x1024xf32>
      %swap3A_279 = vector.shape_cast %add3A : vector<1024x1024xf32> to vector<1x1024x1024xf32>
      tpu.vector_store %arg5[%swap3A_274, %swap3A_275, %swap3A_276], %swap3A_279 {strides = array<i32>} : memref<1x1024x1024xf32, #tpu.memory_space<vmem>>, vector<1x1024x1024xf32>,
    } else {
    }
    %get3A_194 = arith.index_cast %arg0 : i32 to index
    %get3A_195 = arith.constant 24 : index
    %get3A_196 = memref.load %arg2[%get3A_194, %get3A_195] : memref<4x32xf32, #tpu.memory_space<smem>>
    %ne3A_197 = arith.constant 0.000000e+00 : f32
    %ne3A_198 = arith.cmpf one, %get3A_196, %ne3A_197 : f32
    %convert_element_type3A_199 = arith.extui %ne3A_198 : i1 to i32
    %cond3A_200 = arith.constant 0 : i32
    %cond3A_201 = arith.cmpi ne, %convert_element_type3A_199, %cond3A_200 : i32
    scf.if %cond3A_201 {
      %get3A_258 = arith.constant 0 : index
      %get3A_259 = arith.constant 126 : index
      %get3A_260 = arith.constant 0 : index
      %get3A_261 = vector.load %arg3[%get3A_258, %get3A_259, %get3A_260] : memref<1x256x1024xf32, #tpu.memory_space<vmem>>, vector<1x130x1024xf32>
      %get3A_262 = vector.shape_cast %get3A_261 : vector<1x130x1024xf32> to vector<130x1024xf32>
      %get3A_263 = arith.constant 0 : index
      %get3A_264 = arith.constant 0 : index
      %get3A_265 = arith.constant 0 : index
      %get3A_266 = vector.load %arg4[%get3A_263, %get3A_264, %get3A_265] : memref<1x1024x1024xf32, #tpu.memory_space<vmem>>, vector<1x894x1024xf32>
      %get3A_267 = vector.shape_cast %get3A_266 : vector<1x894x1024xf32> to vector<894x1024xf32>
      %get3A_268 = arith.constant 0 : index
      %get3A_269 = arith.constant 0 : index
      %get3A_270 = arith.constant 0 : index
      %get3A_271 = vector.load %arg5[%get3A_268, %get3A_269, %get3A_270] : memref<1x1024x1024xf32, #tpu.memory_space<vmem>>, vector<1x1024x1024xf32>
      %get3A_272 = vector.shape_cast %get3A_271 : vector<1x1024x1024xf32> to vector<1024x1024xf32>
      %concatenate3A = tpu.concatenate %get3A_262, %get3A_267 in 0 : vector<130x1024xf32>, vector<894x1024xf32> -> vector<1024x1024xf32>
      %mul3A = vector.broadcast %get3A_196 : f32 to vector<1024x1024xf32>
      %mul3A_273 = arith.mulf %mul3A, %concatenate3A : vector<1024x1024xf32>
      %add3A = arith.addf %get3A_272, %mul3A_273 : vector<1024x1024xf32>
      %swap3A_274 = arith.constant 0 : index
      %swap3A_275 = arith.constant 0 : index
      %swap3A_276 = arith.constant 0 : index
      %swap3A_277 = vector.load %arg5[%swap3A_274, %swap3A_275, %swap3A_276] : memref<1x1024x1024xf32, #tpu.memory_space<vmem>>, vector<1x1024x1024xf32>
      %swap3A_278 = vector.shape_cast %swap3A_277 : vector<1x1024x1024xf32> to vector<1024x1024xf32>
      %swap3A_279 = vector.shape_cast %add3A : vector<1024x1024xf32> to vector<1x1024x1024xf32>
      tpu.vector_store %arg5[%swap3A_274, %swap3A_275, %swap3A_276], %swap3A_279 {strides = array<i32>} : memref<1x1024x1024xf32, #tpu.memory_space<vmem>>, vector<1x1024x1024xf32>,
    } else {
    }
    %get3A_202 = arith.index_cast %arg0 : i32 to index
    %get3A_203 = arith.constant 25 : index
    %get3A_204 = memref.load %arg2[%get3A_202, %get3A_203] : memref<4x32xf32, #tpu.memory_space<smem>>
    %ne3A_205 = arith.constant 0.000000e+00 : f32
    %ne3A_206 = arith.cmpf one, %get3A_204, %ne3A_205 : f32
    %convert_element_type3A_207 = arith.extui %ne3A_206 : i1 to i32
    %cond3A_208 = arith.constant 0 : i32
    %cond3A_209 = arith.cmpi ne, %convert_element_type3A_207, %cond3A_208 : i32
    scf.if %cond3A_209 {
      %get3A_258 = arith.constant 0 : index
      %get3A_259 = arith.constant 121 : index
      %get3A_260 = arith.constant 0 : index
      %get3A_261 = vector.load %arg3[%get3A_258, %get3A_259, %get3A_260] : memref<1x256x1024xf32, #tpu.memory_space<vmem>>, vector<1x135x1024xf32>
      %get3A_262 = vector.shape_cast %get3A_261 : vector<1x135x1024xf32> to vector<135x1024xf32>
      %get3A_263 = arith.constant 0 : index
      %get3A_264 = arith.constant 0 : index
      %get3A_265 = arith.constant 0 : index
      %get3A_266 = vector.load %arg4[%get3A_263, %get3A_264, %get3A_265] : memref<1x1024x1024xf32, #tpu.memory_space<vmem>>, vector<1x889x1024xf32>
      %get3A_267 = vector.shape_cast %get3A_266 : vector<1x889x1024xf32> to vector<889x1024xf32>
      %get3A_268 = arith.constant 0 : index
      %get3A_269 = arith.constant 0 : index
      %get3A_270 = arith.constant 0 : index
      %get3A_271 = vector.load %arg5[%get3A_268, %get3A_269, %get3A_270] : memref<1x1024x1024xf32, #tpu.memory_space<vmem>>, vector<1x1024x1024xf32>
      %get3A_272 = vector.shape_cast %get3A_271 : vector<1x1024x1024xf32> to vector<1024x1024xf32>
      %concatenate3A = tpu.concatenate %get3A_262, %get3A_267 in 0 : vector<135x1024xf32>, vector<889x1024xf32> -> vector<1024x1024xf32>
      %mul3A = vector.broadcast %get3A_204 : f32 to vector<1024x1024xf32>
      %mul3A_273 = arith.mulf %mul3A, %concatenate3A : vector<1024x1024xf32>
      %add3A = arith.addf %get3A_272, %mul3A_273 : vector<1024x1024xf32>
      %swap3A_274 = arith.constant 0 : index
      %swap3A_275 = arith.constant 0 : index
      %swap3A_276 = arith.constant 0 : index
      %swap3A_277 = vector.load %arg5[%swap3A_274, %swap3A_275, %swap3A_276] : memref<1x1024x1024xf32, #tpu.memory_space<vmem>>, vector<1x1024x1024xf32>
      %swap3A_278 = vector.shape_cast %swap3A_277 : vector<1x1024x1024xf32> to vector<1024x1024xf32>
      %swap3A_279 = vector.shape_cast %add3A : vector<1024x1024xf32> to vector<1x1024x1024xf32>
      tpu.vector_store %arg5[%swap3A_274, %swap3A_275, %swap3A_276], %swap3A_279 {strides = array<i32>} : memref<1x1024x1024xf32, #tpu.memory_space<vmem>>, vector<1x1024x1024xf32>,
    } else {
    }
    %get3A_210 = arith.index_cast %arg0 : i32 to index
    %get3A_211 = arith.constant 26 : index
    %get3A_212 = memref.load %arg2[%get3A_210, %get3A_211] : memref<4x32xf32, #tpu.memory_space<smem>>
    %ne3A_213 = arith.constant 0.000000e+00 : f32
    %ne3A_214 = arith.cmpf one, %get3A_212, %ne3A_213 : f32
    %convert_element_type3A_215 = arith.extui %ne3A_214 : i1 to i32
    %cond3A_216 = arith.constant 0 : i32
    %cond3A_217 = arith.cmpi ne, %convert_element_type3A_215, %cond3A_216 : i32
    scf.if %cond3A_217 {
      %get3A_258 = arith.constant 0 : index
      %get3A_259 = arith.constant 115 : index
      %get3A_260 = arith.constant 0 : index
      %get3A_261 = vector.load %arg3[%get3A_258, %get3A_259, %get3A_260] : memref<1x256x1024xf32, #tpu.memory_space<vmem>>, vector<1x141x1024xf32>
      %get3A_262 = vector.shape_cast %get3A_261 : vector<1x141x1024xf32> to vector<141x1024xf32>
      %get3A_263 = arith.constant 0 : index
      %get3A_264 = arith.constant 0 : index
      %get3A_265 = arith.constant 0 : index
      %get3A_266 = vector.load %arg4[%get3A_263, %get3A_264, %get3A_265] : memref<1x1024x1024xf32, #tpu.memory_space<vmem>>, vector<1x883x1024xf32>
      %get3A_267 = vector.shape_cast %get3A_266 : vector<1x883x1024xf32> to vector<883x1024xf32>
      %get3A_268 = arith.constant 0 : index
      %get3A_269 = arith.constant 0 : index
      %get3A_270 = arith.constant 0 : index
      %get3A_271 = vector.load %arg5[%get3A_268, %get3A_269, %get3A_270] : memref<1x1024x1024xf32, #tpu.memory_space<vmem>>, vector<1x1024x1024xf32>
      %get3A_272 = vector.shape_cast %get3A_271 : vector<1x1024x1024xf32> to vector<1024x1024xf32>
      %concatenate3A = tpu.concatenate %get3A_262, %get3A_267 in 0 : vector<141x1024xf32>, vector<883x1024xf32> -> vector<1024x1024xf32>
      %mul3A = vector.broadcast %get3A_212 : f32 to vector<1024x1024xf32>
      %mul3A_273 = arith.mulf %mul3A, %concatenate3A : vector<1024x1024xf32>
      %add3A = arith.addf %get3A_272, %mul3A_273 : vector<1024x1024xf32>
      %swap3A_274 = arith.constant 0 : index
      %swap3A_275 = arith.constant 0 : index
      %swap3A_276 = arith.constant 0 : index
      %swap3A_277 = vector.load %arg5[%swap3A_274, %swap3A_275, %swap3A_276] : memref<1x1024x1024xf32, #tpu.memory_space<vmem>>, vector<1x1024x1024xf32>
      %swap3A_278 = vector.shape_cast %swap3A_277 : vector<1x1024x1024xf32> to vector<1024x1024xf32>
      %swap3A_279 = vector.shape_cast %add3A : vector<1024x1024xf32> to vector<1x1024x1024xf32>
      tpu.vector_store %arg5[%swap3A_274, %swap3A_275, %swap3A_276], %swap3A_279 {strides = array<i32>} : memref<1x1024x1024xf32, #tpu.memory_space<vmem>>, vector<1x1024x1024xf32>,
    } else {
    }
    %get3A_218 = arith.index_cast %arg0 : i32 to index
    %get3A_219 = arith.constant 27 : index
    %get3A_220 = memref.load %arg2[%get3A_218, %get3A_219] : memref<4x32xf32, #tpu.memory_space<smem>>
    %ne3A_221 = arith.constant 0.000000e+00 : f32
    %ne3A_222 = arith.cmpf one, %get3A_220, %ne3A_221 : f32
    %convert_element_type3A_223 = arith.extui %ne3A_222 : i1 to i32
    %cond3A_224 = arith.constant 0 : i32
    %cond3A_225 = arith.cmpi ne, %convert_element_type3A_223, %cond3A_224 : i32
    scf.if %cond3A_225 {
      %get3A_258 = arith.constant 0 : index
      %get3A_259 = arith.constant 110 : index
      %get3A_260 = arith.constant 0 : index
      %get3A_261 = vector.load %arg3[%get3A_258, %get3A_259, %get3A_260] : memref<1x256x1024xf32, #tpu.memory_space<vmem>>, vector<1x146x1024xf32>
      %get3A_262 = vector.shape_cast %get3A_261 : vector<1x146x1024xf32> to vector<146x1024xf32>
      %get3A_263 = arith.constant 0 : index
      %get3A_264 = arith.constant 0 : index
      %get3A_265 = arith.constant 0 : index
      %get3A_266 = vector.load %arg4[%get3A_263, %get3A_264, %get3A_265] : memref<1x1024x1024xf32, #tpu.memory_space<vmem>>, vector<1x878x1024xf32>
      %get3A_267 = vector.shape_cast %get3A_266 : vector<1x878x1024xf32> to vector<878x1024xf32>
      %get3A_268 = arith.constant 0 : index
      %get3A_269 = arith.constant 0 : index
      %get3A_270 = arith.constant 0 : index
      %get3A_271 = vector.load %arg5[%get3A_268, %get3A_269, %get3A_270] : memref<1x1024x1024xf32, #tpu.memory_space<vmem>>, vector<1x1024x1024xf32>
      %get3A_272 = vector.shape_cast %get3A_271 : vector<1x1024x1024xf32> to vector<1024x1024xf32>
      %concatenate3A = tpu.concatenate %get3A_262, %get3A_267 in 0 : vector<146x1024xf32>, vector<878x1024xf32> -> vector<1024x1024xf32>
      %mul3A = vector.broadcast %get3A_220 : f32 to vector<1024x1024xf32>
      %mul3A_273 = arith.mulf %mul3A, %concatenate3A : vector<1024x1024xf32>
      %add3A = arith.addf %get3A_272, %mul3A_273 : vector<1024x1024xf32>
      %swap3A_274 = arith.constant 0 : index
      %swap3A_275 = arith.constant 0 : index
      %swap3A_276 = arith.constant 0 : index
      %swap3A_277 = vector.load %arg5[%swap3A_274, %swap3A_275, %swap3A_276] : memref<1x1024x1024xf32, #tpu.memory_space<vmem>>, vector<1x1024x1024xf32>
      %swap3A_278 = vector.shape_cast %swap3A_277 : vector<1x1024x1024xf32> to vector<1024x1024xf32>
      %swap3A_279 = vector.shape_cast %add3A : vector<1024x1024xf32> to vector<1x1024x1024xf32>
      tpu.vector_store %arg5[%swap3A_274, %swap3A_275, %swap3A_276], %swap3A_279 {strides = array<i32>} : memref<1x1024x1024xf32, #tpu.memory_space<vmem>>, vector<1x1024x1024xf32>,
    } else {
    }
    %get3A_226 = arith.index_cast %arg0 : i32 to index
    %get3A_227 = arith.constant 28 : index
    %get3A_228 = memref.load %arg2[%get3A_226, %get3A_227] : memref<4x32xf32, #tpu.memory_space<smem>>
    %ne3A_229 = arith.constant 0.000000e+00 : f32
    %ne3A_230 = arith.cmpf one, %get3A_228, %ne3A_229 : f32
    %convert_element_type3A_231 = arith.extui %ne3A_230 : i1 to i32
    %cond3A_232 = arith.constant 0 : i32
    %cond3A_233 = arith.cmpi ne, %convert_element_type3A_231, %cond3A_232 : i32
    scf.if %cond3A_233 {
      %get3A_258 = arith.constant 0 : index
      %get3A_259 = arith.constant 105 : index
      %get3A_260 = arith.constant 0 : index
      %get3A_261 = vector.load %arg3[%get3A_258, %get3A_259, %get3A_260] : memref<1x256x1024xf32, #tpu.memory_space<vmem>>, vector<1x151x1024xf32>
      %get3A_262 = vector.shape_cast %get3A_261 : vector<1x151x1024xf32> to vector<151x1024xf32>
      %get3A_263 = arith.constant 0 : index
      %get3A_264 = arith.constant 0 : index
      %get3A_265 = arith.constant 0 : index
      %get3A_266 = vector.load %arg4[%get3A_263, %get3A_264, %get3A_265] : memref<1x1024x1024xf32, #tpu.memory_space<vmem>>, vector<1x873x1024xf32>
      %get3A_267 = vector.shape_cast %get3A_266 : vector<1x873x1024xf32> to vector<873x1024xf32>
      %get3A_268 = arith.constant 0 : index
      %get3A_269 = arith.constant 0 : index
      %get3A_270 = arith.constant 0 : index
      %get3A_271 = vector.load %arg5[%get3A_268, %get3A_269, %get3A_270] : memref<1x1024x1024xf32, #tpu.memory_space<vmem>>, vector<1x1024x1024xf32>
      %get3A_272 = vector.shape_cast %get3A_271 : vector<1x1024x1024xf32> to vector<1024x1024xf32>
      %concatenate3A = tpu.concatenate %get3A_262, %get3A_267 in 0 : vector<151x1024xf32>, vector<873x1024xf32> -> vector<1024x1024xf32>
      %mul3A = vector.broadcast %get3A_228 : f32 to vector<1024x1024xf32>
      %mul3A_273 = arith.mulf %mul3A, %concatenate3A : vector<1024x1024xf32>
      %add3A = arith.addf %get3A_272, %mul3A_273 : vector<1024x1024xf32>
      %swap3A_274 = arith.constant 0 : index
      %swap3A_275 = arith.constant 0 : index
      %swap3A_276 = arith.constant 0 : index
      %swap3A_277 = vector.load %arg5[%swap3A_274, %swap3A_275, %swap3A_276] : memref<1x1024x1024xf32, #tpu.memory_space<vmem>>, vector<1x1024x1024xf32>
      %swap3A_278 = vector.shape_cast %swap3A_277 : vector<1x1024x1024xf32> to vector<1024x1024xf32>
      %swap3A_279 = vector.shape_cast %add3A : vector<1024x1024xf32> to vector<1x1024x1024xf32>
      tpu.vector_store %arg5[%swap3A_274, %swap3A_275, %swap3A_276], %swap3A_279 {strides = array<i32>} : memref<1x1024x1024xf32, #tpu.memory_space<vmem>>, vector<1x1024x1024xf32>,
    } else {
    }
    %get3A_234 = arith.index_cast %arg0 : i32 to index
    %get3A_235 = arith.constant 29 : index
    %get3A_236 = memref.load %arg2[%get3A_234, %get3A_235] : memref<4x32xf32, #tpu.memory_space<smem>>
    %ne3A_237 = arith.constant 0.000000e+00 : f32
    %ne3A_238 = arith.cmpf one, %get3A_236, %ne3A_237 : f32
    %convert_element_type3A_239 = arith.extui %ne3A_238 : i1 to i32
    %cond3A_240 = arith.constant 0 : i32
    %cond3A_241 = arith.cmpi ne, %convert_element_type3A_239, %cond3A_240 : i32
    scf.if %cond3A_241 {
      %get3A_258 = arith.constant 0 : index
      %get3A_259 = arith.constant 99 : index
      %get3A_260 = arith.constant 0 : index
      %get3A_261 = vector.load %arg3[%get3A_258, %get3A_259, %get3A_260] : memref<1x256x1024xf32, #tpu.memory_space<vmem>>, vector<1x157x1024xf32>
      %get3A_262 = vector.shape_cast %get3A_261 : vector<1x157x1024xf32> to vector<157x1024xf32>
      %get3A_263 = arith.constant 0 : index
      %get3A_264 = arith.constant 0 : index
      %get3A_265 = arith.constant 0 : index
      %get3A_266 = vector.load %arg4[%get3A_263, %get3A_264, %get3A_265] : memref<1x1024x1024xf32, #tpu.memory_space<vmem>>, vector<1x867x1024xf32>
      %get3A_267 = vector.shape_cast %get3A_266 : vector<1x867x1024xf32> to vector<867x1024xf32>
      %get3A_268 = arith.constant 0 : index
      %get3A_269 = arith.constant 0 : index
      %get3A_270 = arith.constant 0 : index
      %get3A_271 = vector.load %arg5[%get3A_268, %get3A_269, %get3A_270] : memref<1x1024x1024xf32, #tpu.memory_space<vmem>>, vector<1x1024x1024xf32>
      %get3A_272 = vector.shape_cast %get3A_271 : vector<1x1024x1024xf32> to vector<1024x1024xf32>
      %concatenate3A = tpu.concatenate %get3A_262, %get3A_267 in 0 : vector<157x1024xf32>, vector<867x1024xf32> -> vector<1024x1024xf32>
      %mul3A = vector.broadcast %get3A_236 : f32 to vector<1024x1024xf32>
      %mul3A_273 = arith.mulf %mul3A, %concatenate3A : vector<1024x1024xf32>
      %add3A = arith.addf %get3A_272, %mul3A_273 : vector<1024x1024xf32>
      %swap3A_274 = arith.constant 0 : index
      %swap3A_275 = arith.constant 0 : index
      %swap3A_276 = arith.constant 0 : index
      %swap3A_277 = vector.load %arg5[%swap3A_274, %swap3A_275, %swap3A_276] : memref<1x1024x1024xf32, #tpu.memory_space<vmem>>, vector<1x1024x1024xf32>
      %swap3A_278 = vector.shape_cast %swap3A_277 : vector<1x1024x1024xf32> to vector<1024x1024xf32>
      %swap3A_279 = vector.shape_cast %add3A : vector<1024x1024xf32> to vector<1x1024x1024xf32>
      tpu.vector_store %arg5[%swap3A_274, %swap3A_275, %swap3A_276], %swap3A_279 {strides = array<i32>} : memref<1x1024x1024xf32, #tpu.memory_space<vmem>>, vector<1x1024x1024xf32>,
    } else {
    }
    %get3A_242 = arith.index_cast %arg0 : i32 to index
    %get3A_243 = arith.constant 30 : index
    %get3A_244 = memref.load %arg2[%get3A_242, %get3A_243] : memref<4x32xf32, #tpu.memory_space<smem>>
    %ne3A_245 = arith.constant 0.000000e+00 : f32
    %ne3A_246 = arith.cmpf one, %get3A_244, %ne3A_245 : f32
    %convert_element_type3A_247 = arith.extui %ne3A_246 : i1 to i32
    %cond3A_248 = arith.constant 0 : i32
    %cond3A_249 = arith.cmpi ne, %convert_element_type3A_247, %cond3A_248 : i32
    scf.if %cond3A_249 {
      %get3A_258 = arith.constant 0 : index
      %get3A_259 = arith.constant 94 : index
      %get3A_260 = arith.constant 0 : index
      %get3A_261 = vector.load %arg3[%get3A_258, %get3A_259, %get3A_260] : memref<1x256x1024xf32, #tpu.memory_space<vmem>>, vector<1x162x1024xf32>
      %get3A_262 = vector.shape_cast %get3A_261 : vector<1x162x1024xf32> to vector<162x1024xf32>
      %get3A_263 = arith.constant 0 : index
      %get3A_264 = arith.constant 0 : index
      %get3A_265 = arith.constant 0 : index
      %get3A_266 = vector.load %arg4[%get3A_263, %get3A_264, %get3A_265] : memref<1x1024x1024xf32, #tpu.memory_space<vmem>>, vector<1x862x1024xf32>
      %get3A_267 = vector.shape_cast %get3A_266 : vector<1x862x1024xf32> to vector<862x1024xf32>
      %get3A_268 = arith.constant 0 : index
      %get3A_269 = arith.constant 0 : index
      %get3A_270 = arith.constant 0 : index
      %get3A_271 = vector.load %arg5[%get3A_268, %get3A_269, %get3A_270] : memref<1x1024x1024xf32, #tpu.memory_space<vmem>>, vector<1x1024x1024xf32>
      %get3A_272 = vector.shape_cast %get3A_271 : vector<1x1024x1024xf32> to vector<1024x1024xf32>
      %concatenate3A = tpu.concatenate %get3A_262, %get3A_267 in 0 : vector<162x1024xf32>, vector<862x1024xf32> -> vector<1024x1024xf32>
      %mul3A = vector.broadcast %get3A_244 : f32 to vector<1024x1024xf32>
      %mul3A_273 = arith.mulf %mul3A, %concatenate3A : vector<1024x1024xf32>
      %add3A = arith.addf %get3A_272, %mul3A_273 : vector<1024x1024xf32>
      %swap3A_274 = arith.constant 0 : index
      %swap3A_275 = arith.constant 0 : index
      %swap3A_276 = arith.constant 0 : index
      %swap3A_277 = vector.load %arg5[%swap3A_274, %swap3A_275, %swap3A_276] : memref<1x1024x1024xf32, #tpu.memory_space<vmem>>, vector<1x1024x1024xf32>
      %swap3A_278 = vector.shape_cast %swap3A_277 : vector<1x1024x1024xf32> to vector<1024x1024xf32>
      %swap3A_279 = vector.shape_cast %add3A : vector<1024x1024xf32> to vector<1x1024x1024xf32>
      tpu.vector_store %arg5[%swap3A_274, %swap3A_275, %swap3A_276], %swap3A_279 {strides = array<i32>} : memref<1x1024x1024xf32, #tpu.memory_space<vmem>>, vector<1x1024x1024xf32>,
    } else {
    }
    %get3A_250 = arith.index_cast %arg0 : i32 to index
    %get3A_251 = arith.constant 31 : index
    %get3A_252 = memref.load %arg2[%get3A_250, %get3A_251] : memref<4x32xf32, #tpu.memory_space<smem>>
    %ne3A_253 = arith.constant 0.000000e+00 : f32
    %ne3A_254 = arith.cmpf one, %get3A_252, %ne3A_253 : f32
    %convert_element_type3A_255 = arith.extui %ne3A_254 : i1 to i32
    %cond3A_256 = arith.constant 0 : i32
    %cond3A_257 = arith.cmpi ne, %convert_element_type3A_255, %cond3A_256 : i32
    scf.if %cond3A_257 {
      %get3A_258 = arith.constant 0 : index
      %get3A_259 = arith.constant 88 : index
      %get3A_260 = arith.constant 0 : index
      %get3A_261 = vector.load %arg3[%get3A_258, %get3A_259, %get3A_260] : memref<1x256x1024xf32, #tpu.memory_space<vmem>>, vector<1x168x1024xf32>
      %get3A_262 = vector.shape_cast %get3A_261 : vector<1x168x1024xf32> to vector<168x1024xf32>
      %get3A_263 = arith.constant 0 : index
      %get3A_264 = arith.constant 0 : index
      %get3A_265 = arith.constant 0 : index
      %get3A_266 = vector.load %arg4[%get3A_263, %get3A_264, %get3A_265] : memref<1x1024x1024xf32, #tpu.memory_space<vmem>>, vector<1x856x1024xf32>
      %get3A_267 = vector.shape_cast %get3A_266 : vector<1x856x1024xf32> to vector<856x1024xf32>
      %get3A_268 = arith.constant 0 : index
      %get3A_269 = arith.constant 0 : index
      %get3A_270 = arith.constant 0 : index
      %get3A_271 = vector.load %arg5[%get3A_268, %get3A_269, %get3A_270] : memref<1x1024x1024xf32, #tpu.memory_space<vmem>>, vector<1x1024x1024xf32>
      %get3A_272 = vector.shape_cast %get3A_271 : vector<1x1024x1024xf32> to vector<1024x1024xf32>
      %concatenate3A = tpu.concatenate %get3A_262, %get3A_267 in 0 : vector<168x1024xf32>, vector<856x1024xf32> -> vector<1024x1024xf32>
      %mul3A = vector.broadcast %get3A_252 : f32 to vector<1024x1024xf32>
      %mul3A_273 = arith.mulf %mul3A, %concatenate3A : vector<1024x1024xf32>
      %add3A = arith.addf %get3A_272, %mul3A_273 : vector<1024x1024xf32>
      %swap3A_274 = arith.constant 0 : index
      %swap3A_275 = arith.constant 0 : index
      %swap3A_276 = arith.constant 0 : index
      %swap3A_277 = vector.load %arg5[%swap3A_274, %swap3A_275, %swap3A_276] : memref<1x1024x1024xf32, #tpu.memory_space<vmem>>, vector<1x1024x1024xf32>
      %swap3A_278 = vector.shape_cast %swap3A_277 : vector<1x1024x1024xf32> to vector<1024x1024xf32>
      %swap3A_279 = vector.shape_cast %add3A : vector<1024x1024xf32> to vector<1x1024x1024xf32>
      tpu.vector_store %arg5[%swap3A_274, %swap3A_275, %swap3A_276], %swap3A_279 {strides = array<i32>} : memref<1x1024x1024xf32, #tpu.memory_space<vmem>>, vector<1x1024x1024xf32>,
    } else {
    }
    return
  }
  func.func @transform_0(%arg0: i32, %arg1: i32) -> (i32, i32) {
    %c0_i32 = arith.constant 0 : i32
    %c0_i32_0 = arith.constant 0 : i32
    %c0_i32_1 = arith.constant 0 : i32
    return %c0_i32, %c0_i32_0 : i32, i32
  }
  func.func @transform_1(%arg0: i32, %arg1: i32) -> (i32, i32, i32) {
    %mul3A = arith.constant 4 : i32
    %mul3A_0 = arith.muli %arg1, %mul3A : i32
    %sub3A = arith.constant 1 : i32
    %sub3A_1 = arith.subi %mul3A_0, %sub3A : i32
    %jit3A = arith.constant 16 : i32
    %eq3A = arith.constant 0 : i32
    %eq3A_2 = arith.cmpi eq, %jit3A, %eq3A : i32
    %jit3A_3 = arith.constant 1 : i32
    %select_n3A = arith.select %eq3A_2, %jit3A_3, %jit3A : i32
    %rem3A = arith.remsi %sub3A_1, %select_n3A : i32
    %ne3A = arith.constant 0 : i32
    %ne3A_4 = arith.cmpi ne, %rem3A, %ne3A : i32
    %lt3A = arith.constant 0 : i32
    %lt3A_5 = arith.cmpi slt, %rem3A, %lt3A : i32
    %lt3A_6 = arith.constant 0 : i32
    %lt3A_7 = arith.cmpi slt, %select_n3A, %lt3A_6 : i32
    %ne3A_8 = arith.xori %lt3A_5, %lt3A_7 : i1
    %and3A = arith.andi %ne3A_8, %ne3A_4 : i1
    %add3A = arith.addi %rem3A, %select_n3A : i32
    %select_n3A_9 = arith.select %and3A, %add3A, %rem3A : i32
    %c0_i32 = arith.constant 0 : i32
    %c0_i32_10 = arith.constant 0 : i32
    return %arg0, %select_n3A_9, %c0_i32 : i32, i32, i32
  }
  func.func @transform_2(%arg0: i32, %arg1: i32) -> (i32, i32, i32) {
    %c0_i32 = arith.constant 0 : i32
    %c0_i32_0 = arith.constant 0 : i32
    return %arg0, %arg1, %c0_i32 : i32, i32, i32
  }
  func.func @transform_3(%arg0: i32, %arg1: i32) -> (i32, i32, i32) {
    %c0_i32 = arith.constant 0 : i32
    %c0_i32_0 = arith.constant 0 : i32
    return %arg0, %arg1, %c0_i32 : i32, i32, i32
  }
}

</mosaic_0001>

<sc_bundles>
// kernel: kernel.6.cloned.1.call-start
scs
__scs_entry_jumppad:
0x0: {  	(pc) =	sbr.rel $0x88, $3  }
0x1: {  	(tag) =	ssettag $0x0;
	lr =	simm.s32 $0x1  }
0x2: {  	[smem:$0x3FA0] =	sst lr;
	_ =	strace $0xD0000000  }
0x3: {  	_ = 	snop  }
0x4: {  	_ = 	snop  }
0x5: {  	_ = 	snop  }
0x6: {  	_ = 	snop  }
0x7: {  	_ = 	snop  }
__scs_overlays_trampoline_lowered:
0x8: {  	[smem:$0x3FAF] =	sst s0  }
0x9: {  	[smem:$0x3FB0] =	sst s1  }
0xa: {  	[smem:$0x3FB1] =	sst s2  }
0xb: {  	[smem:$0x3FB2] =	sst s3  }
0xc: {  	[smem:$0x3FB3] =	sst s4  }
0xd: {  	[smem:$0x3FB4] =	sst s5  }
0xe: {  	[smem:$0x3FB5] =	sst s6  }
0xf: {  	[smem:$0x3FB6] =	sst s7  }
0x10: {  	[smem:$0x3FB7] =	sst s8  }
0x11: {  	[smem:$0x3FB8] =	sst s9;
	s0 =	simm.s32 @!p0 $0x0  }
0x12: {  	s1 =	sld [smem:$0x3F9E];
	s0 =	simm.s32 @p0 $0x1  }
0x13: {  	[smem:$0x3FB9] =	sst s0;
	s0 =	simm.s32 @!p1 $0x0  }
0x14: {  	s2 =	sld [smem:$0x3F9D];
	s0 =	simm.s32 @p1 $0x1  }
0x15: {  	[smem:$0x3FBA] =	sst s0;
	s0 =	simm.s32 @!p2 $0x0  }
0x16: {  	s3 =	sld [smem:$0x3FDB];
	s0 =	simm.s32 @p2 $0x1  }
0x17: {  	s4 =	simm.s32 $0x1BF5;
	[smem:$0x3FBC] =	sst s0  }
0x18: {  	s0 =	sld [smem:$0x3F9F];
	_ =	swait.ge [sflag:s4], $0x0  }
0x19: {  	s7 =	sld [smem:$0x3FA0]  }
0x1a: {  	s8 =	sadd.s32 $0xFFFFE003, lr  }
0x1b: {  	s9 =	sadd.s32 $0xFFFFFEF7, lr;
	s5 =	simm.s32 $0xFFFFFFFF;
	p2 =	slt.u32 s8, $0xFFFFF086  }
0x1c: {  	p1 =	slt.u32 s9, $0xF7A;
	s5 =	simm.s32 @!p2 $0x0  }
0x1d: {  	s5 =	simm.s32 @p1 $0x1;
	p0 =	seq.s32 s7, s2  }
0x1e: {  	s7 =	smul.u32 @!p0 $0xF7A, s2;
	p2 =	seq.s32 @!p0 s5, $0x0  }
0x1f: {  	s9 =	smul.u32 $0xF7A, s1;
	s8 =	simm.s32 @!p0 $0x1BF5;
	p2 =	por !p2, p0  }
0x20: {  	[sflag:s8] =	ssyncset.s32 @!p0 $0xFFFFF086;
	s6 =	sadd.s32 @!p0 s3, s7;
	s7 =	simm.s32 @!p0 $0x108  }
0x21: {  	s3 =	sadd.s32 s3, s9;
	s6 =	sadd.s32 @!p0 $0x88, s6;
	s7 =	simm.s32 @p2 $0x1082  }
0x22: {  	[simem:s7], [sflag:s8] =	dma.local @!p0 [hbm:s6], $0xF7A  }
0x23: {  	s9 =	sor.u32 $0xD0000000, s2;
	s6 =	simm.s32 $0x108;
	_ =	swait.ge @!p0 [sflag:s8], $0x0  }
0x24: {  	s3 =	sadd.s32 $0x88, s3;
	s6 =	simm.s32 @!p1 $0x1082;
	[sflag:s4] =	ssyncset.s32 $0xFFFFF086  }
0x25: {  	[simem:s6], [sflag:s4] =	dma.local [hbm:s3], $0xF7A  }
0x26: {  	[smem:$0x3FA0] =	sst s1;
	(tag) =	ssettag s2;
	_ =	strace s9  }
0x27: {  	s1 =	sld [smem:$0x3FB0]  }
0x28: {  	s2 =	sld [smem:$0x3FB1]  }
0x29: {  	s4 =	sld [smem:$0x3FB3]  }
0x2a: {  	p0 =	seq.s32 s5, $0x0;
	s5 =	sld [smem:$0x3FB4]  }
0x2b: {  	s6 =	sld [smem:$0x3FB5]  }
0x2c: {  	s7 =	sld [smem:$0x3FB6]  }
0x2d: {  	s3 =	simm.s32 $0x108;
	s8 =	sld [smem:$0x3FB7]  }
0x2e: {  	s3 =	simm.s32 @!p0 $0x1082;
	s9 =	sld [smem:$0x3FB8]  }
0x2f: {  	lr =	sadd.s32 s0, s3;
	s0 =	sld [smem:$0x3FAF]  }
0x30: {  	s3 =	sld [smem:$0x3FB2]  }
0x31: {  	[smem:$0x3FBB] =	sst s10  }
0x32: {  	s10 =	sld [smem:$0x3FB9];
	_ =	sdelay $0x3  }
0x33: {  	p0 =	seq.s32 s10, $0x1;
	s10 =	sld [smem:$0x3FBB];
	_ =	sdelay $0x3  }
0x34: {  	[smem:$0x3FBB] =	sst s10  }
0x35: {  	s10 =	sld [smem:$0x3FBA];
	_ =	sdelay $0x3  }
0x36: {  	p1 =	seq.s32 s10, $0x1;
	s10 =	sld [smem:$0x3FBB];
	_ =	sdelay $0x3  }
0x37: {  	[smem:$0x3FBB] =	sst s10  }
0x38: {  	s10 =	sld [smem:$0x3FBC]  }
0x39: {  	_ = 	snop;
	(pc) =	sbr.ind lr, $3  }
0x3a: {  	_ = 	snop  }
0x3b: {  	_ = 	snop  }
0x3c: {  	p2 =	seq.s32 s10, $0x1;
	s10 =	sld [smem:$0x3FBB]  }
0x3d: {  	_ =	shalt  }
0x3e: {  	_ =	shalt  }
0x3f: {  	_ =	shalt  }
0x40: {  	_ =	shalt  }
0x41: {  	_ =	shalt  }
0x42: {  	_ =	shalt  }
0x43: {  	_ =	shalt  }
0x44: {  	_ =	shalt  }
0x45: {  	_ =	shalt  }
0x46: {  	_ =	shalt  }
0x47: {  	_ =	shalt  }
0x48: {  	_ =	shalt  }
0x49: {  	_ =	shalt  }
0x4a: {  	_ =	shalt  }
0x4b: {  	_ =	shalt  }
0x4c: {  	_ =	shalt  }
0x4d: {  	_ =	shalt  }
0x4e: {  	_ =	shalt  }
0x4f: {  	_ =	shalt  }
0x50: {  	_ =	shalt  }
0x51: {  	_ =	shalt  }
0x52: {  	_ =	shalt  }
0x53: {  	_ =	shalt  }
0x54: {  	_ =	shalt  }
0x55: {  	_ =	shalt  }
0x56: {  	_ =	shalt  }
0x57: {  	_ =	shalt  }
0x58: {  	_ =	shalt  }
0x59: {  	_ =	shalt  }
0x5a: {  	_ =	shalt  }
0x5b: {  	_ =	shalt  }
0x5c: {  	_ =	shalt  }
0x5d: {  	_ =	shalt  }
0x5e: {  	_ =	shalt  }
0x5f: {  	_ =	shalt  }
0x60: {  	_ =	shalt  }
0x61: {  	_ =	shalt  }
0x62: {  	_ =	shalt  }
0x63: {  	_ =	shalt  }
0x64: {  	_ =	shalt  }
0x65: {  	_ =	shalt  }
0x66: {  	_ =	shalt  }
0x67: {  	_ =	shalt  }
0x68: {  	_ =	shalt  }
0x69: {  	_ =	shalt  }
0x6a: {  	_ =	shalt  }
0x6b: {  	_ =	shalt  }
0x6c: {  	_ =	shalt  }
0x6d: {  	_ =	shalt  }
0x6e: {  	_ =	shalt  }
0x6f: {  	_ =	shalt  }
0x70: {  	_ =	shalt  }
0x71: {  	_ =	shalt  }
0x72: {  	_ =	shalt  }
0x73: {  	_ =	shalt  }
0x74: {  	_ =	shalt  }
0x75: {  	_ =	shalt  }
0x76: {  	_ =	shalt  }
0x77: {  	_ =	shalt  }
0x78: {  	_ =	shalt  }
0x79: {  	_ =	shalt  }
0x7a: {  	_ =	shalt  }
0x7b: {  	_ =	shalt  }
0x7c: {  	_ =	shalt  }
0x7d: {  	_ =	shalt  }
0x7e: {  	_ =	shalt  }
0x7f: {  	_ =	shalt  }
0x80: {  	_ =	shalt  }
0x81: {  	_ =	shalt  }
0x82: {  	_ =	shalt  }
0x83: {  	_ =	shalt  }
0x84: {  	_ =	shalt  }
0x85: {  	_ =	shalt  }
0x86: {  	_ =	shalt  }
0x87: {  	_ =	shalt  }
.Lfunc_end0:
.L_simem_size_0:
called_computation_lowered:
.L_overlay_start_0:
0x88: {  	s2 =	sld [smem:$0x3FD9]  }
0x89: {  	s3 =	sld [smem:$0x3FFE];
	_ =	sdelay $0x1  }
0x8a: {  	s1 =	srdreg.scid  }
0x8b: {  	s0 =	sand.u32 $0x1, s1  }
0x8c: {  	s17 =	sshll.u32 s0, $0xA;
	s2 =	sadd.s32 s3, s2  }
0x8d: {  	s2 =	sadd.s32 s2, s17  }
0x8e: {  	[smem:$0x3FC7] =	sst s2  }
0x8f: {  	_ = 	snop  }
0x90: {  	s2 =	sld [smem:$0x3FD0];
	(tm) =	ssettm $0x1  }
0x91: {  	s18 =	sld [smem:$0x3FFB];
	_ =	sdelay $0x3  }
0x92: {  	_ =	strace s18  }
0x93: {  	s3 =	sld [smem:$0x3FFC];
	_ =	sdelay $0x3  }
0x94: {  	_ =	strace s3  }
0x95: {  	s3 =	sld [smem:$0x3FFD];
	_ =	sdelay $0x3  }
0x96: {  	_ =	strace s3  }
0x97: {  	_ =	strace $0x8FFFFFFF  }
0x98: {  	s19 =	sld [smem:$0x3FDB];
	_ =	sdelay $0x1  }
0x99: {  	s4 =	simm.s32 $_scs_section_size  }
0x9a: {  	s5 =	simm.s32 $_size__tile_overlayer_lowered;
	s6 =	simm.s32 $_tile_overlayer_lowered  }
0x9b: {  	s22 =	simm.s32 $0x1BFF;
	s21 =	sshll.u32 s6, $0x1;
	s3 =	sadd.s32 s4, s19  }
0x9c: {  	s7 =	simm.s32 $0x0;
	s20 =	sshll.u32 s5, $0x1;
	s5 =	sadd.s32 s21, s3  }
0x9d: {  	[timem:s7], [sflag:s22] =	dma.local [hbm:s5], s20  }
0x9e: {  	_ =	swait.ge [sflag:s22], s20  }
0x9f: {  	s4 =	ssub.s32 $0x0, s20;
	[sflag:s22] =	ssyncset.done $0x0  }
0xa0: {  	[sflag:s22] =	ssyncadd.s32 s4;
	_ =	sdelay $0x1  }
0xa1: {  	s23 =	simm.s32 $0x1B8B  }
0xa2: {  	_ =	swait.ge [sflag:s23], $0x1  }
0xa3: {  	[sflag:s23] =	ssyncset.done $0x0  }
0xa4: {  	s25 =	simm.s32 $0x1B8E;
	s24 =	sld [smem:$0x3FFE];
	[sflag:s23] =	ssyncadd.s32 $0xFFFFFFFF  }
0xa5: {  	s26 =	simm.s32 $execute0_lowered;
	[smem:$0x3FD2] =	sst s25  }
0xa6: {  	s5 =	sshll.u32 s26, $0x1;
	_ =	strace $0x80000046;
	[dreg:$0x1] =	wrdreg $0xFFFFFFFF  }
0xa7: {  	s28 =	simm.s32 $_size_execute0_lowered;
	s3 =	sadd.s32 s3, s5;
	[dreg:$0x0] =	wrdreg $0x0  }
0xa8: {  	s5 =	sshll.u32 s28, $0x1;
	[dreg:$0x2] =	wrdreg s3  }
0xa9: {  	[dreg:$0x3] =	wrdreg s5  }
0xaa: {  	[dreg:$0x4] =	wrdreg $0xC0  }
0xab: {  	_ =	task [dreg:s7], $0x5FFFF  }
0xac: {  	[dreg:$0x1] =	wrdreg $0xFFFFFFFF  }
0xad: {  	[dreg:$0x0] =	wrdreg $0x60  }
0xae: {  	[dreg:$0x2] =	wrdreg s2  }
0xaf: {  	[dreg:$0x3] =	wrdreg s24  }
0xb0: {  	[dreg:$0x4] =	wrdreg $0x9  }
0xb1: {  	_ =	task.clear_ibuf [dreg:s7], $0x5FFFF;
	_ =	strace $0x90000046  }
0xb2: {  	s29 =	simm.s32 $0x9;
	_ =	strace $0x80000048  }
0xb3: {  	_ =	swait.ge [sflag:s29], $0x1  }
0xb4: {  	[sflag:s29] =	ssyncadd.s32 $0xFFFFFFFF  }
0xb5: {  	_ =	strace $0x90000048  }
0xb6: {  	_ =	sfence  }
0xb7: {  	s30 =	sld [smem:$0x0];
	_ =	sdelay $0x2  }
0xb8: {  	s31 =	sshll.u32 s1, $0xD;
	s1 =	sshrl.u32 s1, $0x2  }
0xb9: {  	s3 =	sand.u32 $0x4000, s31;
	s1 =	sadd.s32 s1, s30  }
0xba: {  	s0 =	sor.u32 s3, s0;
	s1 =	sshll.u32 s1, $0x11  }
0xbb: {  	s0 =	sor.u32 s1, s0  }
0xbc: {  	s0 =	sadd.s32 $0x8F2B, s0  }
0xbd: {  	[sflag:s0] =	ssyncadd.remote.s32 $0x1  }
0xbe: {  	_ =	sfence.sel $0xFFFF  }
0xbf: {  	[dreg:$0x0] =	wrdreg $0xFFFFFFFF;
	(pc) =	sbr.abs _section_cstart, $3  }
0xc0: {  	[dreg:$0x1] =	wrdreg $0xFFFFFFFF  }
0xc1: {  	_ =	task.clear_ibuf [dreg:s7], $0x2FFFF;
	_ =	strace $0x9FFFFFFF  }
0xc2: {  	(tm) =	ssettm $0x7FFFFFFF  }
0xc3: {  	_ =	shalt  }
tec
execute0_lowered:
.L_overlay_start_1:
0x0: {  	(tag) =	ssettag $0x1  }
0x1: {  	s7 =	rddreg [dreg:$0x0]  }
0x2: {  	s9 =	rddreg [dreg:$0x1]  }
0x3: {  	s1 =	stileid.u32;
	s0 =	rddreg [dreg:$0x2];
	s10 =	simm.s32 $0x1  }
0x4: {  	s2 =	simm.f32 $2.442002590e-04;
	s12 =	simm.s32 $0x6;
	s3 =	simm.f32 $2.444987770e-04  }
0x5: {  	s11 =	simm.s32 $0xB;
	s4 =	simm.f32 $2.447980510e-04;
	s13 =	simm.s32 $0x11  }
0x6: {  	s5 =	simm.f32 $2.451581240e-04;
	s14 =	srdreg.scid;
	s6 =	simm.s32 $0x0  }
0x7: {  	s8 =	sand.u32 $0x7, s1;
	[smem:$0x7FF] =	sst s6;
	s14 =	sand.u32 $0x1, s14  }
0x8: {  	s16 =	sshrl.u32 s1, $0x3;
	p0 =	seq.s32 s8, $0x0;
	_ =	strace $0x80000047  }
0x9: {  	s15 =	sshll.u32 s14, $0x1;
	s17 =	sshll.u32 s8, $0x4;
	s14 =	ssub.s32 $0x2, s14  }
0xa: {  	s10 =	simm.s32 @!p0 $0x0;
	s2 =	simm.s32 @!p0 $0x0;
	s12 =	simm.s32 @!p0 $0x0  }
0xb: {  	s3 =	simm.s32 @!p0 $0x0;
	s11 =	simm.s32 @!p0 $0x0;
	s4 =	simm.s32 @!p0 $0x0  }
0xc: {  	s13 =	simm.s32 @!p0 $0x0;
	s5 =	simm.s32 @!p0 $0x0;
	p0 =	seq.s32 s8, $0x1  }
0xd: {  	s21 =	sshll.u32 s8, $0x2;
	s15 =	sor.u32 s16, s15;
	s10 =	simm.s32 @p0 $0x16  }
0xe: {  	s9 =	sadd.s32 s17, s9;
	s2 =	simm.s32 @p0 $0x3980B0F3;
	s3 =	simm.s32 @p0 $0x3980D96F  }
0xf: {  	s12 =	simm.s32 @p0 $0x1B;
	s11 =	simm.s32 @p0 $0x21;
	s4 =	simm.s32 @p0 $0x39810A25  }
0x10: {  	s13 =	simm.s32 @p0 $0x26;
	s5 =	simm.s32 @p0 $0x398132D9;
	p0 =	seq.s32 s8, $0x2  }
0x11: {  	s19 =	sshrl.u32 s14, $0x1;
	s23 =	sadd.s32 $0xFFFFFFF1, s21;
	s10 =	simm.s32 @p0 $0x2C  }
0x12: {  	s22 =	sor.u32 $0x1, s21;
	s2 =	simm.s32 @p0 $0x398163D3;
	s3 =	simm.s32 @p0 $0x39818CBF  }
0x13: {  	s12 =	simm.s32 @p0 $0x31;
	s11 =	simm.s32 @p0 $0x36;
	s4 =	simm.s32 @p0 $0x3981B5C5  }
0x14: {  	s13 =	simm.s32 @p0 $0x3C;
	s5 =	simm.s32 @p0 $0x3981E723;
	p0 =	seq.s32 s8, $0x3  }
0x15: {  	s24 =	sadd.s32 $0xFFFFFFF2, s21;
	s16 =	sadd.s32 $0xFFFFFFF3, s21;
	s10 =	simm.s32 @p0 $0x41  }
0x16: {  	s18 =	sor.u32 $0x2, s21;
	s2 =	simm.s32 @p0 $0x39821063;
	s3 =	simm.s32 @p0 $0x39824205  }
0x17: {  	s12 =	simm.s32 @p0 $0x47;
	s11 =	simm.s32 @p0 $0x4C;
	s4 =	simm.s32 @p0 $0x39826B7F  }
0x18: {  	s13 =	simm.s32 @p0 $0x51;
	s5 =	simm.s32 @p0 $0x39829513;
	p0 =	seq.s32 s8, $0x4  }
0x19: {  	s14 =	ssub.s32 s14, s19;
	s19 =	sadd.s32 $0xFFFFFFF0, s21;
	s10 =	simm.s32 @p0 $0x57  }
0x1a: {  	s20 =	sshll.u32 s15, $0x4;
	s2 =	simm.s32 @p0 $0x3982C71B;
	s3 =	simm.s32 @p0 $0x3982F0E9  }
0x1b: {  	s12 =	simm.s32 @p0 $0x5C;
	s11 =	simm.s32 @p0 $0x61;
	s4 =	simm.s32 @p0 $0x39831AD3  }
0x1c: {  	s13 =	simm.s32 @p0 $0x67;
	s5 =	simm.s32 @p0 $0x39834D41;
	p0 =	seq.s32 s8, $0x5  }
0x1d: {  	s15 =	sshll.u32 s15, $0x7;
	s7 =	sadd.s32 s7, s20;
	s10 =	simm.s32 @p0 $0x6C  }
0x1e: {  	s9 =	sadd.s32 s15, s9;
	s2 =	simm.s32 @p0 $0x39837766;
	s3 =	simm.s32 @p0 $0x3983AA1C  }
0x1f: {  	s12 =	simm.s32 @p0 $0x72;
	s11 =	simm.s32 @p0 $0x77;
	s4 =	simm.s32 @p0 $0x3983D47C  }
0x20: {  	s13 =	simm.s32 @p0 $0x7C;
	s5 =	simm.s32 @p0 $0x3983FEF8;
	p0 =	seq.s32 s8, $0x6  }
0x21: {  	s20 =	sshllo.u32 s8, $0x2;
	s9 =	sadd.s32 $0xA00, s9;
	s2 =	simm.s32 @p0 $0x39843217  }
0x22: {  	s10 =	simm.s32 @p0 $0x82;
	s12 =	simm.s32 @p0 $0x87;
	s3 =	simm.s32 @p0 $0x39845CCF  }
0x23: {  	s11 =	simm.s32 @p0 $0x8D;
	s4 =	simm.s32 @p0 $0x39849037;
	s13 =	simm.s32 @p0 $0x92  }
0x24: {  	s5 =	simm.s32 @p0 $0x3984BB2C;
	p0 =	seq.s32 s8, $0x7;
	s8 =	simm.s32 $0x1  }
0x25: {  	v8 =	vlaneseq.u32;
	v0 =	vmov s21;
	v2 =	vmov s22;
	s10 =	simm.s32 @p0 $0x97;
	s2 =	simm.s32 @p0 $0x3984E63D;
	s13 =	simm.s32 @p0 $0xA8  }
0x26: {  	v3 =	vmov s23;
	v4 =	vmov s18;
	v5 =	vmov s24;
	s12 =	simm.s32 @p0 $0x9D;
	s3 =	simm.s32 @p0 $0x39851A10;
	s29 =	sshll.u32 s13, $0x2  }
0x27: {  	v7 =	vmov s16;
	vm7 =	veq.s32 v0, v8;
	v1 =	vmov s19;
	s11 =	simm.s32 @p0 $0xA2;
	s4 =	simm.s32 @p0 $0x3985455E;
	s31 =	sshra.s32 s29, $0x2  }
0x28: {  	vm0 =	veq.s32 v7, v8;
	vm4 =	veq.s32 v3, v8;
	s5 =	simm.s32 @p0 $0x3985797C;
	s25 =	sshll.u32 s10, $0x2;
	s10 =	smax.u32 s14, $0x1;
	v3 =	vmov s31  }
0x29: {  	vm2 =	veq.s32 v5, v8;
	vm3 =	veq.s32 v4, v8;
	vm5 =	veq.s32 v2, v8;
	s12 =	sshll.u32 s12, $0x2;
	s11 =	sshll.u32 s11, $0x2;
	s26 =	sshra.s32 s25, $0x2  }
0x2a: {  	v6 =	vmov s20;
	vm6 =	veq.s32 v1, v8;
	s13 =	simm.s32 $0x1100;
	s28 =	sshra.s32 s12, $0x2;
	s30 =	sshra.s32 s11, $0x2;
	v0 =	vmov s26  }
0x2b: {  	vm1 =	veq.s32 v6, v8;
	s14 =	simm.s32 $0x0;
	s11 =	simm.s32 $0x80;
	s12 =	simm.s32 $0x200;
	v1 =	vmov s28;
	v2 =	vmov s30  }
.LBB2_1:
0x2c: {  	[tilespmem:s6], [sflag:$0x1] =	stream.strided.gather [hbm4b:s7+s11], $0x1000, s12, s11, $0x38;
	[tilespmem:$0x1180] =	vst v63  }
0x2d: {  	_ =	swait.ge [sflag:s8], $0x1000  }
0x2e: {  	[sflag:s8] =	ssyncset.done $0x0  }
0x2f: {  	v4 =	vimm.f32 $0.0e+00;
	[sflag:s8] =	ssyncadd.s32 $0xFFFFF000  }
0x30: {  	[tilespmem:$0x1000] =	vst v4  }
0x31: {  	[tilespmem:$0x1010] =	vst v4  }
0x32: {  	[tilespmem:$0x1020] =	vst v4  }
0x33: {  	[tilespmem:$0x1030] =	vst v4  }
0x34: {  	[tilespmem:$0x1040] =	vst v4  }
0x35: {  	[tilespmem:$0x1050] =	vst v4  }
0x36: {  	[tilespmem:$0x1060] =	vst v4  }
0x37: {  	[tilespmem:$0x1070] =	vst v4  }
0x38: {  	[tilespmem:$0x1080] =	vst v4  }
0x39: {  	[tilespmem:$0x1090] =	vst v4  }
0x3a: {  	[tilespmem:$0x10A0] =	vst v4  }
0x3b: {  	s15 =	simm.s32 $0x0;
	[tilespmem:$0x10B0] =	vst v4  }
0x3c: {  	v6 =	vld.idx.msk [tilespmem:v3+s15+$0x0 ss:$0x1], $0xffff  }
0x3d: {  	v12 =	vld [tilespmem:s15+$0x0]  }
0x3e: {  	v9 =	vld.idx.msk [tilespmem:v0+s15+$0x0 ss:$0x1], $0xffff  }
0x3f: {  	v10 =	vld.idx.msk [tilespmem:v1+s15+$0x0 ss:$0x1], $0xffff  }
0x40: {  	v14 =	vld.idx.msk [tilespmem:v2+s15+$0x0 ss:$0x1], $0xffff  }
0x41: {  	s16 =	simm.s32 $0x10  }
0x42: {  	v5 =	vld.idx.msk [tilespmem:v3+s16+$0x0 ss:$0x1], $0xffff  }
0x43: {  	v7 =	vld [tilespmem:s16+$0x0]  }
0x44: {  	v8 =	vld.idx.msk [tilespmem:v0+s16+$0x0 ss:$0x1], $0xffff;
	v6 =	vmul.f32 v6, v12;
	v11 =	vmul.f32 v9, v12  }
0x45: {  	v9 =	vld.idx.msk [tilespmem:v1+s16+$0x0 ss:$0x1], $0xffff;
	v13 =	vmul.f32 v10, v12;
	v14 =	vmul.f32 v14, v12  }
0x46: {  	s15 =	simm.s32 $0x80;
	v10 =	vld.idx.msk [tilespmem:v2+s16+$0x0 ss:$0x1], $0xffff;
	v12 =	vimm.f32 $0.0e+00;
	v6 =	vadd.f32 v6, v4;
	v11 =	vadd.f32 v11, v4  }
.LBB2_2:
0x47: {  	s16 =	sshra.s32 s15, $0x2;
	p0 =	sne.s32 s15, $0x3FC0;
	s15 =	sadd.s32 $0x40, s15;
	v4 =	vadd.f32 v13, v4  }
.Ltmp0:
0x48: {  	v13 =	vmul.f32 v5, v7;
	v5 =	vld.idx.msk [tilespmem:v3+s16+$0x0 ss:$0x1], $0xffff;
	v12 =	vadd.f32 v14, v12;
	v14 =	vmov v7;
	(pc) =	sbr.rel @p0 .LBB2_2-.Ltmp0, $4  }
0x49: {  	v7 =	vld [tilespmem:s16+$0x0]  }
0x4a: {  	v15 =	vmul.f32 v8, v14;
	v8 =	vld.idx.msk [tilespmem:v0+s16+$0x0 ss:$0x1], $0xffff;
	v6 =	vadd.f32 v13, v6  }
0x4b: {  	v13 =	vmul.f32 v9, v14;
	v9 =	vld.idx.msk [tilespmem:v1+s16+$0x0 ss:$0x1], $0xffff  }
0x4c: {  	v11 =	vadd.f32 v15, v11;
	v14 =	vmul.f32 v10, v14;
	v10 =	vld.idx.msk [tilespmem:v2+s16+$0x0 ss:$0x1], $0xffff  }
0x4d: {  	_ =	sdelay $0x1  }
0x4e: {  	v8 =	vmul.f32 v8, v7;
	_ =	sdelay $0x1  }
0x4f: {  	v4 =	vadd.f32 v13, v4;
	v9 =	vmul.f32 v9, v7;
	v8 =	vadd.f32 v8, v11  }
0x50: {  	v62 =	vadd.f32 v14, v12;
	v10 =	vmul.f32 v10, v7  }
0x51: {  	v5 =	vmul.f32 v5, v7;
	v4 =	vadd.f32 v9, v4;
	(xrf2) =	vadd.scan.msk.f32 $0xffff, v8  }
0x52: {  	v63 =	vadd.f32 v10, v62  }
0x53: {  	v5 =	vadd.f32 v5, v6;
	(xrf2) =	vadd.scan.msk.f32 $0xffff, v4  }
0x54: {  	(xrf2) =	vadd.scan.msk.f32 $0xffff, v63  }
0x55: {  	(xrf2) =	vadd.scan.msk.f32 $0xffff, v5;
	_ =	sdelay $0x5  }
0x56: {  	v4, _, _ =	vpop (xrf2)  }
0x57: {  	(v2sf) =	vpush v4, $0xF  }
0x58: {  	v4, _, _ =	vpop (xrf2)  }
0x59: {  	v5, _, _ =	vpop (xrf2);
	(v2sf) =	vpush v4, $0xF  }
0x5a: {  	(v2sf) =	vpush v5, $0xF;
	v4, _, _ =	vpop (xrf2)  }
0x5b: {  	(v2sf) =	vpush v4, $0xF;
	_ =	sdelay $0xa  }
0x5c: {  	s15 =	spop (v2sf)  }
0x5d: {  	s15 =	smul.f32 s15, s2  }
0x5e: {  	s16 =	spop (v2sf)  }
0x5f: {  	s17 =	spop (v2sf);
	s29 =	smul.f32 s16, s3;
	v4 =	vmov s15  }
0x60: {  	s30 =	smul.f32 s17, s4;
	s31 =	spop (v2sf);
	v5 =	vnsel vm7, $0x0, v4  }
0x61: {  	v4 =	vnsel vm6, $0x0, v4;
	s17 =	smul.f32 s31, s5;
	v5 =	vsel vm5, s29, v5  }
0x62: {  	v4 =	vsel vm4, s29, v4;
	v5 =	vsel vm3, s30, v5  }
0x63: {  	s14 =	sadd.s32 $0x1, s14;
	v4 =	vsel vm2, s30, v4;
	v5 =	vsel vm1, s17, v5  }
0x64: {  	p0 =	sne.s32 s14, s10;
	v4 =	vsel vm0, s17, v4;
	[tilespmem:$0x1100] =	vst v5  }
.Ltmp1:
0x65: {  	[tilespmem:$0x1110] =	vst v4;
	(pc) =	sbr.rel @p0 .LBB2_1-.Ltmp1, $4  }
0x66: {  	[hbm4b:s9+s6] =	stream.linear.scatter [tilespmem:s13], [sflag:$0x1], $0x80, $0x38;
	[tilespmem:$0x1180] =	vst v63  }
0x67: {  	_ =	swait.ge [sflag:s8], $0x80  }
0x68: {  	[sflag:s8] =	ssyncset.done $0x0  }
0x69: {  	[sflag:s8] =	ssyncadd.s32 $0xFFFFFF80  }
0x6a: {  	_ =	sfence.sel $0x180000  }
0x6b: {  	[bflag:$0x0] =	sbarrier.arrive $0xFFFF  }
0x6c: {  	p0 =	sne.s32 s1, $0x0;
	_ =	strace $0x90000047  }
0x6d: {  	s0 =	sadd.s32 @!p0 $0x100000, s0;
	[bflag:$0x2] =	sbarrier.arrive $0xFFFF  }
0x6e: {  	[sflag:s0] =	ssyncadd.tile.s32 @!p0 $0x1;
	_ =	shalt  }
.Lfunc_end2:
_tile_overlayer_lowered:
.L_overlay_start_2:
0x6f: {  	(tag) =	ssettag $0x2  }
0x70: {  	s0 =	rddreg [dreg:$0x0];
	s2 =	stileid.u32  }
0x71: {  	s1 =	rddreg [dreg:$0x1];
	p0 =	sne.s32 s2, $0x0  }
0x72: {  	s3 =	rddreg [dreg:$0x2];
	[bflag:$0x3] =	sbarrier.arrive $0xFFFF;
	s2 =	simm.s32 @!p0 $0x1C01  }
0x73: {  	[timem:s3], [sflag:s2] =	dma.local @!p0 [hbm:s0], s1  }
0x74: {  	s0 =	simm.s32 @!p0 $0x1  }
0x75: {  	_ =	swait.ge @!p0 [sflag:s0], s1  }
0x76: {  	s1 =	ssub.s32 @!p0 $0x0, s1;
	[sflag:s0] =	ssyncset.done @!p0 $0x0  }
0x77: {  	[sflag:s0] =	ssyncadd.s32 @!p0 s1  }
0x78: {  	[bflag:$0x3] =	sbarrier.arrive $0xFFFF  }
0x79: {  	_ =	shalt  }

// kernel: kernel.9.cloned.1.call-start
scs
__scs_entry_jumppad:
0x0: {  	(pc) =	sbr.rel $0x88, $3  }
0x1: {  	(tag) =	ssettag $0x0;
	lr =	simm.s32 $0x1  }
0x2: {  	[smem:$0x3FA0] =	sst lr;
	_ =	strace $0xD0000000  }
0x3: {  	_ = 	snop  }
0x4: {  	_ = 	snop  }
0x5: {  	_ = 	snop  }
0x6: {  	_ = 	snop  }
0x7: {  	_ = 	snop  }
__scs_overlays_trampoline_lowered:
0x8: {  	[smem:$0x3FAF] =	sst s0  }
0x9: {  	[smem:$0x3FB0] =	sst s1  }
0xa: {  	[smem:$0x3FB1] =	sst s2  }
0xb: {  	[smem:$0x3FB2] =	sst s3  }
0xc: {  	[smem:$0x3FB3] =	sst s4  }
0xd: {  	[smem:$0x3FB4] =	sst s5  }
0xe: {  	[smem:$0x3FB5] =	sst s6  }
0xf: {  	[smem:$0x3FB6] =	sst s7  }
0x10: {  	[smem:$0x3FB7] =	sst s8  }
0x11: {  	[smem:$0x3FB8] =	sst s9;
	s0 =	simm.s32 @!p0 $0x0  }
0x12: {  	s1 =	sld [smem:$0x3F9E];
	s0 =	simm.s32 @p0 $0x1  }
0x13: {  	[smem:$0x3FB9] =	sst s0;
	s0 =	simm.s32 @!p1 $0x0  }
0x14: {  	s2 =	sld [smem:$0x3F9D];
	s0 =	simm.s32 @p1 $0x1  }
0x15: {  	[smem:$0x3FBA] =	sst s0;
	s0 =	simm.s32 @!p2 $0x0  }
0x16: {  	s3 =	sld [smem:$0x3FDB];
	s0 =	simm.s32 @p2 $0x1  }
0x17: {  	s4 =	simm.s32 $0x1BF5;
	[smem:$0x3FBC] =	sst s0  }
0x18: {  	s0 =	sld [smem:$0x3F9F];
	_ =	swait.ge [sflag:s4], $0x0  }
0x19: {  	s7 =	sld [smem:$0x3FA0]  }
0x1a: {  	s8 =	sadd.s32 $0xFFFFE003, lr  }
0x1b: {  	s9 =	sadd.s32 $0xFFFFFEF7, lr;
	s5 =	simm.s32 $0xFFFFFFFF;
	p2 =	slt.u32 s8, $0xFFFFF086  }
0x1c: {  	p1 =	slt.u32 s9, $0xF7A;
	s5 =	simm.s32 @!p2 $0x0  }
0x1d: {  	s5 =	simm.s32 @p1 $0x1;
	p0 =	seq.s32 s7, s2  }
0x1e: {  	s7 =	smul.u32 @!p0 $0xF7A, s2;
	p2 =	seq.s32 @!p0 s5, $0x0  }
0x1f: {  	s9 =	smul.u32 $0xF7A, s1;
	s8 =	simm.s32 @!p0 $0x1BF5;
	p2 =	por !p2, p0  }
0x20: {  	[sflag:s8] =	ssyncset.s32 @!p0 $0xFFFFF086;
	s6 =	sadd.s32 @!p0 s3, s7;
	s7 =	simm.s32 @!p0 $0x108  }
0x21: {  	s3 =	sadd.s32 s3, s9;
	s6 =	sadd.s32 @!p0 $0x88, s6;
	s7 =	simm.s32 @p2 $0x1082  }
0x22: {  	[simem:s7], [sflag:s8] =	dma.local @!p0 [hbm:s6], $0xF7A  }
0x23: {  	s9 =	sor.u32 $0xD0000000, s2;
	s6 =	simm.s32 $0x108;
	_ =	swait.ge @!p0 [sflag:s8], $0x0  }
0x24: {  	s3 =	sadd.s32 $0x88, s3;
	s6 =	simm.s32 @!p1 $0x1082;
	[sflag:s4] =	ssyncset.s32 $0xFFFFF086  }
0x25: {  	[simem:s6], [sflag:s4] =	dma.local [hbm:s3], $0xF7A  }
0x26: {  	[smem:$0x3FA0] =	sst s1;
	(tag) =	ssettag s2;
	_ =	strace s9  }
0x27: {  	s1 =	sld [smem:$0x3FB0]  }
0x28: {  	s2 =	sld [smem:$0x3FB1]  }
0x29: {  	s4 =	sld [smem:$0x3FB3]  }
0x2a: {  	p0 =	seq.s32 s5, $0x0;
	s5 =	sld [smem:$0x3FB4]  }
0x2b: {  	s6 =	sld [smem:$0x3FB5]  }
0x2c: {  	s7 =	sld [smem:$0x3FB6]  }
0x2d: {  	s3 =	simm.s32 $0x108;
	s8 =	sld [smem:$0x3FB7]  }
0x2e: {  	s3 =	simm.s32 @!p0 $0x1082;
	s9 =	sld [smem:$0x3FB8]  }
0x2f: {  	lr =	sadd.s32 s0, s3;
	s0 =	sld [smem:$0x3FAF]  }
0x30: {  	s3 =	sld [smem:$0x3FB2]  }
0x31: {  	[smem:$0x3FBB] =	sst s10  }
0x32: {  	s10 =	sld [smem:$0x3FB9];
	_ =	sdelay $0x3  }
0x33: {  	p0 =	seq.s32 s10, $0x1;
	s10 =	sld [smem:$0x3FBB];
	_ =	sdelay $0x3  }
0x34: {  	[smem:$0x3FBB] =	sst s10  }
0x35: {  	s10 =	sld [smem:$0x3FBA];
	_ =	sdelay $0x3  }
0x36: {  	p1 =	seq.s32 s10, $0x1;
	s10 =	sld [smem:$0x3FBB];
	_ =	sdelay $0x3  }
0x37: {  	[smem:$0x3FBB] =	sst s10  }
0x38: {  	s10 =	sld [smem:$0x3FBC]  }
0x39: {  	_ = 	snop;
	(pc) =	sbr.ind lr, $3  }
0x3a: {  	_ = 	snop  }
0x3b: {  	_ = 	snop  }
0x3c: {  	p2 =	seq.s32 s10, $0x1;
	s10 =	sld [smem:$0x3FBB]  }
0x3d: {  	_ =	shalt  }
0x3e: {  	_ =	shalt  }
0x3f: {  	_ =	shalt  }
0x40: {  	_ =	shalt  }
0x41: {  	_ =	shalt  }
0x42: {  	_ =	shalt  }
0x43: {  	_ =	shalt  }
0x44: {  	_ =	shalt  }
0x45: {  	_ =	shalt  }
0x46: {  	_ =	shalt  }
0x47: {  	_ =	shalt  }
0x48: {  	_ =	shalt  }
0x49: {  	_ =	shalt  }
0x4a: {  	_ =	shalt  }
0x4b: {  	_ =	shalt  }
0x4c: {  	_ =	shalt  }
0x4d: {  	_ =	shalt  }
0x4e: {  	_ =	shalt  }
0x4f: {  	_ =	shalt  }
0x50: {  	_ =	shalt  }
0x51: {  	_ =	shalt  }
0x52: {  	_ =	shalt  }
0x53: {  	_ =	shalt  }
0x54: {  	_ =	shalt  }
0x55: {  	_ =	shalt  }
0x56: {  	_ =	shalt  }
0x57: {  	_ =	shalt  }
0x58: {  	_ =	shalt  }
0x59: {  	_ =	shalt  }
0x5a: {  	_ =	shalt  }
0x5b: {  	_ =	shalt  }
0x5c: {  	_ =	shalt  }
0x5d: {  	_ =	shalt  }
0x5e: {  	_ =	shalt  }
0x5f: {  	_ =	shalt  }
0x60: {  	_ =	shalt  }
0x61: {  	_ =	shalt  }
0x62: {  	_ =	shalt  }
0x63: {  	_ =	shalt  }
0x64: {  	_ =	shalt  }
0x65: {  	_ =	shalt  }
0x66: {  	_ =	shalt  }
0x67: {  	_ =	shalt  }
0x68: {  	_ =	shalt  }
0x69: {  	_ =	shalt  }
0x6a: {  	_ =	shalt  }
0x6b: {  	_ =	shalt  }
0x6c: {  	_ =	shalt  }
0x6d: {  	_ =	shalt  }
0x6e: {  	_ =	shalt  }
0x6f: {  	_ =	shalt  }
0x70: {  	_ =	shalt  }
0x71: {  	_ =	shalt  }
0x72: {  	_ =	shalt  }
0x73: {  	_ =	shalt  }
0x74: {  	_ =	shalt  }
0x75: {  	_ =	shalt  }
0x76: {  	_ =	shalt  }
0x77: {  	_ =	shalt  }
0x78: {  	_ =	shalt  }
0x79: {  	_ =	shalt  }
0x7a: {  	_ =	shalt  }
0x7b: {  	_ =	shalt  }
0x7c: {  	_ =	shalt  }
0x7d: {  	_ =	shalt  }
0x7e: {  	_ =	shalt  }
0x7f: {  	_ =	shalt  }
0x80: {  	_ =	shalt  }
0x81: {  	_ =	shalt  }
0x82: {  	_ =	shalt  }
0x83: {  	_ =	shalt  }
0x84: {  	_ =	shalt  }
0x85: {  	_ =	shalt  }
0x86: {  	_ =	shalt  }
0x87: {  	_ =	shalt  }
.Lfunc_end0:
.L_simem_size_0:
called_computation.1_lowered:
.L_overlay_start_0:
0x88: {  	s2 =	sld [smem:$0x3FD9]  }
0x89: {  	s3 =	sld [smem:$0x3FFE];
	_ =	sdelay $0x1  }
0x8a: {  	s1 =	srdreg.scid  }
0x8b: {  	s0 =	sand.u32 $0x1, s1  }
0x8c: {  	s17 =	sshll.u32 s0, $0xA;
	s2 =	sadd.s32 s3, s2  }
0x8d: {  	s2 =	sadd.s32 s2, s17  }
0x8e: {  	[smem:$0x3FC7] =	sst s2  }
0x8f: {  	_ = 	snop  }
0x90: {  	s2 =	sld [smem:$0x3FD0];
	(tm) =	ssettm $0x1  }
0x91: {  	s18 =	sld [smem:$0x3FFB];
	_ =	sdelay $0x3  }
0x92: {  	_ =	strace s18  }
0x93: {  	s3 =	sld [smem:$0x3FFC];
	_ =	sdelay $0x3  }
0x94: {  	_ =	strace s3  }
0x95: {  	s3 =	sld [smem:$0x3FFD];
	_ =	sdelay $0x3  }
0x96: {  	_ =	strace s3  }
0x97: {  	_ =	strace $0x8FFFFFFF  }
0x98: {  	s19 =	sld [smem:$0x3FDB];
	_ =	sdelay $0x1  }
0x99: {  	s4 =	simm.s32 $_scs_section_size  }
0x9a: {  	s5 =	simm.s32 $_size__tile_overlayer_lowered;
	s6 =	simm.s32 $_tile_overlayer_lowered  }
0x9b: {  	s22 =	simm.s32 $0x1BFF;
	s21 =	sshll.u32 s6, $0x1;
	s3 =	sadd.s32 s4, s19  }
0x9c: {  	s7 =	simm.s32 $0x0;
	s20 =	sshll.u32 s5, $0x1;
	s5 =	sadd.s32 s21, s3  }
0x9d: {  	[timem:s7], [sflag:s22] =	dma.local [hbm:s5], s20  }
0x9e: {  	_ =	swait.ge [sflag:s22], s20  }
0x9f: {  	s4 =	ssub.s32 $0x0, s20;
	[sflag:s22] =	ssyncset.done $0x0  }
0xa0: {  	[sflag:s22] =	ssyncadd.s32 s4;
	_ =	sdelay $0x1  }
0xa1: {  	s23 =	simm.s32 $0x1B8B  }
0xa2: {  	_ =	swait.ge [sflag:s23], $0x1  }
0xa3: {  	[sflag:s23] =	ssyncset.done $0x0  }
0xa4: {  	s25 =	simm.s32 $0x1B8E;
	s24 =	sld [smem:$0x3FFE];
	[sflag:s23] =	ssyncadd.s32 $0xFFFFFFFF  }
0xa5: {  	s26 =	simm.s32 $execute0_lowered;
	[smem:$0x3FD2] =	sst s25  }
0xa6: {  	s5 =	sshll.u32 s26, $0x1;
	_ =	strace $0x80000049;
	[dreg:$0x1] =	wrdreg $0xFFFFFFFF  }
0xa7: {  	s28 =	simm.s32 $_size_execute0_lowered;
	s3 =	sadd.s32 s3, s5;
	[dreg:$0x0] =	wrdreg $0x0  }
0xa8: {  	s5 =	sshll.u32 s28, $0x1;
	[dreg:$0x2] =	wrdreg s3  }
0xa9: {  	[dreg:$0x3] =	wrdreg s5  }
0xaa: {  	[dreg:$0x4] =	wrdreg $0xC0  }
0xab: {  	_ =	task [dreg:s7], $0x5FFFF  }
0xac: {  	[dreg:$0x1] =	wrdreg $0xFFFFFFFF  }
0xad: {  	[dreg:$0x0] =	wrdreg $0x60  }
0xae: {  	[dreg:$0x2] =	wrdreg s24  }
0xaf: {  	[dreg:$0x3] =	wrdreg s2  }
0xb0: {  	[dreg:$0x4] =	wrdreg $0x9  }
0xb1: {  	_ =	task.clear_ibuf [dreg:s7], $0x5FFFF;
	_ =	strace $0x90000049  }
0xb2: {  	s29 =	simm.s32 $0x9;
	_ =	strace $0x8000004B  }
0xb3: {  	_ =	swait.ge [sflag:s29], $0x1  }
0xb4: {  	[sflag:s29] =	ssyncadd.s32 $0xFFFFFFFF  }
0xb5: {  	_ =	strace $0x9000004B  }
0xb6: {  	_ =	sfence  }
0xb7: {  	s30 =	sld [smem:$0x0];
	_ =	sdelay $0x2  }
0xb8: {  	s31 =	sshll.u32 s1, $0xD;
	s1 =	sshrl.u32 s1, $0x2  }
0xb9: {  	s3 =	sand.u32 $0x4000, s31;
	s1 =	sadd.s32 s1, s30  }
0xba: {  	s0 =	sor.u32 s3, s0;
	s1 =	sshll.u32 s1, $0x11  }
0xbb: {  	s0 =	sor.u32 s1, s0  }
0xbc: {  	s0 =	sadd.s32 $0x8F2B, s0  }
0xbd: {  	[sflag:s0] =	ssyncadd.remote.s32 $0x1  }
0xbe: {  	_ =	sfence.sel $0xFFFF  }
0xbf: {  	[dreg:$0x0] =	wrdreg $0xFFFFFFFF;
	(pc) =	sbr.abs _section_cstart, $3  }
0xc0: {  	[dreg:$0x1] =	wrdreg $0xFFFFFFFF  }
0xc1: {  	_ =	task.clear_ibuf [dreg:s7], $0x2FFFF;
	_ =	strace $0x9FFFFFFF  }
0xc2: {  	(tm) =	ssettm $0x7FFFFFFF  }
0xc3: {  	_ =	shalt  }
tec
execute0_lowered:
.L_overlay_start_1:
0x0: {  	(tag) =	ssettag $0x1  }
0x1: {  	s1 =	stileid.u32  }
0x2: {  	p0 =	sgt.u32 s1, $0x1  }
.Ltmp0:
0x3: {  	_ = 	snop;
	(pc) =	sbr.rel @p0 .LBB2_3-.Ltmp0, $4  }
0x4: {  	s4 =	rddreg [dreg:$0x0]  }
0x5: {  	s3 =	rddreg [dreg:$0x1];
	s2 =	simm.s32 $0x0  }
0x6: {  	[smem:$0x7FF] =	sst s2  }
0x7: {  	s0 =	rddreg [dreg:$0x2];
	_ =	strace $0x8000004A  }
0x8: {  	s5 =	srdreg.scid  }
0x9: {  	s6 =	sshll.u32 s1, $0x1;
	s5 =	sand.u32 $0x1, s5  }
0xa: {  	s4 =	sadd.s32 $0xA00, s4;
	s31 =	simm.s32 $0x400;
	s6 =	sor.u32 s5, s6  }
0xb: {  	[dreg:$0x5] =	wrdreg s31;
	s5 =	ssub.s32 $0x2, s5;
	s7 =	sshll.u32 s6, $0x4  }
0xc: {  	s6 =	sshll.u32 s6, $0x7;
	s30 =	sshrl.u32 s5, $0x1;
	s3 =	sadd.s32 s3, s7  }
0xd: {  	v0 =	vlaneseq.u32;
	s4 =	sadd.s32 s4, s6;
	[dreg:$0x4] =	wrdreg s3;
	s3 =	ssub.s32 s5, s30  }
0xe: {  	v1 =	vor.u32 $0x80000000, v0;
	v2 =	vor.u32 $0x80000010, v0;
	v3 =	vor.u32 $0x10, v0;
	[dreg:$0x3] =	wrdreg s4;
	s4 =	simm.s32 $0x1;
	s3 =	smax.u32 s3, $0x1  }
.LBB2_2:
0xf: {  	s5 =	rddreg [dreg:$0x3]  }
0x10: {  	[tilespmem:s2], [sflag:$0x1] =	stream.linear.gather [hbm4b:s5+s2], $0x400, $0x38;
	[tilespmem:$0x480] =	vst v63  }
0x11: {  	_ =	swait.ge [sflag:s4], $0x400  }
0x12: {  	[sflag:s4] =	ssyncset.done $0x0  }
0x13: {  	[sflag:s4] =	ssyncadd.s32 $0xFFFFFC00  }
0x14: {  	v4 =	vld [tilespmem:$0x0]  }
0x15: {  	v5 =	vld [tilespmem:$0x10]  }
0x16: {  	v6 =	vld [tilespmem:$0x80]  }
0x17: {  	v7 =	vld [tilespmem:$0x90]  }
0x18: {  	v8 =	vld [tilespmem:$0x100]  }
0x19: {  	v9 =	vld [tilespmem:$0x110];
	v4 =	vadd.f32 $0.0e+00, v4  }
0x1a: {  	v10 =	vld [tilespmem:$0x180];
	v5 =	vadd.f32 $0.0e+00, v5  }
0x1b: {  	v23 =	vld [tilespmem:$0x190];
	v4 =	vadd.f32 v6, v4  }
0x1c: {  	v24 =	vld [tilespmem:$0x200];
	v5 =	vadd.f32 v7, v5  }
0x1d: {  	v25 =	vld [tilespmem:$0x210];
	v4 =	vadd.f32 v8, v4  }
0x1e: {  	v26 =	vld [tilespmem:$0x280];
	v5 =	vadd.f32 v9, v5  }
0x1f: {  	v27 =	vld [tilespmem:$0x290];
	v4 =	vadd.f32 v10, v4  }
0x20: {  	v28 =	vld [tilespmem:$0x300];
	v5 =	vadd.f32 v23, v5  }
0x21: {  	v29 =	vld [tilespmem:$0x310];
	v4 =	vadd.f32 v24, v4  }
0x22: {  	v30 =	vld [tilespmem:$0x380];
	v5 =	vadd.f32 v25, v5  }
0x23: {  	v31 =	vld [tilespmem:$0x390];
	v4 =	vadd.f32 v26, v4  }
0x24: {  	v5 =	vadd.f32 v27, v5  }
0x25: {  	v4 =	vadd.f32 v28, v4  }
0x26: {  	v5 =	vadd.f32 v29, v5  }
0x27: {  	v4 =	vadd.f32 v30, v4  }
0x28: {  	v5 =	vadd.f32 v31, v5  }
0x29: {  	(xrf0) =	vmax.scan.msk.f32 $0xffff, v4  }
0x2a: {  	(xrf0) =	vmax.scan.msk.f32 $0xffff, v5;
	_ =	sdelay $0x4  }
0x2b: {  	v32, _, _ =	vpop (xrf0)  }
0x2c: {  	(v2sf) =	vpush v32, $0xF;
	v33, _, _ =	vpop (xrf0)  }
0x2d: {  	(v2sf) =	vpush v33, $0xF;
	_ =	sdelay $0xd  }
0x2e: {  	s14 =	spop (v2sf)  }
0x2f: {  	s6 =	spop (v2sf)  }
0x30: {  	s5 =	smax.f32 s14, s6  }
0x31: {  	vm0 =	veq.f32 v4, s5  }
0x32: {  	vm12 =	veq.f32 v5, s5;
	v34 =	vnsel vm0, $0x80000063, v1  }
0x33: {  	v35 =	vnsel vm12, $0x80000063, v2;
	(xrf0) =	vmin.scan.msk.u32 $0xffff, v34  }
0x34: {  	(xrf0) =	vmin.scan.msk.u32 $0xffff, v35;
	_ =	sdelay $0x4  }
0x35: {  	v36, _, _ =	vpop (xrf0)  }
0x36: {  	(v2sf) =	vpush v36, $0xF;
	v37, _, _ =	vpop (xrf0)  }
0x37: {  	(v2sf) =	vpush v37, $0xF;
	_ =	sdelay $0xd  }
0x38: {  	s15 =	spop (v2sf)  }
0x39: {  	s7 =	spop (v2sf)  }
0x3a: {  	s6 =	sxor.u32 $0x80000000, s15;
	s7 =	sxor.u32 $0x80000000, s7  }
0x3b: {  	p0 =	slt.s32 s6, s7  }
0x3c: {  	s7 =	smov.u32 @p0 s6  }
0x3d: {  	v38 =	vmov s7  }
0x3e: {  	vm0 =	veq.s32 v38, v0  }
0x3f: {  	vm1 =	veq.s32 v38, v3;
	v4 =	vsel vm0, $0xFF61B1E6, v4  }
0x40: {  	v5 =	vsel vm1, $0xFF61B1E6, v5;
	(xrf0) =	vmax.scan.msk.f32 $0xffff, v4  }
0x41: {  	(xrf0) =	vmax.scan.msk.f32 $0xffff, v5;
	_ =	sdelay $0x4  }
0x42: {  	v39, _, _ =	vpop (xrf0)  }
0x43: {  	(v2sf) =	vpush v39, $0xF;
	v40, _, _ =	vpop (xrf0)  }
0x44: {  	(v2sf) =	vpush v40, $0xF;
	_ =	sdelay $0xd  }
0x45: {  	s16 =	spop (v2sf)  }
0x46: {  	s17 =	spop (v2sf)  }
0x47: {  	s6 =	smax.f32 s16, s17  }
0x48: {  	vm2 =	veq.f32 v4, s6  }
0x49: {  	vm13 =	veq.f32 v5, s6;
	v41 =	vnsel vm2, $0x80000063, v1  }
0x4a: {  	v42 =	vnsel vm13, $0x80000063, v2;
	(xrf0) =	vmin.scan.msk.u32 $0xffff, v41  }
0x4b: {  	(xrf0) =	vmin.scan.msk.u32 $0xffff, v42;
	_ =	sdelay $0x4  }
0x4c: {  	v43, _, _ =	vpop (xrf0)  }
0x4d: {  	(v2sf) =	vpush v43, $0xF;
	v44, _, _ =	vpop (xrf0)  }
0x4e: {  	(v2sf) =	vpush v44, $0xF;
	_ =	sdelay $0xd  }
0x4f: {  	s18 =	spop (v2sf)  }
0x50: {  	s8 =	spop (v2sf)  }
0x51: {  	s7 =	sxor.u32 $0x80000000, s18;
	s8 =	sxor.u32 $0x80000000, s8  }
0x52: {  	p0 =	slt.s32 s7, s8  }
0x53: {  	s8 =	smov.u32 @p0 s7  }
0x54: {  	v45 =	vmov s8  }
0x55: {  	vm2 =	veq.s32 v45, v0  }
0x56: {  	vm3 =	veq.s32 v45, v3;
	v4 =	vsel vm2, $0xFF61B1E6, v4  }
0x57: {  	v5 =	vsel vm3, $0xFF61B1E6, v5;
	(xrf0) =	vmax.scan.msk.f32 $0xffff, v4  }
0x58: {  	(xrf0) =	vmax.scan.msk.f32 $0xffff, v5;
	_ =	sdelay $0x4  }
0x59: {  	v46, _, _ =	vpop (xrf0)  }
0x5a: {  	(v2sf) =	vpush v46, $0xF;
	v47, _, _ =	vpop (xrf0)  }
0x5b: {  	(v2sf) =	vpush v47, $0xF;
	_ =	sdelay $0xd  }
0x5c: {  	s19 =	spop (v2sf)  }
0x5d: {  	s20 =	spop (v2sf)  }
0x5e: {  	s7 =	smax.f32 s19, s20  }
0x5f: {  	vm4 =	veq.f32 v4, s7  }
0x60: {  	vm14 =	veq.f32 v5, s7;
	v48 =	vnsel vm4, $0x80000063, v1  }
0x61: {  	v49 =	vnsel vm14, $0x80000063, v2;
	(xrf0) =	vmin.scan.msk.u32 $0xffff, v48  }
0x62: {  	(xrf0) =	vmin.scan.msk.u32 $0xffff, v49;
	_ =	sdelay $0x4  }
0x63: {  	v50, _, _ =	vpop (xrf0)  }
0x64: {  	(v2sf) =	vpush v50, $0xF;
	v51, _, _ =	vpop (xrf0)  }
0x65: {  	(v2sf) =	vpush v51, $0xF;
	_ =	sdelay $0xd  }
0x66: {  	s21 =	spop (v2sf)  }
0x67: {  	s9 =	spop (v2sf)  }
0x68: {  	s8 =	sxor.u32 $0x80000000, s21;
	s9 =	sxor.u32 $0x80000000, s9  }
0x69: {  	p0 =	slt.s32 s8, s9  }
0x6a: {  	s9 =	smov.u32 @p0 s8  }
0x6b: {  	v52 =	vmov s9  }
0x6c: {  	vm15 =	veq.s32 v52, v0  }
0x6d: {  	vm5 =	veq.s32 v52, v3;
	v4 =	vsel vm15, $0xFF61B1E6, v4  }
0x6e: {  	v5 =	vsel vm5, $0xFF61B1E6, v5;
	(xrf0) =	vmax.scan.msk.f32 $0xffff, v4  }
0x6f: {  	(xrf0) =	vmax.scan.msk.f32 $0xffff, v5;
	_ =	sdelay $0x4  }
0x70: {  	v53, _, _ =	vpop (xrf0)  }
0x71: {  	(v2sf) =	vpush v53, $0xF;
	v54, _, _ =	vpop (xrf0)  }
0x72: {  	(v2sf) =	vpush v54, $0xF;
	_ =	sdelay $0xd  }
0x73: {  	s22 =	spop (v2sf)  }
0x74: {  	s23 =	spop (v2sf)  }
0x75: {  	s8 =	smax.f32 s22, s23  }
0x76: {  	vm6 =	veq.f32 v4, s8  }
0x77: {  	vm11 =	veq.f32 v5, s8;
	v55 =	vnsel vm6, $0x80000063, v1  }
0x78: {  	v56 =	vnsel vm11, $0x80000063, v2;
	(xrf0) =	vmin.scan.msk.u32 $0xffff, v55  }
0x79: {  	(xrf0) =	vmin.scan.msk.u32 $0xffff, v56;
	_ =	sdelay $0x4  }
0x7a: {  	v57, _, _ =	vpop (xrf0)  }
0x7b: {  	(v2sf) =	vpush v57, $0xF;
	v58, _, _ =	vpop (xrf0)  }
0x7c: {  	(v2sf) =	vpush v58, $0xF;
	_ =	sdelay $0xd  }
0x7d: {  	s24 =	spop (v2sf)  }
0x7e: {  	s10 =	spop (v2sf)  }
0x7f: {  	s9 =	sxor.u32 $0x80000000, s24;
	s10 =	sxor.u32 $0x80000000, s10  }
0x80: {  	p0 =	slt.s32 s9, s10  }
0x81: {  	s10 =	smov.u32 @p0 s9  }
0x82: {  	v59 =	vmov s10  }
0x83: {  	vm12 =	veq.s32 v59, v0  }
0x84: {  	vm7 =	veq.s32 v59, v3;
	v4 =	vsel vm12, $0xFF61B1E6, v4  }
0x85: {  	v5 =	vsel vm7, $0xFF61B1E6, v5;
	(xrf0) =	vmax.scan.msk.f32 $0xffff, v4  }
0x86: {  	(xrf0) =	vmax.scan.msk.f32 $0xffff, v5;
	_ =	sdelay $0x4  }
0x87: {  	v60, _, _ =	vpop (xrf0)  }
0x88: {  	(v2sf) =	vpush v60, $0xF;
	v61, _, _ =	vpop (xrf0)  }
0x89: {  	(v2sf) =	vpush v61, $0xF;
	_ =	sdelay $0xd  }
0x8a: {  	s25 =	spop (v2sf)  }
0x8b: {  	s26 =	spop (v2sf)  }
0x8c: {  	s9 =	smax.f32 s25, s26  }
0x8d: {  	vm8 =	veq.f32 v4, s9  }
0x8e: {  	vm13 =	veq.f32 v5, s9;
	v4 =	vnsel vm8, $0x80000063, v1  }
0x8f: {  	(xrf0) =	vmin.scan.msk.u32 $0xffff, v4;
	v4 =	vnsel vm13, $0x80000063, v2  }
0x90: {  	(xrf0) =	vmin.scan.msk.u32 $0xffff, v4;
	_ =	sdelay $0x4  }
0x91: {  	v4, _, _ =	vpop (xrf0)  }
0x92: {  	(v2sf) =	vpush v4, $0xF;
	v4, _, _ =	vpop (xrf0)  }
0x93: {  	(v2sf) =	vpush v4, $0xF  }
0x94: {  	s28 =	sadd.f32 s6, s5;
	_ =	sdelay $0x1  }
0x95: {  	s10 =	sadd.f32 s7, s28;
	_ =	sdelay $0x1  }
0x96: {  	s10 =	sadd.f32 s8, s10;
	_ =	sdelay $0x1  }
0x97: {  	s10 =	sadd.f32 s9, s10;
	_ =	sdelay $0x1  }
0x98: {  	s10 =	sadd.f32 $9.999999970e-07, s10;
	_ =	sdelay $0x1  }
0x99: {  	v4 =	vmov s10  }
0x9a: {  	(erf) = vrcp.f32 v4;
	_ =	sdelay $0x1  }
0x9b: {  	s29 =	spop (v2sf)  }
0x9c: {  	s11 =	spop (v2sf)  }
0x9d: {  	v4 =	vmov s5;
	s5 =	sxor.u32 $0x80000000, s29;
	s10 =	sxor.u32 $0x80000000, s11  }
0x9e: {  	v5 =	vnsel vm0, $0x0, v4;
	p0 =	slt.s32 s5, s10  }
0x9f: {  	v4 =	vnsel vm1, $0x0, v4;
	v5 =	vsel vm2, s6, v5;
	s10 =	smov.u32 @p0 s5  }
0xa0: {  	v4 =	vsel vm3, s6, v4;
	v5 =	vsel vm15, s7, v5;
	v62 =	vmov s10  }
0xa1: {  	v4 =	vsel vm5, s7, v4;
	v5 =	vsel vm12, s8, v5;
	vm14 =	veq.s32 v62, v0  }
0xa2: {  	v4 =	vsel vm7, s8, v4;
	v63 =	vpop (erf);
	vm15 =	veq.s32 v62, v3;
	v5 =	vsel vm14, s9, v5  }
0xa3: {  	v4 =	vsel vm15, s9, v4;
	v5 =	vmul.f32 v5, v63  }
0xa4: {  	v4 =	vmul.f32 v4, v63  }
0xa5: {  	s30 =	rddreg [dreg:$0x4];
	p0 =	sne.s32 s3, $0x1;
	[tilespmem:$0x400] =	vst v5  }
.Ltmp1:
0xa6: {  	s31 =	rddreg [dreg:$0x5];
	[tilespmem:$0x410] =	vst v4;
	(pc) =	sbr.rel @p0 .LBB2_2-.Ltmp1, $4  }
0xa7: {  	[hbm4b:s30+s2] =	stream.linear.scatter [tilespmem:s31], [sflag:$0x1], $0x80, $0x38;
	[tilespmem:$0x480] =	vst v63  }
0xa8: {  	_ =	swait.ge [sflag:s4], $0x80  }
0xa9: {  	[sflag:s4] =	ssyncset.done $0x0  }
0xaa: {  	s3 =	sadd.s32 $0xFFFFFFFF, s3;
	[sflag:s4] =	ssyncadd.s32 $0xFFFFFF80  }
.LBB2_3:
0xab: {  	_ =	sfence.sel $0x180000  }
0xac: {  	[bflag:$0x0] =	sbarrier.arrive $0xFFFF  }
0xad: {  	p0 =	sne.s32 s1, $0x0;
	_ =	strace $0x9000004A  }
0xae: {  	s0 =	sadd.s32 @!p0 $0x100000, s0;
	[bflag:$0x2] =	sbarrier.arrive $0xFFFF  }
0xaf: {  	[sflag:s0] =	ssyncadd.tile.s32 @!p0 $0x1;
	_ =	shalt  }
.Lfunc_end2:
_tile_overlayer_lowered:
.L_overlay_start_2:
0xb0: {  	(tag) =	ssettag $0x2  }
0xb1: {  	s0 =	rddreg [dreg:$0x0];
	s2 =	stileid.u32  }
0xb2: {  	s1 =	rddreg [dreg:$0x1];
	p0 =	sne.s32 s2, $0x0  }
0xb3: {  	s3 =	rddreg [dreg:$0x2];
	[bflag:$0x3] =	sbarrier.arrive $0xFFFF;
	s2 =	simm.s32 @!p0 $0x1C01  }
0xb4: {  	[timem:s3], [sflag:s2] =	dma.local @!p0 [hbm:s0], s1  }
0xb5: {  	s0 =	simm.s32 @!p0 $0x1  }
0xb6: {  	_ =	swait.ge @!p0 [sflag:s0], s1  }
0xb7: {  	s1 =	ssub.s32 @!p0 $0x0, s1;
	[sflag:s0] =	ssyncset.done @!p0 $0x0  }
0xb8: {  	[sflag:s0] =	ssyncadd.s32 @!p0 s1  }
0xb9: {  	[bflag:$0x3] =	sbarrier.arrive $0xFFFF  }
0xba: {  	_ =	shalt  }

</sc_bundles>
